<compile_context>
chip_gen: v7x
topology: tpu7x:2x2x1
jax: 0.10.2.dev20260603
libtpu: 0.0.44.dev20260713+nightly
codegen_flags: <defaults>
</compile_context>

<pallas_src>
import functools

import jax
import jax.numpy as jnp
from jax import lax
from jax.experimental import pallas as pl
from jax.experimental.pallas import tpu as pltpu
from jax.experimental.pallas import tpu_sc as plsc

_NC = 2
_NS = 16
_LANES = 16
_NW = _NC * _NS

_SC_FRAC_NUM = 3
_SC_FRAC_DEN = 4

_BB = 1024


def _gcd(a, b):
    while b:
        a, b = b, a % b
    return a


def _sc_pool_kernel(L, V, D, b_per_w, ctx_ref, table_ref, out_ref,
                    ctx_v, table_v, pooled_v):
    wid = lax.axis_index("s") * _NC + lax.axis_index("c")
    nchunks = D // _LANES

    pltpu.sync_copy(ctx_ref.at[pl.ds(wid * (b_per_w * L), b_per_w * L)],
                    ctx_v)
    pltpu.sync_copy(table_ref, table_v)

    zeros = jnp.zeros((_LANES,), jnp.float32)
    for c in range(nchunks):
        table_v[pl.ds(c * _LANES, _LANES)] = zeros

    inv_l = jnp.float32(1.0 / L)

    blk = _LANES // _gcd(L, _LANES)
    nvec = blk * L // _LANES

    def block_body(q, _):
        w0 = q * (blk * L)
        ivecs = [ctx_v[pl.ds(w0 + k * _LANES, _LANES)] for k in range(nvec)]
        for j in range(blk):
            acc = [zeros] * nchunks
            for l in range(L):
                w = j * L + l
                r = ivecs[w // _LANES][w % _LANES]
                rb = r * D
                for c in range(nchunks):
                    acc[c] = acc[c] + table_v[pl.ds(rb + c * _LANES, _LANES)]
            sb = (q * blk + j) * D
            for c in range(nchunks):
                pooled_v[pl.ds(sb + c * _LANES, _LANES)] = acc[c] * inv_l
        return _

    lax.fori_loop(0, b_per_w // blk, block_body, None)

    pltpu.sync_copy(pooled_v, out_ref.at[pl.ds(wid * (b_per_w * D),
                                               b_per_w * D)])


def _sc_pool(ctx_flat, table_flat, Bh, L, V, D):
    b_per_w = Bh // _NW
    mesh = plsc.VectorSubcoreMesh(core_axis_name="c", subcore_axis_name="s",
                                  num_cores=_NC)
    body = functools.partial(_sc_pool_kernel, L, V, D, b_per_w)
    return pl.kernel(
        body,
        out_type=jax.ShapeDtypeStruct((Bh * D,), jnp.float32),
        mesh=mesh,
        scratch_types=[
            pltpu.VMEM((b_per_w * L,), jnp.int32),
            pltpu.VMEM((V * D,), jnp.float32),
            pltpu.VMEM((b_per_w * D,), jnp.float32),
        ],
        compiler_params=pltpu.CompilerParams(needs_layout_passes=False),
    )(ctx_flat, table_flat)


def _tc_counts_kernel(L, V, inv_l, ctx_ref, table_ref, w_ref, b_ref,
                      out_ref):
    tz = table_ref[...]
    row = lax.broadcasted_iota(jnp.int32, tz.shape, 0)
    tz = jnp.where(row == 0, 0.0, tz)
    m = lax.dot_general(tz, w_ref[...], (((1,), (1,)), ((), ())),
                        preferred_element_type=jnp.float32)
    ctx = ctx_ref[...]
    vocab = lax.broadcasted_iota(jnp.int32, (1, V), 1)
    cnt = jnp.zeros((ctx.shape[0], V), jnp.float32)
    for l in range(L):
        cnt = cnt + (ctx[:, l:l + 1] == vocab).astype(jnp.float32)
    out_ref[...] = lax.dot_general(
        cnt, m, (((1,), (0,)), ((), ())),
        preferred_element_type=jnp.float32) * inv_l + b_ref[...]


def _tc_counts(ctx2, table, W, b2d, B, Bh, L, V, D):
    n2 = (B - Bh) // _BB
    hs = Bh // _BB
    body = functools.partial(_tc_counts_kernel, L, V, float(1.0 / L))
    return pl.pallas_call(
        body,
        grid=(n2,),
        in_specs=[
            pl.BlockSpec((_BB, L), lambda i: (i, 0)),
            pl.BlockSpec((V, D), lambda i: (0, 0)),
            pl.BlockSpec((V, D), lambda i: (0, 0)),
            pl.BlockSpec((1, V), lambda i: (0, 0)),
        ],
        out_specs=pl.BlockSpec((_BB, V), lambda i: (hs + i, 0)),
        out_shape=jax.ShapeDtypeStruct((B, V), jnp.float32),
    )(ctx2, table, W, b2d)


def _tc_proj_kernel(x_ref, w_ref, b_ref, dummy_ref, out_ref):
    del dummy_ref
    out_ref[...] = lax.dot_general(
        x_ref[...], w_ref[...],
        (((1,), (1,)), ((), ())),
        preferred_element_type=jnp.float32,
    ) + b_ref[...]


def _tc_proj(pooled, W, b2d, partial_out, B, Bh, V, D):
    hs = Bh // _BB
    return pl.pallas_call(
        _tc_proj_kernel,
        grid=(hs,),
        in_specs=[
            pl.BlockSpec((_BB, D), lambda i: (i, 0)),
            pl.BlockSpec((V, D), lambda i: (0, 0)),
            pl.BlockSpec((1, V), lambda i: (0, 0)),
            pl.BlockSpec((8, 128), lambda i: (0, 0)),
        ],
        out_specs=pl.BlockSpec((_BB, V), lambda i: (i, 0)),
        out_shape=jax.ShapeDtypeStruct((B, V), jnp.float32),
        input_output_aliases={3: 0},
    )(pooled, W, b2d, partial_out)


@jax.jit
def kernel(context, table, W, b):
    B, L = context.shape
    V, D = table.shape
    Bh = (B * _SC_FRAC_NUM // _SC_FRAC_DEN) // _BB * _BB
    b2d = b.reshape(1, V)
    ctx_flat = context.reshape(-1)
    pooled = _sc_pool(lax.slice(ctx_flat, (0,), (Bh * L,)),
                      table.reshape(-1), Bh, L, V, D)
    partial_out = _tc_counts(lax.slice(context, (Bh, 0), (B, L)),
                             table, W, b2d, B, Bh, L, V, D)
    return _tc_proj(pooled.reshape(Bh, D), W, b2d, partial_out, B, Bh, V, D)

# --- scband reference (transcript-rebuilt; emitter-appended) ---
"""Pipeline reference for scband-dna2-vec-75977971466637 (READ-ONLY COPY).

The authoritative reference and input builder live on the scoring server;
editing this copy changes nothing except your own understanding.
"""

import jax, jax.numpy as jnp
import numpy as np

V = 257  # vocab size: 256 4-mers + pad (pad idx = 0)
D = 64   # embedding dimension
B = 16384
L = 20   # context window length


def setup_inputs(seed: int = 0) -> dict:
    key = jax.random.key(seed)
    k1, k2, k3, k4 = jax.random.split(key, 4)
    context = jax.random.randint(k1, (B, L), 0, V, dtype=jnp.int32)
    # embedding table; padding_idx=0 row initialized to zero (torch nn.Embedding padding_idx semantics)
    table = jax.random.normal(k2, (V, D), dtype=jnp.float32)
    table = table.at[0].set(0.0)
    # linear layer params, torch default uniform(-1/sqrt(fan_in), 1/sqrt(fan_in))
    bound = 1.0 / np.sqrt(D)
    W = jax.random.uniform(k3, (V, D), dtype=jnp.float32, minval=-bound, maxval=bound)
    b = jax.random.uniform(k4, (V,), dtype=jnp.float32, minval=-bound, maxval=bound)
    return {"context": context, "table": table, "W": W, "b": b}


def reference(context, table, W, b):
    # enforce padding row = 0 (faithful to padding_idx behavior)
    tbl = table.at[0].set(0.0)
    # embedding lookup: gather rows -> [B, L, D]
    embeds = jnp.take(tbl, context, axis=0)
    # mean over context window (dim=1) -> [B, D]
    embeds = embeds.mean(axis=1)
    # linear projection back to vocab logits -> [B, V]
    output = embeds @ W.T + b
    return output

if __name__ == "__main__":
    import jax
    _d = setup_inputs()
    print(jax.jit(kernel)(*tuple(_d.values())))

</pallas_src>

<mosaic_0001>
#map = affine_map<(d0, d1) -> (0)>
module attributes {stable_mosaic.version = 14 : i64} {
  func.func @_sc_pool_kernel(%arg0: i32, %arg1: i32, %arg2: memref<245760xi32, #tpu.memory_space<hbm>>, %arg3: memref<16448xf32, #tpu.memory_space<hbm>>, %arg4: memref<786432xf32, #tpu.memory_space<hbm>>, %arg5: memref<7680xi32, #tpu.memory_space<vmem>>, %arg6: memref<16448xf32, #tpu.memory_space<vmem>>, %arg7: memref<24576xf32, #tpu.memory_space<vmem>>) attributes {dimension_semantics = [#tpu.dimension_semantics<core_parallel>, #tpu.dimension_semantics<subcore_parallel>], iteration_bounds = array<i64: 2, 16>, scalar_prefetch = 0 : i64, scratch_operands = 3 : i64, tpu.core_type = #tpu.core_type<sc_vector_subcore>, window_params = [{transform_indices = #map}, {transform_indices = #map}, {transform_indices = #map}]} {
    %mul3A = arith.constant 2 : i32
    %mul3A_0 = arith.muli %arg1, %mul3A : i32
    %add3A = arith.addi %mul3A_0, %arg0 : i32
    %mul3A_1 = arith.constant 7680 : i32
    %mul3A_2 = arith.muli %add3A, %mul3A_1 : i32
    "tpu.region"() ({
      %run_scoped3A = tpu.sem_alloc : memref<!tpu.dma_semaphore, #tpu.memory_space<semaphore_mem>>
      %dma_start3A = tpu.memref_slice %arg2[%mul3A_2] : memref<245760xi32, #tpu.memory_space<hbm>> -> memref<7680xi32, #tpu.memory_space<hbm>>
      %dma_start3A_18 = tpu.memref_slice %arg2[%mul3A_2] : memref<245760xi32, #tpu.memory_space<hbm>> -> memref<7680xi32, #tpu.memory_space<hbm>>
      tpu.enqueue_dma source(%dma_start3A_18 : memref<7680xi32, #tpu.memory_space<hbm>>) target(%arg5 : memref<7680xi32, #tpu.memory_space<vmem>>) target_semaphore(%run_scoped3A : memref<!tpu.dma_semaphore, #tpu.memory_space<semaphore_mem>>)
      %dma_wait3A = tpu.memref_slice %arg2[%mul3A_2] : memref<245760xi32, #tpu.memory_space<hbm>> -> memref<7680xi32, #tpu.memory_space<hbm>>
      %dma_wait3A_19 = tpu.memref_slice %arg2[%mul3A_2] : memref<245760xi32, #tpu.memory_space<hbm>> -> memref<7680xi32, #tpu.memory_space<hbm>>
      tpu.wait_dma2 semaphore(%run_scoped3A : memref<!tpu.dma_semaphore, #tpu.memory_space<semaphore_mem>>) src(%dma_wait3A_19 : memref<7680xi32, #tpu.memory_space<hbm>>) dst(%arg5 : memref<7680xi32, #tpu.memory_space<vmem>>)
      tpu.yield
    }) : () -> ()
    "tpu.region"() ({
      %run_scoped3A = tpu.sem_alloc : memref<!tpu.dma_semaphore, #tpu.memory_space<semaphore_mem>>
      tpu.enqueue_dma source(%arg3 : memref<16448xf32, #tpu.memory_space<hbm>>) target(%arg6 : memref<16448xf32, #tpu.memory_space<vmem>>) target_semaphore(%run_scoped3A : memref<!tpu.dma_semaphore, #tpu.memory_space<semaphore_mem>>)
      tpu.wait_dma2 semaphore(%run_scoped3A : memref<!tpu.dma_semaphore, #tpu.memory_space<semaphore_mem>>) src(%arg3 : memref<16448xf32, #tpu.memory_space<hbm>>) dst(%arg6 : memref<16448xf32, #tpu.memory_space<vmem>>)
      tpu.yield
    }) : () -> ()
    %broadcast_in_dim3A = arith.constant 0.000000e+00 : f32
    %broadcast_in_dim3A_3 = vector.broadcast %broadcast_in_dim3A : f32 to vector<16xf32>
    %swap3A = arith.constant 0 : index
    %swap3A_4 = tpu.vector_load %arg6[%swap3A] {strides = array<i32>} : memref<16448xf32, #tpu.memory_space<vmem>>, vector<16xf32>,
    tpu.vector_store %arg6[%swap3A], %broadcast_in_dim3A_3 {strides = array<i32>} : memref<16448xf32, #tpu.memory_space<vmem>>, vector<16xf32>,
    %swap3A_5 = arith.constant 16 : index
    %swap3A_6 = tpu.vector_load %arg6[%swap3A_5] {strides = array<i32>} : memref<16448xf32, #tpu.memory_space<vmem>>, vector<16xf32>,
    tpu.vector_store %arg6[%swap3A_5], %broadcast_in_dim3A_3 {strides = array<i32>} : memref<16448xf32, #tpu.memory_space<vmem>>, vector<16xf32>,
    %swap3A_7 = arith.constant 32 : index
    %swap3A_8 = tpu.vector_load %arg6[%swap3A_7] {strides = array<i32>} : memref<16448xf32, #tpu.memory_space<vmem>>, vector<16xf32>,
    tpu.vector_store %arg6[%swap3A_7], %broadcast_in_dim3A_3 {strides = array<i32>} : memref<16448xf32, #tpu.memory_space<vmem>>, vector<16xf32>,
    %swap3A_9 = arith.constant 48 : index
    %swap3A_10 = tpu.vector_load %arg6[%swap3A_9] {strides = array<i32>} : memref<16448xf32, #tpu.memory_space<vmem>>, vector<16xf32>,
    tpu.vector_store %arg6[%swap3A_9], %broadcast_in_dim3A_3 {strides = array<i32>} : memref<16448xf32, #tpu.memory_space<vmem>>, vector<16xf32>,
    %scan3A = arith.constant 5.000000e-02 : f32
    %scan3A_11 = arith.constant 0 : i32
    %scan3A_12 = arith.constant 96 : i32
    %scan3A_13 = arith.addi %scan3A_11, %scan3A_12 : i32
    %scan3A_14 = arith.constant 1 : i32
    scf.for %scan3A_18 = %scan3A_11 to %scan3A_13 step %scan3A_14  : i32 {
      %mul3A_19 = arith.constant 80 : i32
      %mul3A_20 = arith.muli %scan3A_18, %mul3A_19 : i32
      %add3A_21 = arith.constant 0 : i32
      %add3A_22 = arith.addi %mul3A_20, %add3A_21 : i32
      %get3A = arith.index_cast %add3A_22 : i32 to index
      %get3A_23 = tpu.vector_load %arg5[%get3A] {strides = array<i32>} : memref<7680xi32, #tpu.memory_space<vmem>>, vector<16xi32>,
      %add3A_24 = arith.constant 16 : i32
      %add3A_25 = arith.addi %mul3A_20, %add3A_24 : i32
      %get3A_26 = arith.index_cast %add3A_25 : i32 to index
      %get3A_27 = tpu.vector_load %arg5[%get3A_26] {strides = array<i32>} : memref<7680xi32, #tpu.memory_space<vmem>>, vector<16xi32>,
      %add3A_28 = arith.constant 32 : i32
      %add3A_29 = arith.addi %mul3A_20, %add3A_28 : i32
      %get3A_30 = arith.index_cast %add3A_29 : i32 to index
      %get3A_31 = tpu.vector_load %arg5[%get3A_30] {strides = array<i32>} : memref<7680xi32, #tpu.memory_space<vmem>>, vector<16xi32>,
      %add3A_32 = arith.constant 48 : i32
      %add3A_33 = arith.addi %mul3A_20, %add3A_32 : i32
      %get3A_34 = arith.index_cast %add3A_33 : i32 to index
      %get3A_35 = tpu.vector_load %arg5[%get3A_34] {strides = array<i32>} : memref<7680xi32, #tpu.memory_space<vmem>>, vector<16xi32>,
      %add3A_36 = arith.constant 64 : i32
      %add3A_37 = arith.addi %mul3A_20, %add3A_36 : i32
      %get3A_38 = arith.index_cast %add3A_37 : i32 to index
      %get3A_39 = tpu.vector_load %arg5[%get3A_38] {strides = array<i32>} : memref<7680xi32, #tpu.memory_space<vmem>>, vector<16xi32>,
      %slice3A = vector.extract_strided_slice %get3A_23 {offsets = [0], sizes = [1], strides = [1]} : vector<16xi32> to vector<1xi32>
      %squeeze3A = vector.extract %slice3A[0] : i32 from vector<1xi32>
      %mul3A_40 = arith.constant 64 : i32
      %mul3A_41 = arith.muli %squeeze3A, %mul3A_40 : i32
      %add3A_42 = arith.constant 0 : i32
      %add3A_43 = arith.addi %mul3A_41, %add3A_42 : i32
      %get3A_44 = arith.index_cast %add3A_43 : i32 to index
      %get3A_45 = tpu.vector_load %arg6[%get3A_44] {strides = array<i32>} : memref<16448xf32, #tpu.memory_space<vmem>>, vector<16xf32>,
      %add3A_46 = arith.addf %broadcast_in_dim3A_3, %get3A_45 : vector<16xf32>
      %add3A_47 = arith.constant 16 : i32
      %add3A_48 = arith.addi %mul3A_41, %add3A_47 : i32
      %get3A_49 = arith.index_cast %add3A_48 : i32 to index
      %get3A_50 = tpu.vector_load %arg6[%get3A_49] {strides = array<i32>} : memref<16448xf32, #tpu.memory_space<vmem>>, vector<16xf32>,
      %add3A_51 = arith.addf %broadcast_in_dim3A_3, %get3A_50 : vector<16xf32>
      %add3A_52 = arith.constant 32 : i32
      %add3A_53 = arith.addi %mul3A_41, %add3A_52 : i32
      %get3A_54 = arith.index_cast %add3A_53 : i32 to index
      %get3A_55 = tpu.vector_load %arg6[%get3A_54] {strides = array<i32>} : memref<16448xf32, #tpu.memory_space<vmem>>, vector<16xf32>,
      %add3A_56 = arith.addf %broadcast_in_dim3A_3, %get3A_55 : vector<16xf32>
      %add3A_57 = arith.constant 48 : i32
      %add3A_58 = arith.addi %mul3A_41, %add3A_57 : i32
      %get3A_59 = arith.index_cast %add3A_58 : i32 to index
      %get3A_60 = tpu.vector_load %arg6[%get3A_59] {strides = array<i32>} : memref<16448xf32, #tpu.memory_space<vmem>>, vector<16xf32>,
      %add3A_61 = arith.addf %broadcast_in_dim3A_3, %get3A_60 : vector<16xf32>
      %slice3A_62 = vector.extract_strided_slice %get3A_23 {offsets = [1], sizes = [1], strides = [1]} : vector<16xi32> to vector<1xi32>
      %squeeze3A_63 = vector.extract %slice3A_62[0] : i32 from vector<1xi32>
      %mul3A_64 = arith.constant 64 : i32
      %mul3A_65 = arith.muli %squeeze3A_63, %mul3A_64 : i32
      %add3A_66 = arith.constant 0 : i32
      %add3A_67 = arith.addi %mul3A_65, %add3A_66 : i32
      %get3A_68 = arith.index_cast %add3A_67 : i32 to index
      %get3A_69 = tpu.vector_load %arg6[%get3A_68] {strides = array<i32>} : memref<16448xf32, #tpu.memory_space<vmem>>, vector<16xf32>,
      %add3A_70 = arith.addf %add3A_46, %get3A_69 : vector<16xf32>
      %add3A_71 = arith.constant 16 : i32
      %add3A_72 = arith.addi %mul3A_65, %add3A_71 : i32
      %get3A_73 = arith.index_cast %add3A_72 : i32 to index
      %get3A_74 = tpu.vector_load %arg6[%get3A_73] {strides = array<i32>} : memref<16448xf32, #tpu.memory_space<vmem>>, vector<16xf32>,
      %add3A_75 = arith.addf %add3A_51, %get3A_74 : vector<16xf32>
      %add3A_76 = arith.constant 32 : i32
      %add3A_77 = arith.addi %mul3A_65, %add3A_76 : i32
      %get3A_78 = arith.index_cast %add3A_77 : i32 to index
      %get3A_79 = tpu.vector_load %arg6[%get3A_78] {strides = array<i32>} : memref<16448xf32, #tpu.memory_space<vmem>>, vector<16xf32>,
      %add3A_80 = arith.addf %add3A_56, %get3A_79 : vector<16xf32>
      %add3A_81 = arith.constant 48 : i32
      %add3A_82 = arith.addi %mul3A_65, %add3A_81 : i32
      %get3A_83 = arith.index_cast %add3A_82 : i32 to index
      %get3A_84 = tpu.vector_load %arg6[%get3A_83] {strides = array<i32>} : memref<16448xf32, #tpu.memory_space<vmem>>, vector<16xf32>,
      %add3A_85 = arith.addf %add3A_61, %get3A_84 : vector<16xf32>
      %slice3A_86 = vector.extract_strided_slice %get3A_23 {offsets = [2], sizes = [1], strides = [1]} : vector<16xi32> to vector<1xi32>
      %squeeze3A_87 = vector.extract %slice3A_86[0] : i32 from vector<1xi32>
      %mul3A_88 = arith.constant 64 : i32
      %mul3A_89 = arith.muli %squeeze3A_87, %mul3A_88 : i32
      %add3A_90 = arith.constant 0 : i32
      %add3A_91 = arith.addi %mul3A_89, %add3A_90 : i32
      %get3A_92 = arith.index_cast %add3A_91 : i32 to index
      %get3A_93 = tpu.vector_load %arg6[%get3A_92] {strides = array<i32>} : memref<16448xf32, #tpu.memory_space<vmem>>, vector<16xf32>,
      %add3A_94 = arith.addf %add3A_70, %get3A_93 : vector<16xf32>
      %add3A_95 = arith.constant 16 : i32
      %add3A_96 = arith.addi %mul3A_89, %add3A_95 : i32
      %get3A_97 = arith.index_cast %add3A_96 : i32 to index
      %get3A_98 = tpu.vector_load %arg6[%get3A_97] {strides = array<i32>} : memref<16448xf32, #tpu.memory_space<vmem>>, vector<16xf32>,
      %add3A_99 = arith.addf %add3A_75, %get3A_98 : vector<16xf32>
      %add3A_100 = arith.constant 32 : i32
      %add3A_101 = arith.addi %mul3A_89, %add3A_100 : i32
      %get3A_102 = arith.index_cast %add3A_101 : i32 to index
      %get3A_103 = tpu.vector_load %arg6[%get3A_102] {strides = array<i32>} : memref<16448xf32, #tpu.memory_space<vmem>>, vector<16xf32>,
      %add3A_104 = arith.addf %add3A_80, %get3A_103 : vector<16xf32>
      %add3A_105 = arith.constant 48 : i32
      %add3A_106 = arith.addi %mul3A_89, %add3A_105 : i32
      %get3A_107 = arith.index_cast %add3A_106 : i32 to index
      %get3A_108 = tpu.vector_load %arg6[%get3A_107] {strides = array<i32>} : memref<16448xf32, #tpu.memory_space<vmem>>, vector<16xf32>,
      %add3A_109 = arith.addf %add3A_85, %get3A_108 : vector<16xf32>
      %slice3A_110 = vector.extract_strided_slice %get3A_23 {offsets = [3], sizes = [1], strides = [1]} : vector<16xi32> to vector<1xi32>
      %squeeze3A_111 = vector.extract %slice3A_110[0] : i32 from vector<1xi32>
      %mul3A_112 = arith.constant 64 : i32
      %mul3A_113 = arith.muli %squeeze3A_111, %mul3A_112 : i32
      %add3A_114 = arith.constant 0 : i32
      %add3A_115 = arith.addi %mul3A_113, %add3A_114 : i32
      %get3A_116 = arith.index_cast %add3A_115 : i32 to index
      %get3A_117 = tpu.vector_load %arg6[%get3A_116] {strides = array<i32>} : memref<16448xf32, #tpu.memory_space<vmem>>, vector<16xf32>,
      %add3A_118 = arith.addf %add3A_94, %get3A_117 : vector<16xf32>
      %add3A_119 = arith.constant 16 : i32
      %add3A_120 = arith.addi %mul3A_113, %add3A_119 : i32
      %get3A_121 = arith.index_cast %add3A_120 : i32 to index
      %get3A_122 = tpu.vector_load %arg6[%get3A_121] {strides = array<i32>} : memref<16448xf32, #tpu.memory_space<vmem>>, vector<16xf32>,
      %add3A_123 = arith.addf %add3A_99, %get3A_122 : vector<16xf32>
      %add3A_124 = arith.constant 32 : i32
      %add3A_125 = arith.addi %mul3A_113, %add3A_124 : i32
      %get3A_126 = arith.index_cast %add3A_125 : i32 to index
      %get3A_127 = tpu.vector_load %arg6[%get3A_126] {strides = array<i32>} : memref<16448xf32, #tpu.memory_space<vmem>>, vector<16xf32>,
      %add3A_128 = arith.addf %add3A_104, %get3A_127 : vector<16xf32>
      %add3A_129 = arith.constant 48 : i32
      %add3A_130 = arith.addi %mul3A_113, %add3A_129 : i32
      %get3A_131 = arith.index_cast %add3A_130 : i32 to index
      %get3A_132 = tpu.vector_load %arg6[%get3A_131] {strides = array<i32>} : memref<16448xf32, #tpu.memory_space<vmem>>, vector<16xf32>,
      %add3A_133 = arith.addf %add3A_109, %get3A_132 : vector<16xf32>
      %slice3A_134 = vector.extract_strided_slice %get3A_23 {offsets = [4], sizes = [1], strides = [1]} : vector<16xi32> to vector<1xi32>
      %squeeze3A_135 = vector.extract %slice3A_134[0] : i32 from vector<1xi32>
      %mul3A_136 = arith.constant 64 : i32
      %mul3A_137 = arith.muli %squeeze3A_135, %mul3A_136 : i32
      %add3A_138 = arith.constant 0 : i32
      %add3A_139 = arith.addi %mul3A_137, %add3A_138 : i32
      %get3A_140 = arith.index_cast %add3A_139 : i32 to index
      %get3A_141 = tpu.vector_load %arg6[%get3A_140] {strides = array<i32>} : memref<16448xf32, #tpu.memory_space<vmem>>, vector<16xf32>,
      %add3A_142 = arith.addf %add3A_118, %get3A_141 : vector<16xf32>
      %add3A_143 = arith.constant 16 : i32
      %add3A_144 = arith.addi %mul3A_137, %add3A_143 : i32
      %get3A_145 = arith.index_cast %add3A_144 : i32 to index
      %get3A_146 = tpu.vector_load %arg6[%get3A_145] {strides = array<i32>} : memref<16448xf32, #tpu.memory_space<vmem>>, vector<16xf32>,
      %add3A_147 = arith.addf %add3A_123, %get3A_146 : vector<16xf32>
      %add3A_148 = arith.constant 32 : i32
      %add3A_149 = arith.addi %mul3A_137, %add3A_148 : i32
      %get3A_150 = arith.index_cast %add3A_149 : i32 to index
      %get3A_151 = tpu.vector_load %arg6[%get3A_150] {strides = array<i32>} : memref<16448xf32, #tpu.memory_space<vmem>>, vector<16xf32>,
      %add3A_152 = arith.addf %add3A_128, %get3A_151 : vector<16xf32>
      %add3A_153 = arith.constant 48 : i32
      %add3A_154 = arith.addi %mul3A_137, %add3A_153 : i32
      %get3A_155 = arith.index_cast %add3A_154 : i32 to index
      %get3A_156 = tpu.vector_load %arg6[%get3A_155] {strides = array<i32>} : memref<16448xf32, #tpu.memory_space<vmem>>, vector<16xf32>,
      %add3A_157 = arith.addf %add3A_133, %get3A_156 : vector<16xf32>
      %slice3A_158 = vector.extract_strided_slice %get3A_23 {offsets = [5], sizes = [1], strides = [1]} : vector<16xi32> to vector<1xi32>
      %squeeze3A_159 = vector.extract %slice3A_158[0] : i32 from vector<1xi32>
      %mul3A_160 = arith.constant 64 : i32
      %mul3A_161 = arith.muli %squeeze3A_159, %mul3A_160 : i32
      %add3A_162 = arith.constant 0 : i32
      %add3A_163 = arith.addi %mul3A_161, %add3A_162 : i32
      %get3A_164 = arith.index_cast %add3A_163 : i32 to index
      %get3A_165 = tpu.vector_load %arg6[%get3A_164] {strides = array<i32>} : memref<16448xf32, #tpu.memory_space<vmem>>, vector<16xf32>,
      %add3A_166 = arith.addf %add3A_142, %get3A_165 : vector<16xf32>
      %add3A_167 = arith.constant 16 : i32
      %add3A_168 = arith.addi %mul3A_161, %add3A_167 : i32
      %get3A_169 = arith.index_cast %add3A_168 : i32 to index
      %get3A_170 = tpu.vector_load %arg6[%get3A_169] {strides = array<i32>} : memref<16448xf32, #tpu.memory_space<vmem>>, vector<16xf32>,
      %add3A_171 = arith.addf %add3A_147, %get3A_170 : vector<16xf32>
      %add3A_172 = arith.constant 32 : i32
      %add3A_173 = arith.addi %mul3A_161, %add3A_172 : i32
      %get3A_174 = arith.index_cast %add3A_173 : i32 to index
      %get3A_175 = tpu.vector_load %arg6[%get3A_174] {strides = array<i32>} : memref<16448xf32, #tpu.memory_space<vmem>>, vector<16xf32>,
      %add3A_176 = arith.addf %add3A_152, %get3A_175 : vector<16xf32>
      %add3A_177 = arith.constant 48 : i32
      %add3A_178 = arith.addi %mul3A_161, %add3A_177 : i32
      %get3A_179 = arith.index_cast %add3A_178 : i32 to index
      %get3A_180 = tpu.vector_load %arg6[%get3A_179] {strides = array<i32>} : memref<16448xf32, #tpu.memory_space<vmem>>, vector<16xf32>,
      %add3A_181 = arith.addf %add3A_157, %get3A_180 : vector<16xf32>
      %slice3A_182 = vector.extract_strided_slice %get3A_23 {offsets = [6], sizes = [1], strides = [1]} : vector<16xi32> to vector<1xi32>
      %squeeze3A_183 = vector.extract %slice3A_182[0] : i32 from vector<1xi32>
      %mul3A_184 = arith.constant 64 : i32
      %mul3A_185 = arith.muli %squeeze3A_183, %mul3A_184 : i32
      %add3A_186 = arith.constant 0 : i32
      %add3A_187 = arith.addi %mul3A_185, %add3A_186 : i32
      %get3A_188 = arith.index_cast %add3A_187 : i32 to index
      %get3A_189 = tpu.vector_load %arg6[%get3A_188] {strides = array<i32>} : memref<16448xf32, #tpu.memory_space<vmem>>, vector<16xf32>,
      %add3A_190 = arith.addf %add3A_166, %get3A_189 : vector<16xf32>
      %add3A_191 = arith.constant 16 : i32
      %add3A_192 = arith.addi %mul3A_185, %add3A_191 : i32
      %get3A_193 = arith.index_cast %add3A_192 : i32 to index
      %get3A_194 = tpu.vector_load %arg6[%get3A_193] {strides = array<i32>} : memref<16448xf32, #tpu.memory_space<vmem>>, vector<16xf32>,
      %add3A_195 = arith.addf %add3A_171, %get3A_194 : vector<16xf32>
      %add3A_196 = arith.constant 32 : i32
      %add3A_197 = arith.addi %mul3A_185, %add3A_196 : i32
      %get3A_198 = arith.index_cast %add3A_197 : i32 to index
      %get3A_199 = tpu.vector_load %arg6[%get3A_198] {strides = array<i32>} : memref<16448xf32, #tpu.memory_space<vmem>>, vector<16xf32>,
      %add3A_200 = arith.addf %add3A_176, %get3A_199 : vector<16xf32>
      %add3A_201 = arith.constant 48 : i32
      %add3A_202 = arith.addi %mul3A_185, %add3A_201 : i32
      %get3A_203 = arith.index_cast %add3A_202 : i32 to index
      %get3A_204 = tpu.vector_load %arg6[%get3A_203] {strides = array<i32>} : memref<16448xf32, #tpu.memory_space<vmem>>, vector<16xf32>,
      %add3A_205 = arith.addf %add3A_181, %get3A_204 : vector<16xf32>
      %slice3A_206 = vector.extract_strided_slice %get3A_23 {offsets = [7], sizes = [1], strides = [1]} : vector<16xi32> to vector<1xi32>
      %squeeze3A_207 = vector.extract %slice3A_206[0] : i32 from vector<1xi32>
      %mul3A_208 = arith.constant 64 : i32
      %mul3A_209 = arith.muli %squeeze3A_207, %mul3A_208 : i32
      %add3A_210 = arith.constant 0 : i32
      %add3A_211 = arith.addi %mul3A_209, %add3A_210 : i32
      %get3A_212 = arith.index_cast %add3A_211 : i32 to index
      %get3A_213 = tpu.vector_load %arg6[%get3A_212] {strides = array<i32>} : memref<16448xf32, #tpu.memory_space<vmem>>, vector<16xf32>,
      %add3A_214 = arith.addf %add3A_190, %get3A_213 : vector<16xf32>
      %add3A_215 = arith.constant 16 : i32
      %add3A_216 = arith.addi %mul3A_209, %add3A_215 : i32
      %get3A_217 = arith.index_cast %add3A_216 : i32 to index
      %get3A_218 = tpu.vector_load %arg6[%get3A_217] {strides = array<i32>} : memref<16448xf32, #tpu.memory_space<vmem>>, vector<16xf32>,
      %add3A_219 = arith.addf %add3A_195, %get3A_218 : vector<16xf32>
      %add3A_220 = arith.constant 32 : i32
      %add3A_221 = arith.addi %mul3A_209, %add3A_220 : i32
      %get3A_222 = arith.index_cast %add3A_221 : i32 to index
      %get3A_223 = tpu.vector_load %arg6[%get3A_222] {strides = array<i32>} : memref<16448xf32, #tpu.memory_space<vmem>>, vector<16xf32>,
      %add3A_224 = arith.addf %add3A_200, %get3A_223 : vector<16xf32>
      %add3A_225 = arith.constant 48 : i32
      %add3A_226 = arith.addi %mul3A_209, %add3A_225 : i32
      %get3A_227 = arith.index_cast %add3A_226 : i32 to index
      %get3A_228 = tpu.vector_load %arg6[%get3A_227] {strides = array<i32>} : memref<16448xf32, #tpu.memory_space<vmem>>, vector<16xf32>,
      %add3A_229 = arith.addf %add3A_205, %get3A_228 : vector<16xf32>
      %slice3A_230 = vector.extract_strided_slice %get3A_23 {offsets = [8], sizes = [1], strides = [1]} : vector<16xi32> to vector<1xi32>
      %squeeze3A_231 = vector.extract %slice3A_230[0] : i32 from vector<1xi32>
      %mul3A_232 = arith.constant 64 : i32
      %mul3A_233 = arith.muli %squeeze3A_231, %mul3A_232 : i32
      %add3A_234 = arith.constant 0 : i32
      %add3A_235 = arith.addi %mul3A_233, %add3A_234 : i32
      %get3A_236 = arith.index_cast %add3A_235 : i32 to index
      %get3A_237 = tpu.vector_load %arg6[%get3A_236] {strides = array<i32>} : memref<16448xf32, #tpu.memory_space<vmem>>, vector<16xf32>,
      %add3A_238 = arith.addf %add3A_214, %get3A_237 : vector<16xf32>
      %add3A_239 = arith.constant 16 : i32
      %add3A_240 = arith.addi %mul3A_233, %add3A_239 : i32
      %get3A_241 = arith.index_cast %add3A_240 : i32 to index
      %get3A_242 = tpu.vector_load %arg6[%get3A_241] {strides = array<i32>} : memref<16448xf32, #tpu.memory_space<vmem>>, vector<16xf32>,
      %add3A_243 = arith.addf %add3A_219, %get3A_242 : vector<16xf32>
      %add3A_244 = arith.constant 32 : i32
      %add3A_245 = arith.addi %mul3A_233, %add3A_244 : i32
      %get3A_246 = arith.index_cast %add3A_245 : i32 to index
      %get3A_247 = tpu.vector_load %arg6[%get3A_246] {strides = array<i32>} : memref<16448xf32, #tpu.memory_space<vmem>>, vector<16xf32>,
      %add3A_248 = arith.addf %add3A_224, %get3A_247 : vector<16xf32>
      %add3A_249 = arith.constant 48 : i32
      %add3A_250 = arith.addi %mul3A_233, %add3A_249 : i32
      %get3A_251 = arith.index_cast %add3A_250 : i32 to index
      %get3A_252 = tpu.vector_load %arg6[%get3A_251] {strides = array<i32>} : memref<16448xf32, #tpu.memory_space<vmem>>, vector<16xf32>,
      %add3A_253 = arith.addf %add3A_229, %get3A_252 : vector<16xf32>
      %slice3A_254 = vector.extract_strided_slice %get3A_23 {offsets = [9], sizes = [1], strides = [1]} : vector<16xi32> to vector<1xi32>
      %squeeze3A_255 = vector.extract %slice3A_254[0] : i32 from vector<1xi32>
      %mul3A_256 = arith.constant 64 : i32
      %mul3A_257 = arith.muli %squeeze3A_255, %mul3A_256 : i32
      %add3A_258 = arith.constant 0 : i32
      %add3A_259 = arith.addi %mul3A_257, %add3A_258 : i32
      %get3A_260 = arith.index_cast %add3A_259 : i32 to index
      %get3A_261 = tpu.vector_load %arg6[%get3A_260] {strides = array<i32>} : memref<16448xf32, #tpu.memory_space<vmem>>, vector<16xf32>,
      %add3A_262 = arith.addf %add3A_238, %get3A_261 : vector<16xf32>
      %add3A_263 = arith.constant 16 : i32
      %add3A_264 = arith.addi %mul3A_257, %add3A_263 : i32
      %get3A_265 = arith.index_cast %add3A_264 : i32 to index
      %get3A_266 = tpu.vector_load %arg6[%get3A_265] {strides = array<i32>} : memref<16448xf32, #tpu.memory_space<vmem>>, vector<16xf32>,
      %add3A_267 = arith.addf %add3A_243, %get3A_266 : vector<16xf32>
      %add3A_268 = arith.constant 32 : i32
      %add3A_269 = arith.addi %mul3A_257, %add3A_268 : i32
      %get3A_270 = arith.index_cast %add3A_269 : i32 to index
      %get3A_271 = tpu.vector_load %arg6[%get3A_270] {strides = array<i32>} : memref<16448xf32, #tpu.memory_space<vmem>>, vector<16xf32>,
      %add3A_272 = arith.addf %add3A_248, %get3A_271 : vector<16xf32>
      %add3A_273 = arith.constant 48 : i32
      %add3A_274 = arith.addi %mul3A_257, %add3A_273 : i32
      %get3A_275 = arith.index_cast %add3A_274 : i32 to index
      %get3A_276 = tpu.vector_load %arg6[%get3A_275] {strides = array<i32>} : memref<16448xf32, #tpu.memory_space<vmem>>, vector<16xf32>,
      %add3A_277 = arith.addf %add3A_253, %get3A_276 : vector<16xf32>
      %slice3A_278 = vector.extract_strided_slice %get3A_23 {offsets = [10], sizes = [1], strides = [1]} : vector<16xi32> to vector<1xi32>
      %squeeze3A_279 = vector.extract %slice3A_278[0] : i32 from vector<1xi32>
      %mul3A_280 = arith.constant 64 : i32
      %mul3A_281 = arith.muli %squeeze3A_279, %mul3A_280 : i32
      %add3A_282 = arith.constant 0 : i32
      %add3A_283 = arith.addi %mul3A_281, %add3A_282 : i32
      %get3A_284 = arith.index_cast %add3A_283 : i32 to index
      %get3A_285 = tpu.vector_load %arg6[%get3A_284] {strides = array<i32>} : memref<16448xf32, #tpu.memory_space<vmem>>, vector<16xf32>,
      %add3A_286 = arith.addf %add3A_262, %get3A_285 : vector<16xf32>
      %add3A_287 = arith.constant 16 : i32
      %add3A_288 = arith.addi %mul3A_281, %add3A_287 : i32
      %get3A_289 = arith.index_cast %add3A_288 : i32 to index
      %get3A_290 = tpu.vector_load %arg6[%get3A_289] {strides = array<i32>} : memref<16448xf32, #tpu.memory_space<vmem>>, vector<16xf32>,
      %add3A_291 = arith.addf %add3A_267, %get3A_290 : vector<16xf32>
      %add3A_292 = arith.constant 32 : i32
      %add3A_293 = arith.addi %mul3A_281, %add3A_292 : i32
      %get3A_294 = arith.index_cast %add3A_293 : i32 to index
      %get3A_295 = tpu.vector_load %arg6[%get3A_294] {strides = array<i32>} : memref<16448xf32, #tpu.memory_space<vmem>>, vector<16xf32>,
      %add3A_296 = arith.addf %add3A_272, %get3A_295 : vector<16xf32>
      %add3A_297 = arith.constant 48 : i32
      %add3A_298 = arith.addi %mul3A_281, %add3A_297 : i32
      %get3A_299 = arith.index_cast %add3A_298 : i32 to index
      %get3A_300 = tpu.vector_load %arg6[%get3A_299] {strides = array<i32>} : memref<16448xf32, #tpu.memory_space<vmem>>, vector<16xf32>,
      %add3A_301 = arith.addf %add3A_277, %get3A_300 : vector<16xf32>
      %slice3A_302 = vector.extract_strided_slice %get3A_23 {offsets = [11], sizes = [1], strides = [1]} : vector<16xi32> to vector<1xi32>
      %squeeze3A_303 = vector.extract %slice3A_302[0] : i32 from vector<1xi32>
      %mul3A_304 = arith.constant 64 : i32
      %mul3A_305 = arith.muli %squeeze3A_303, %mul3A_304 : i32
      %add3A_306 = arith.constant 0 : i32
      %add3A_307 = arith.addi %mul3A_305, %add3A_306 : i32
      %get3A_308 = arith.index_cast %add3A_307 : i32 to index
      %get3A_309 = tpu.vector_load %arg6[%get3A_308] {strides = array<i32>} : memref<16448xf32, #tpu.memory_space<vmem>>, vector<16xf32>,
      %add3A_310 = arith.addf %add3A_286, %get3A_309 : vector<16xf32>
      %add3A_311 = arith.constant 16 : i32
      %add3A_312 = arith.addi %mul3A_305, %add3A_311 : i32
      %get3A_313 = arith.index_cast %add3A_312 : i32 to index
      %get3A_314 = tpu.vector_load %arg6[%get3A_313] {strides = array<i32>} : memref<16448xf32, #tpu.memory_space<vmem>>, vector<16xf32>,
      %add3A_315 = arith.addf %add3A_291, %get3A_314 : vector<16xf32>
      %add3A_316 = arith.constant 32 : i32
      %add3A_317 = arith.addi %mul3A_305, %add3A_316 : i32
      %get3A_318 = arith.index_cast %add3A_317 : i32 to index
      %get3A_319 = tpu.vector_load %arg6[%get3A_318] {strides = array<i32>} : memref<16448xf32, #tpu.memory_space<vmem>>, vector<16xf32>,
      %add3A_320 = arith.addf %add3A_296, %get3A_319 : vector<16xf32>
      %add3A_321 = arith.constant 48 : i32
      %add3A_322 = arith.addi %mul3A_305, %add3A_321 : i32
      %get3A_323 = arith.index_cast %add3A_322 : i32 to index
      %get3A_324 = tpu.vector_load %arg6[%get3A_323] {strides = array<i32>} : memref<16448xf32, #tpu.memory_space<vmem>>, vector<16xf32>,
      %add3A_325 = arith.addf %add3A_301, %get3A_324 : vector<16xf32>
      %slice3A_326 = vector.extract_strided_slice %get3A_23 {offsets = [12], sizes = [1], strides = [1]} : vector<16xi32> to vector<1xi32>
      %squeeze3A_327 = vector.extract %slice3A_326[0] : i32 from vector<1xi32>
      %mul3A_328 = arith.constant 64 : i32
      %mul3A_329 = arith.muli %squeeze3A_327, %mul3A_328 : i32
      %add3A_330 = arith.constant 0 : i32
      %add3A_331 = arith.addi %mul3A_329, %add3A_330 : i32
      %get3A_332 = arith.index_cast %add3A_331 : i32 to index
      %get3A_333 = tpu.vector_load %arg6[%get3A_332] {strides = array<i32>} : memref<16448xf32, #tpu.memory_space<vmem>>, vector<16xf32>,
      %add3A_334 = arith.addf %add3A_310, %get3A_333 : vector<16xf32>
      %add3A_335 = arith.constant 16 : i32
      %add3A_336 = arith.addi %mul3A_329, %add3A_335 : i32
      %get3A_337 = arith.index_cast %add3A_336 : i32 to index
      %get3A_338 = tpu.vector_load %arg6[%get3A_337] {strides = array<i32>} : memref<16448xf32, #tpu.memory_space<vmem>>, vector<16xf32>,
      %add3A_339 = arith.addf %add3A_315, %get3A_338 : vector<16xf32>
      %add3A_340 = arith.constant 32 : i32
      %add3A_341 = arith.addi %mul3A_329, %add3A_340 : i32
      %get3A_342 = arith.index_cast %add3A_341 : i32 to index
      %get3A_343 = tpu.vector_load %arg6[%get3A_342] {strides = array<i32>} : memref<16448xf32, #tpu.memory_space<vmem>>, vector<16xf32>,
      %add3A_344 = arith.addf %add3A_320, %get3A_343 : vector<16xf32>
      %add3A_345 = arith.constant 48 : i32
      %add3A_346 = arith.addi %mul3A_329, %add3A_345 : i32
      %get3A_347 = arith.index_cast %add3A_346 : i32 to index
      %get3A_348 = tpu.vector_load %arg6[%get3A_347] {strides = array<i32>} : memref<16448xf32, #tpu.memory_space<vmem>>, vector<16xf32>,
      %add3A_349 = arith.addf %add3A_325, %get3A_348 : vector<16xf32>
      %slice3A_350 = vector.extract_strided_slice %get3A_23 {offsets = [13], sizes = [1], strides = [1]} : vector<16xi32> to vector<1xi32>
      %squeeze3A_351 = vector.extract %slice3A_350[0] : i32 from vector<1xi32>
      %mul3A_352 = arith.constant 64 : i32
      %mul3A_353 = arith.muli %squeeze3A_351, %mul3A_352 : i32
      %add3A_354 = arith.constant 0 : i32
      %add3A_355 = arith.addi %mul3A_353, %add3A_354 : i32
      %get3A_356 = arith.index_cast %add3A_355 : i32 to index
      %get3A_357 = tpu.vector_load %arg6[%get3A_356] {strides = array<i32>} : memref<16448xf32, #tpu.memory_space<vmem>>, vector<16xf32>,
      %add3A_358 = arith.addf %add3A_334, %get3A_357 : vector<16xf32>
      %add3A_359 = arith.constant 16 : i32
      %add3A_360 = arith.addi %mul3A_353, %add3A_359 : i32
      %get3A_361 = arith.index_cast %add3A_360 : i32 to index
      %get3A_362 = tpu.vector_load %arg6[%get3A_361] {strides = array<i32>} : memref<16448xf32, #tpu.memory_space<vmem>>, vector<16xf32>,
      %add3A_363 = arith.addf %add3A_339, %get3A_362 : vector<16xf32>
      %add3A_364 = arith.constant 32 : i32
      %add3A_365 = arith.addi %mul3A_353, %add3A_364 : i32
      %get3A_366 = arith.index_cast %add3A_365 : i32 to index
      %get3A_367 = tpu.vector_load %arg6[%get3A_366] {strides = array<i32>} : memref<16448xf32, #tpu.memory_space<vmem>>, vector<16xf32>,
      %add3A_368 = arith.addf %add3A_344, %get3A_367 : vector<16xf32>
      %add3A_369 = arith.constant 48 : i32
      %add3A_370 = arith.addi %mul3A_353, %add3A_369 : i32
      %get3A_371 = arith.index_cast %add3A_370 : i32 to index
      %get3A_372 = tpu.vector_load %arg6[%get3A_371] {strides = array<i32>} : memref<16448xf32, #tpu.memory_space<vmem>>, vector<16xf32>,
      %add3A_373 = arith.addf %add3A_349, %get3A_372 : vector<16xf32>
      %slice3A_374 = vector.extract_strided_slice %get3A_23 {offsets = [14], sizes = [1], strides = [1]} : vector<16xi32> to vector<1xi32>
      %squeeze3A_375 = vector.extract %slice3A_374[0] : i32 from vector<1xi32>
      %mul3A_376 = arith.constant 64 : i32
      %mul3A_377 = arith.muli %squeeze3A_375, %mul3A_376 : i32
      %add3A_378 = arith.constant 0 : i32
      %add3A_379 = arith.addi %mul3A_377, %add3A_378 : i32
      %get3A_380 = arith.index_cast %add3A_379 : i32 to index
      %get3A_381 = tpu.vector_load %arg6[%get3A_380] {strides = array<i32>} : memref<16448xf32, #tpu.memory_space<vmem>>, vector<16xf32>,
      %add3A_382 = arith.addf %add3A_358, %get3A_381 : vector<16xf32>
      %add3A_383 = arith.constant 16 : i32
      %add3A_384 = arith.addi %mul3A_377, %add3A_383 : i32
      %get3A_385 = arith.index_cast %add3A_384 : i32 to index
      %get3A_386 = tpu.vector_load %arg6[%get3A_385] {strides = array<i32>} : memref<16448xf32, #tpu.memory_space<vmem>>, vector<16xf32>,
      %add3A_387 = arith.addf %add3A_363, %get3A_386 : vector<16xf32>
      %add3A_388 = arith.constant 32 : i32
      %add3A_389 = arith.addi %mul3A_377, %add3A_388 : i32
      %get3A_390 = arith.index_cast %add3A_389 : i32 to index
      %get3A_391 = tpu.vector_load %arg6[%get3A_390] {strides = array<i32>} : memref<16448xf32, #tpu.memory_space<vmem>>, vector<16xf32>,
      %add3A_392 = arith.addf %add3A_368, %get3A_391 : vector<16xf32>
      %add3A_393 = arith.constant 48 : i32
      %add3A_394 = arith.addi %mul3A_377, %add3A_393 : i32
      %get3A_395 = arith.index_cast %add3A_394 : i32 to index
      %get3A_396 = tpu.vector_load %arg6[%get3A_395] {strides = array<i32>} : memref<16448xf32, #tpu.memory_space<vmem>>, vector<16xf32>,
      %add3A_397 = arith.addf %add3A_373, %get3A_396 : vector<16xf32>
      %slice3A_398 = vector.extract_strided_slice %get3A_23 {offsets = [15], sizes = [1], strides = [1]} : vector<16xi32> to vector<1xi32>
      %squeeze3A_399 = vector.extract %slice3A_398[0] : i32 from vector<1xi32>
      %mul3A_400 = arith.constant 64 : i32
      %mul3A_401 = arith.muli %squeeze3A_399, %mul3A_400 : i32
      %add3A_402 = arith.constant 0 : i32
      %add3A_403 = arith.addi %mul3A_401, %add3A_402 : i32
      %get3A_404 = arith.index_cast %add3A_403 : i32 to index
      %get3A_405 = tpu.vector_load %arg6[%get3A_404] {strides = array<i32>} : memref<16448xf32, #tpu.memory_space<vmem>>, vector<16xf32>,
      %add3A_406 = arith.addf %add3A_382, %get3A_405 : vector<16xf32>
      %add3A_407 = arith.constant 16 : i32
      %add3A_408 = arith.addi %mul3A_401, %add3A_407 : i32
      %get3A_409 = arith.index_cast %add3A_408 : i32 to index
      %get3A_410 = tpu.vector_load %arg6[%get3A_409] {strides = array<i32>} : memref<16448xf32, #tpu.memory_space<vmem>>, vector<16xf32>,
      %add3A_411 = arith.addf %add3A_387, %get3A_410 : vector<16xf32>
      %add3A_412 = arith.constant 32 : i32
      %add3A_413 = arith.addi %mul3A_401, %add3A_412 : i32
      %get3A_414 = arith.index_cast %add3A_413 : i32 to index
      %get3A_415 = tpu.vector_load %arg6[%get3A_414] {strides = array<i32>} : memref<16448xf32, #tpu.memory_space<vmem>>, vector<16xf32>,
      %add3A_416 = arith.addf %add3A_392, %get3A_415 : vector<16xf32>
      %add3A_417 = arith.constant 48 : i32
      %add3A_418 = arith.addi %mul3A_401, %add3A_417 : i32
      %get3A_419 = arith.index_cast %add3A_418 : i32 to index
      %get3A_420 = tpu.vector_load %arg6[%get3A_419] {strides = array<i32>} : memref<16448xf32, #tpu.memory_space<vmem>>, vector<16xf32>,
      %add3A_421 = arith.addf %add3A_397, %get3A_420 : vector<16xf32>
      %slice3A_422 = vector.extract_strided_slice %get3A_27 {offsets = [0], sizes = [1], strides = [1]} : vector<16xi32> to vector<1xi32>
      %squeeze3A_423 = vector.extract %slice3A_422[0] : i32 from vector<1xi32>
      %mul3A_424 = arith.constant 64 : i32
      %mul3A_425 = arith.muli %squeeze3A_423, %mul3A_424 : i32
      %add3A_426 = arith.constant 0 : i32
      %add3A_427 = arith.addi %mul3A_425, %add3A_426 : i32
      %get3A_428 = arith.index_cast %add3A_427 : i32 to index
      %get3A_429 = tpu.vector_load %arg6[%get3A_428] {strides = array<i32>} : memref<16448xf32, #tpu.memory_space<vmem>>, vector<16xf32>,
      %add3A_430 = arith.addf %add3A_406, %get3A_429 : vector<16xf32>
      %add3A_431 = arith.constant 16 : i32
      %add3A_432 = arith.addi %mul3A_425, %add3A_431 : i32
      %get3A_433 = arith.index_cast %add3A_432 : i32 to index
      %get3A_434 = tpu.vector_load %arg6[%get3A_433] {strides = array<i32>} : memref<16448xf32, #tpu.memory_space<vmem>>, vector<16xf32>,
      %add3A_435 = arith.addf %add3A_411, %get3A_434 : vector<16xf32>
      %add3A_436 = arith.constant 32 : i32
      %add3A_437 = arith.addi %mul3A_425, %add3A_436 : i32
      %get3A_438 = arith.index_cast %add3A_437 : i32 to index
      %get3A_439 = tpu.vector_load %arg6[%get3A_438] {strides = array<i32>} : memref<16448xf32, #tpu.memory_space<vmem>>, vector<16xf32>,
      %add3A_440 = arith.addf %add3A_416, %get3A_439 : vector<16xf32>
      %add3A_441 = arith.constant 48 : i32
      %add3A_442 = arith.addi %mul3A_425, %add3A_441 : i32
      %get3A_443 = arith.index_cast %add3A_442 : i32 to index
      %get3A_444 = tpu.vector_load %arg6[%get3A_443] {strides = array<i32>} : memref<16448xf32, #tpu.memory_space<vmem>>, vector<16xf32>,
      %add3A_445 = arith.addf %add3A_421, %get3A_444 : vector<16xf32>
      %slice3A_446 = vector.extract_strided_slice %get3A_27 {offsets = [1], sizes = [1], strides = [1]} : vector<16xi32> to vector<1xi32>
      %squeeze3A_447 = vector.extract %slice3A_446[0] : i32 from vector<1xi32>
      %mul3A_448 = arith.constant 64 : i32
      %mul3A_449 = arith.muli %squeeze3A_447, %mul3A_448 : i32
      %add3A_450 = arith.constant 0 : i32
      %add3A_451 = arith.addi %mul3A_449, %add3A_450 : i32
      %get3A_452 = arith.index_cast %add3A_451 : i32 to index
      %get3A_453 = tpu.vector_load %arg6[%get3A_452] {strides = array<i32>} : memref<16448xf32, #tpu.memory_space<vmem>>, vector<16xf32>,
      %add3A_454 = arith.addf %add3A_430, %get3A_453 : vector<16xf32>
      %add3A_455 = arith.constant 16 : i32
      %add3A_456 = arith.addi %mul3A_449, %add3A_455 : i32
      %get3A_457 = arith.index_cast %add3A_456 : i32 to index
      %get3A_458 = tpu.vector_load %arg6[%get3A_457] {strides = array<i32>} : memref<16448xf32, #tpu.memory_space<vmem>>, vector<16xf32>,
      %add3A_459 = arith.addf %add3A_435, %get3A_458 : vector<16xf32>
      %add3A_460 = arith.constant 32 : i32
      %add3A_461 = arith.addi %mul3A_449, %add3A_460 : i32
      %get3A_462 = arith.index_cast %add3A_461 : i32 to index
      %get3A_463 = tpu.vector_load %arg6[%get3A_462] {strides = array<i32>} : memref<16448xf32, #tpu.memory_space<vmem>>, vector<16xf32>,
      %add3A_464 = arith.addf %add3A_440, %get3A_463 : vector<16xf32>
      %add3A_465 = arith.constant 48 : i32
      %add3A_466 = arith.addi %mul3A_449, %add3A_465 : i32
      %get3A_467 = arith.index_cast %add3A_466 : i32 to index
      %get3A_468 = tpu.vector_load %arg6[%get3A_467] {strides = array<i32>} : memref<16448xf32, #tpu.memory_space<vmem>>, vector<16xf32>,
      %add3A_469 = arith.addf %add3A_445, %get3A_468 : vector<16xf32>
      %slice3A_470 = vector.extract_strided_slice %get3A_27 {offsets = [2], sizes = [1], strides = [1]} : vector<16xi32> to vector<1xi32>
      %squeeze3A_471 = vector.extract %slice3A_470[0] : i32 from vector<1xi32>
      %mul3A_472 = arith.constant 64 : i32
      %mul3A_473 = arith.muli %squeeze3A_471, %mul3A_472 : i32
      %add3A_474 = arith.constant 0 : i32
      %add3A_475 = arith.addi %mul3A_473, %add3A_474 : i32
      %get3A_476 = arith.index_cast %add3A_475 : i32 to index
      %get3A_477 = tpu.vector_load %arg6[%get3A_476] {strides = array<i32>} : memref<16448xf32, #tpu.memory_space<vmem>>, vector<16xf32>,
      %add3A_478 = arith.addf %add3A_454, %get3A_477 : vector<16xf32>
      %add3A_479 = arith.constant 16 : i32
      %add3A_480 = arith.addi %mul3A_473, %add3A_479 : i32
      %get3A_481 = arith.index_cast %add3A_480 : i32 to index
      %get3A_482 = tpu.vector_load %arg6[%get3A_481] {strides = array<i32>} : memref<16448xf32, #tpu.memory_space<vmem>>, vector<16xf32>,
      %add3A_483 = arith.addf %add3A_459, %get3A_482 : vector<16xf32>
      %add3A_484 = arith.constant 32 : i32
      %add3A_485 = arith.addi %mul3A_473, %add3A_484 : i32
      %get3A_486 = arith.index_cast %add3A_485 : i32 to index
      %get3A_487 = tpu.vector_load %arg6[%get3A_486] {strides = array<i32>} : memref<16448xf32, #tpu.memory_space<vmem>>, vector<16xf32>,
      %add3A_488 = arith.addf %add3A_464, %get3A_487 : vector<16xf32>
      %add3A_489 = arith.constant 48 : i32
      %add3A_490 = arith.addi %mul3A_473, %add3A_489 : i32
      %get3A_491 = arith.index_cast %add3A_490 : i32 to index
      %get3A_492 = tpu.vector_load %arg6[%get3A_491] {strides = array<i32>} : memref<16448xf32, #tpu.memory_space<vmem>>, vector<16xf32>,
      %add3A_493 = arith.addf %add3A_469, %get3A_492 : vector<16xf32>
      %slice3A_494 = vector.extract_strided_slice %get3A_27 {offsets = [3], sizes = [1], strides = [1]} : vector<16xi32> to vector<1xi32>
      %squeeze3A_495 = vector.extract %slice3A_494[0] : i32 from vector<1xi32>
      %mul3A_496 = arith.constant 64 : i32
      %mul3A_497 = arith.muli %squeeze3A_495, %mul3A_496 : i32
      %add3A_498 = arith.constant 0 : i32
      %add3A_499 = arith.addi %mul3A_497, %add3A_498 : i32
      %get3A_500 = arith.index_cast %add3A_499 : i32 to index
      %get3A_501 = tpu.vector_load %arg6[%get3A_500] {strides = array<i32>} : memref<16448xf32, #tpu.memory_space<vmem>>, vector<16xf32>,
      %add3A_502 = arith.addf %add3A_478, %get3A_501 : vector<16xf32>
      %add3A_503 = arith.constant 16 : i32
      %add3A_504 = arith.addi %mul3A_497, %add3A_503 : i32
      %get3A_505 = arith.index_cast %add3A_504 : i32 to index
      %get3A_506 = tpu.vector_load %arg6[%get3A_505] {strides = array<i32>} : memref<16448xf32, #tpu.memory_space<vmem>>, vector<16xf32>,
      %add3A_507 = arith.addf %add3A_483, %get3A_506 : vector<16xf32>
      %add3A_508 = arith.constant 32 : i32
      %add3A_509 = arith.addi %mul3A_497, %add3A_508 : i32
      %get3A_510 = arith.index_cast %add3A_509 : i32 to index
      %get3A_511 = tpu.vector_load %arg6[%get3A_510] {strides = array<i32>} : memref<16448xf32, #tpu.memory_space<vmem>>, vector<16xf32>,
      %add3A_512 = arith.addf %add3A_488, %get3A_511 : vector<16xf32>
      %add3A_513 = arith.constant 48 : i32
      %add3A_514 = arith.addi %mul3A_497, %add3A_513 : i32
      %get3A_515 = arith.index_cast %add3A_514 : i32 to index
      %get3A_516 = tpu.vector_load %arg6[%get3A_515] {strides = array<i32>} : memref<16448xf32, #tpu.memory_space<vmem>>, vector<16xf32>,
      %add3A_517 = arith.addf %add3A_493, %get3A_516 : vector<16xf32>
      %mul3A_518 = arith.constant 4 : i32
      %mul3A_519 = arith.muli %scan3A_18, %mul3A_518 : i32
      %add3A_520 = arith.constant 0 : i32
      %add3A_521 = arith.addi %mul3A_519, %add3A_520 : i32
      %mul3A_522 = arith.constant 64 : i32
      %mul3A_523 = arith.muli %add3A_521, %mul3A_522 : i32
      %mul3A_524 = vector.broadcast %scan3A : f32 to vector<16xf32>
      %mul3A_525 = arith.mulf %add3A_502, %mul3A_524 : vector<16xf32>
      %add3A_526 = arith.constant 0 : i32
      %add3A_527 = arith.addi %mul3A_523, %add3A_526 : i32
      %swap3A_528 = arith.index_cast %add3A_527 : i32 to index
      %swap3A_529 = tpu.vector_load %arg7[%swap3A_528] {strides = array<i32>} : memref<24576xf32, #tpu.memory_space<vmem>>, vector<16xf32>,
      tpu.vector_store %arg7[%swap3A_528], %mul3A_525 {strides = array<i32>} : memref<24576xf32, #tpu.memory_space<vmem>>, vector<16xf32>,
      %mul3A_530 = vector.broadcast %scan3A : f32 to vector<16xf32>
      %mul3A_531 = arith.mulf %add3A_507, %mul3A_530 : vector<16xf32>
      %add3A_532 = arith.constant 16 : i32
      %add3A_533 = arith.addi %mul3A_523, %add3A_532 : i32
      %swap3A_534 = arith.index_cast %add3A_533 : i32 to index
      %swap3A_535 = tpu.vector_load %arg7[%swap3A_534] {strides = array<i32>} : memref<24576xf32, #tpu.memory_space<vmem>>, vector<16xf32>,
      tpu.vector_store %arg7[%swap3A_534], %mul3A_531 {strides = array<i32>} : memref<24576xf32, #tpu.memory_space<vmem>>, vector<16xf32>,
      %mul3A_536 = vector.broadcast %scan3A : f32 to vector<16xf32>
      %mul3A_537 = arith.mulf %add3A_512, %mul3A_536 : vector<16xf32>
      %add3A_538 = arith.constant 32 : i32
      %add3A_539 = arith.addi %mul3A_523, %add3A_538 : i32
      %swap3A_540 = arith.index_cast %add3A_539 : i32 to index
      %swap3A_541 = tpu.vector_load %arg7[%swap3A_540] {strides = array<i32>} : memref<24576xf32, #tpu.memory_space<vmem>>, vector<16xf32>,
      tpu.vector_store %arg7[%swap3A_540], %mul3A_537 {strides = array<i32>} : memref<24576xf32, #tpu.memory_space<vmem>>, vector<16xf32>,
      %mul3A_542 = vector.broadcast %scan3A : f32 to vector<16xf32>
      %mul3A_543 = arith.mulf %add3A_517, %mul3A_542 : vector<16xf32>
      %add3A_544 = arith.constant 48 : i32
      %add3A_545 = arith.addi %mul3A_523, %add3A_544 : i32
      %swap3A_546 = arith.index_cast %add3A_545 : i32 to index
      %swap3A_547 = tpu.vector_load %arg7[%swap3A_546] {strides = array<i32>} : memref<24576xf32, #tpu.memory_space<vmem>>, vector<16xf32>,
      tpu.vector_store %arg7[%swap3A_546], %mul3A_543 {strides = array<i32>} : memref<24576xf32, #tpu.memory_space<vmem>>, vector<16xf32>,
      %slice3A_548 = vector.extract_strided_slice %get3A_27 {offsets = [4], sizes = [1], strides = [1]} : vector<16xi32> to vector<1xi32>
      %squeeze3A_549 = vector.extract %slice3A_548[0] : i32 from vector<1xi32>
      %mul3A_550 = arith.constant 64 : i32
      %mul3A_551 = arith.muli %squeeze3A_549, %mul3A_550 : i32
      %add3A_552 = arith.constant 0 : i32
      %add3A_553 = arith.addi %mul3A_551, %add3A_552 : i32
      %get3A_554 = arith.index_cast %add3A_553 : i32 to index
      %get3A_555 = tpu.vector_load %arg6[%get3A_554] {strides = array<i32>} : memref<16448xf32, #tpu.memory_space<vmem>>, vector<16xf32>,
      %add3A_556 = arith.addf %broadcast_in_dim3A_3, %get3A_555 : vector<16xf32>
      %add3A_557 = arith.constant 16 : i32
      %add3A_558 = arith.addi %mul3A_551, %add3A_557 : i32
      %get3A_559 = arith.index_cast %add3A_558 : i32 to index
      %get3A_560 = tpu.vector_load %arg6[%get3A_559] {strides = array<i32>} : memref<16448xf32, #tpu.memory_space<vmem>>, vector<16xf32>,
      %add3A_561 = arith.addf %broadcast_in_dim3A_3, %get3A_560 : vector<16xf32>
      %add3A_562 = arith.constant 32 : i32
      %add3A_563 = arith.addi %mul3A_551, %add3A_562 : i32
      %get3A_564 = arith.index_cast %add3A_563 : i32 to index
      %get3A_565 = tpu.vector_load %arg6[%get3A_564] {strides = array<i32>} : memref<16448xf32, #tpu.memory_space<vmem>>, vector<16xf32>,
      %add3A_566 = arith.addf %broadcast_in_dim3A_3, %get3A_565 : vector<16xf32>
      %add3A_567 = arith.constant 48 : i32
      %add3A_568 = arith.addi %mul3A_551, %add3A_567 : i32
      %get3A_569 = arith.index_cast %add3A_568 : i32 to index
      %get3A_570 = tpu.vector_load %arg6[%get3A_569] {strides = array<i32>} : memref<16448xf32, #tpu.memory_space<vmem>>, vector<16xf32>,
      %add3A_571 = arith.addf %broadcast_in_dim3A_3, %get3A_570 : vector<16xf32>
      %slice3A_572 = vector.extract_strided_slice %get3A_27 {offsets = [5], sizes = [1], strides = [1]} : vector<16xi32> to vector<1xi32>
      %squeeze3A_573 = vector.extract %slice3A_572[0] : i32 from vector<1xi32>
      %mul3A_574 = arith.constant 64 : i32
      %mul3A_575 = arith.muli %squeeze3A_573, %mul3A_574 : i32
      %add3A_576 = arith.constant 0 : i32
      %add3A_577 = arith.addi %mul3A_575, %add3A_576 : i32
      %get3A_578 = arith.index_cast %add3A_577 : i32 to index
      %get3A_579 = tpu.vector_load %arg6[%get3A_578] {strides = array<i32>} : memref<16448xf32, #tpu.memory_space<vmem>>, vector<16xf32>,
      %add3A_580 = arith.addf %add3A_556, %get3A_579 : vector<16xf32>
      %add3A_581 = arith.constant 16 : i32
      %add3A_582 = arith.addi %mul3A_575, %add3A_581 : i32
      %get3A_583 = arith.index_cast %add3A_582 : i32 to index
      %get3A_584 = tpu.vector_load %arg6[%get3A_583] {strides = array<i32>} : memref<16448xf32, #tpu.memory_space<vmem>>, vector<16xf32>,
      %add3A_585 = arith.addf %add3A_561, %get3A_584 : vector<16xf32>
      %add3A_586 = arith.constant 32 : i32
      %add3A_587 = arith.addi %mul3A_575, %add3A_586 : i32
      %get3A_588 = arith.index_cast %add3A_587 : i32 to index
      %get3A_589 = tpu.vector_load %arg6[%get3A_588] {strides = array<i32>} : memref<16448xf32, #tpu.memory_space<vmem>>, vector<16xf32>,
      %add3A_590 = arith.addf %add3A_566, %get3A_589 : vector<16xf32>
      %add3A_591 = arith.constant 48 : i32
      %add3A_592 = arith.addi %mul3A_575, %add3A_591 : i32
      %get3A_593 = arith.index_cast %add3A_592 : i32 to index
      %get3A_594 = tpu.vector_load %arg6[%get3A_593] {strides = array<i32>} : memref<16448xf32, #tpu.memory_space<vmem>>, vector<16xf32>,
      %add3A_595 = arith.addf %add3A_571, %get3A_594 : vector<16xf32>
      %slice3A_596 = vector.extract_strided_slice %get3A_27 {offsets = [6], sizes = [1], strides = [1]} : vector<16xi32> to vector<1xi32>
      %squeeze3A_597 = vector.extract %slice3A_596[0] : i32 from vector<1xi32>
      %mul3A_598 = arith.constant 64 : i32
      %mul3A_599 = arith.muli %squeeze3A_597, %mul3A_598 : i32
      %add3A_600 = arith.constant 0 : i32
      %add3A_601 = arith.addi %mul3A_599, %add3A_600 : i32
      %get3A_602 = arith.index_cast %add3A_601 : i32 to index
      %get3A_603 = tpu.vector_load %arg6[%get3A_602] {strides = array<i32>} : memref<16448xf32, #tpu.memory_space<vmem>>, vector<16xf32>,
      %add3A_604 = arith.addf %add3A_580, %get3A_603 : vector<16xf32>
      %add3A_605 = arith.constant 16 : i32
      %add3A_606 = arith.addi %mul3A_599, %add3A_605 : i32
      %get3A_607 = arith.index_cast %add3A_606 : i32 to index
      %get3A_608 = tpu.vector_load %arg6[%get3A_607] {strides = array<i32>} : memref<16448xf32, #tpu.memory_space<vmem>>, vector<16xf32>,
      %add3A_609 = arith.addf %add3A_585, %get3A_608 : vector<16xf32>
      %add3A_610 = arith.constant 32 : i32
      %add3A_611 = arith.addi %mul3A_599, %add3A_610 : i32
      %get3A_612 = arith.index_cast %add3A_611 : i32 to index
      %get3A_613 = tpu.vector_load %arg6[%get3A_612] {strides = array<i32>} : memref<16448xf32, #tpu.memory_space<vmem>>, vector<16xf32>,
      %add3A_614 = arith.addf %add3A_590, %get3A_613 : vector<16xf32>
      %add3A_615 = arith.constant 48 : i32
      %add3A_616 = arith.addi %mul3A_599, %add3A_615 : i32
      %get3A_617 = arith.index_cast %add3A_616 : i32 to index
      %get3A_618 = tpu.vector_load %arg6[%get3A_617] {strides = array<i32>} : memref<16448xf32, #tpu.memory_space<vmem>>, vector<16xf32>,
      %add3A_619 = arith.addf %add3A_595, %get3A_618 : vector<16xf32>
      %slice3A_620 = vector.extract_strided_slice %get3A_27 {offsets = [7], sizes = [1], strides = [1]} : vector<16xi32> to vector<1xi32>
      %squeeze3A_621 = vector.extract %slice3A_620[0] : i32 from vector<1xi32>
      %mul3A_622 = arith.constant 64 : i32
      %mul3A_623 = arith.muli %squeeze3A_621, %mul3A_622 : i32
      %add3A_624 = arith.constant 0 : i32
      %add3A_625 = arith.addi %mul3A_623, %add3A_624 : i32
      %get3A_626 = arith.index_cast %add3A_625 : i32 to index
      %get3A_627 = tpu.vector_load %arg6[%get3A_626] {strides = array<i32>} : memref<16448xf32, #tpu.memory_space<vmem>>, vector<16xf32>,
      %add3A_628 = arith.addf %add3A_604, %get3A_627 : vector<16xf32>
      %add3A_629 = arith.constant 16 : i32
      %add3A_630 = arith.addi %mul3A_623, %add3A_629 : i32
      %get3A_631 = arith.index_cast %add3A_630 : i32 to index
      %get3A_632 = tpu.vector_load %arg6[%get3A_631] {strides = array<i32>} : memref<16448xf32, #tpu.memory_space<vmem>>, vector<16xf32>,
      %add3A_633 = arith.addf %add3A_609, %get3A_632 : vector<16xf32>
      %add3A_634 = arith.constant 32 : i32
      %add3A_635 = arith.addi %mul3A_623, %add3A_634 : i32
      %get3A_636 = arith.index_cast %add3A_635 : i32 to index
      %get3A_637 = tpu.vector_load %arg6[%get3A_636] {strides = array<i32>} : memref<16448xf32, #tpu.memory_space<vmem>>, vector<16xf32>,
      %add3A_638 = arith.addf %add3A_614, %get3A_637 : vector<16xf32>
      %add3A_639 = arith.constant 48 : i32
      %add3A_640 = arith.addi %mul3A_623, %add3A_639 : i32
      %get3A_641 = arith.index_cast %add3A_640 : i32 to index
      %get3A_642 = tpu.vector_load %arg6[%get3A_641] {strides = array<i32>} : memref<16448xf32, #tpu.memory_space<vmem>>, vector<16xf32>,
      %add3A_643 = arith.addf %add3A_619, %get3A_642 : vector<16xf32>
      %slice3A_644 = vector.extract_strided_slice %get3A_27 {offsets = [8], sizes = [1], strides = [1]} : vector<16xi32> to vector<1xi32>
      %squeeze3A_645 = vector.extract %slice3A_644[0] : i32 from vector<1xi32>
      %mul3A_646 = arith.constant 64 : i32
      %mul3A_647 = arith.muli %squeeze3A_645, %mul3A_646 : i32
      %add3A_648 = arith.constant 0 : i32
      %add3A_649 = arith.addi %mul3A_647, %add3A_648 : i32
      %get3A_650 = arith.index_cast %add3A_649 : i32 to index
      %get3A_651 = tpu.vector_load %arg6[%get3A_650] {strides = array<i32>} : memref<16448xf32, #tpu.memory_space<vmem>>, vector<16xf32>,
      %add3A_652 = arith.addf %add3A_628, %get3A_651 : vector<16xf32>
      %add3A_653 = arith.constant 16 : i32
      %add3A_654 = arith.addi %mul3A_647, %add3A_653 : i32
      %get3A_655 = arith.index_cast %add3A_654 : i32 to index
      %get3A_656 = tpu.vector_load %arg6[%get3A_655] {strides = array<i32>} : memref<16448xf32, #tpu.memory_space<vmem>>, vector<16xf32>,
      %add3A_657 = arith.addf %add3A_633, %get3A_656 : vector<16xf32>
      %add3A_658 = arith.constant 32 : i32
      %add3A_659 = arith.addi %mul3A_647, %add3A_658 : i32
      %get3A_660 = arith.index_cast %add3A_659 : i32 to index
      %get3A_661 = tpu.vector_load %arg6[%get3A_660] {strides = array<i32>} : memref<16448xf32, #tpu.memory_space<vmem>>, vector<16xf32>,
      %add3A_662 = arith.addf %add3A_638, %get3A_661 : vector<16xf32>
      %add3A_663 = arith.constant 48 : i32
      %add3A_664 = arith.addi %mul3A_647, %add3A_663 : i32
      %get3A_665 = arith.index_cast %add3A_664 : i32 to index
      %get3A_666 = tpu.vector_load %arg6[%get3A_665] {strides = array<i32>} : memref<16448xf32, #tpu.memory_space<vmem>>, vector<16xf32>,
      %add3A_667 = arith.addf %add3A_643, %get3A_666 : vector<16xf32>
      %slice3A_668 = vector.extract_strided_slice %get3A_27 {offsets = [9], sizes = [1], strides = [1]} : vector<16xi32> to vector<1xi32>
      %squeeze3A_669 = vector.extract %slice3A_668[0] : i32 from vector<1xi32>
      %mul3A_670 = arith.constant 64 : i32
      %mul3A_671 = arith.muli %squeeze3A_669, %mul3A_670 : i32
      %add3A_672 = arith.constant 0 : i32
      %add3A_673 = arith.addi %mul3A_671, %add3A_672 : i32
      %get3A_674 = arith.index_cast %add3A_673 : i32 to index
      %get3A_675 = tpu.vector_load %arg6[%get3A_674] {strides = array<i32>} : memref<16448xf32, #tpu.memory_space<vmem>>, vector<16xf32>,
      %add3A_676 = arith.addf %add3A_652, %get3A_675 : vector<16xf32>
      %add3A_677 = arith.constant 16 : i32
      %add3A_678 = arith.addi %mul3A_671, %add3A_677 : i32
      %get3A_679 = arith.index_cast %add3A_678 : i32 to index
      %get3A_680 = tpu.vector_load %arg6[%get3A_679] {strides = array<i32>} : memref<16448xf32, #tpu.memory_space<vmem>>, vector<16xf32>,
      %add3A_681 = arith.addf %add3A_657, %get3A_680 : vector<16xf32>
      %add3A_682 = arith.constant 32 : i32
      %add3A_683 = arith.addi %mul3A_671, %add3A_682 : i32
      %get3A_684 = arith.index_cast %add3A_683 : i32 to index
      %get3A_685 = tpu.vector_load %arg6[%get3A_684] {strides = array<i32>} : memref<16448xf32, #tpu.memory_space<vmem>>, vector<16xf32>,
      %add3A_686 = arith.addf %add3A_662, %get3A_685 : vector<16xf32>
      %add3A_687 = arith.constant 48 : i32
      %add3A_688 = arith.addi %mul3A_671, %add3A_687 : i32
      %get3A_689 = arith.index_cast %add3A_688 : i32 to index
      %get3A_690 = tpu.vector_load %arg6[%get3A_689] {strides = array<i32>} : memref<16448xf32, #tpu.memory_space<vmem>>, vector<16xf32>,
      %add3A_691 = arith.addf %add3A_667, %get3A_690 : vector<16xf32>
      %slice3A_692 = vector.extract_strided_slice %get3A_27 {offsets = [10], sizes = [1], strides = [1]} : vector<16xi32> to vector<1xi32>
      %squeeze3A_693 = vector.extract %slice3A_692[0] : i32 from vector<1xi32>
      %mul3A_694 = arith.constant 64 : i32
      %mul3A_695 = arith.muli %squeeze3A_693, %mul3A_694 : i32
      %add3A_696 = arith.constant 0 : i32
      %add3A_697 = arith.addi %mul3A_695, %add3A_696 : i32
      %get3A_698 = arith.index_cast %add3A_697 : i32 to index
      %get3A_699 = tpu.vector_load %arg6[%get3A_698] {strides = array<i32>} : memref<16448xf32, #tpu.memory_space<vmem>>, vector<16xf32>,
      %add3A_700 = arith.addf %add3A_676, %get3A_699 : vector<16xf32>
      %add3A_701 = arith.constant 16 : i32
      %add3A_702 = arith.addi %mul3A_695, %add3A_701 : i32
      %get3A_703 = arith.index_cast %add3A_702 : i32 to index
      %get3A_704 = tpu.vector_load %arg6[%get3A_703] {strides = array<i32>} : memref<16448xf32, #tpu.memory_space<vmem>>, vector<16xf32>,
      %add3A_705 = arith.addf %add3A_681, %get3A_704 : vector<16xf32>
      %add3A_706 = arith.constant 32 : i32
      %add3A_707 = arith.addi %mul3A_695, %add3A_706 : i32
      %get3A_708 = arith.index_cast %add3A_707 : i32 to index
      %get3A_709 = tpu.vector_load %arg6[%get3A_708] {strides = array<i32>} : memref<16448xf32, #tpu.memory_space<vmem>>, vector<16xf32>,
      %add3A_710 = arith.addf %add3A_686, %get3A_709 : vector<16xf32>
      %add3A_711 = arith.constant 48 : i32
      %add3A_712 = arith.addi %mul3A_695, %add3A_711 : i32
      %get3A_713 = arith.index_cast %add3A_712 : i32 to index
      %get3A_714 = tpu.vector_load %arg6[%get3A_713] {strides = array<i32>} : memref<16448xf32, #tpu.memory_space<vmem>>, vector<16xf32>,
      %add3A_715 = arith.addf %add3A_691, %get3A_714 : vector<16xf32>
      %slice3A_716 = vector.extract_strided_slice %get3A_27 {offsets = [11], sizes = [1], strides = [1]} : vector<16xi32> to vector<1xi32>
      %squeeze3A_717 = vector.extract %slice3A_716[0] : i32 from vector<1xi32>
      %mul3A_718 = arith.constant 64 : i32
      %mul3A_719 = arith.muli %squeeze3A_717, %mul3A_718 : i32
      %add3A_720 = arith.constant 0 : i32
      %add3A_721 = arith.addi %mul3A_719, %add3A_720 : i32
      %get3A_722 = arith.index_cast %add3A_721 : i32 to index
      %get3A_723 = tpu.vector_load %arg6[%get3A_722] {strides = array<i32>} : memref<16448xf32, #tpu.memory_space<vmem>>, vector<16xf32>,
      %add3A_724 = arith.addf %add3A_700, %get3A_723 : vector<16xf32>
      %add3A_725 = arith.constant 16 : i32
      %add3A_726 = arith.addi %mul3A_719, %add3A_725 : i32
      %get3A_727 = arith.index_cast %add3A_726 : i32 to index
      %get3A_728 = tpu.vector_load %arg6[%get3A_727] {strides = array<i32>} : memref<16448xf32, #tpu.memory_space<vmem>>, vector<16xf32>,
      %add3A_729 = arith.addf %add3A_705, %get3A_728 : vector<16xf32>
      %add3A_730 = arith.constant 32 : i32
      %add3A_731 = arith.addi %mul3A_719, %add3A_730 : i32
      %get3A_732 = arith.index_cast %add3A_731 : i32 to index
      %get3A_733 = tpu.vector_load %arg6[%get3A_732] {strides = array<i32>} : memref<16448xf32, #tpu.memory_space<vmem>>, vector<16xf32>,
      %add3A_734 = arith.addf %add3A_710, %get3A_733 : vector<16xf32>
      %add3A_735 = arith.constant 48 : i32
      %add3A_736 = arith.addi %mul3A_719, %add3A_735 : i32
      %get3A_737 = arith.index_cast %add3A_736 : i32 to index
      %get3A_738 = tpu.vector_load %arg6[%get3A_737] {strides = array<i32>} : memref<16448xf32, #tpu.memory_space<vmem>>, vector<16xf32>,
      %add3A_739 = arith.addf %add3A_715, %get3A_738 : vector<16xf32>
      %slice3A_740 = vector.extract_strided_slice %get3A_27 {offsets = [12], sizes = [1], strides = [1]} : vector<16xi32> to vector<1xi32>
      %squeeze3A_741 = vector.extract %slice3A_740[0] : i32 from vector<1xi32>
      %mul3A_742 = arith.constant 64 : i32
      %mul3A_743 = arith.muli %squeeze3A_741, %mul3A_742 : i32
      %add3A_744 = arith.constant 0 : i32
      %add3A_745 = arith.addi %mul3A_743, %add3A_744 : i32
      %get3A_746 = arith.index_cast %add3A_745 : i32 to index
      %get3A_747 = tpu.vector_load %arg6[%get3A_746] {strides = array<i32>} : memref<16448xf32, #tpu.memory_space<vmem>>, vector<16xf32>,
      %add3A_748 = arith.addf %add3A_724, %get3A_747 : vector<16xf32>
      %add3A_749 = arith.constant 16 : i32
      %add3A_750 = arith.addi %mul3A_743, %add3A_749 : i32
      %get3A_751 = arith.index_cast %add3A_750 : i32 to index
      %get3A_752 = tpu.vector_load %arg6[%get3A_751] {strides = array<i32>} : memref<16448xf32, #tpu.memory_space<vmem>>, vector<16xf32>,
      %add3A_753 = arith.addf %add3A_729, %get3A_752 : vector<16xf32>
      %add3A_754 = arith.constant 32 : i32
      %add3A_755 = arith.addi %mul3A_743, %add3A_754 : i32
      %get3A_756 = arith.index_cast %add3A_755 : i32 to index
      %get3A_757 = tpu.vector_load %arg6[%get3A_756] {strides = array<i32>} : memref<16448xf32, #tpu.memory_space<vmem>>, vector<16xf32>,
      %add3A_758 = arith.addf %add3A_734, %get3A_757 : vector<16xf32>
      %add3A_759 = arith.constant 48 : i32
      %add3A_760 = arith.addi %mul3A_743, %add3A_759 : i32
      %get3A_761 = arith.index_cast %add3A_760 : i32 to index
      %get3A_762 = tpu.vector_load %arg6[%get3A_761] {strides = array<i32>} : memref<16448xf32, #tpu.memory_space<vmem>>, vector<16xf32>,
      %add3A_763 = arith.addf %add3A_739, %get3A_762 : vector<16xf32>
      %slice3A_764 = vector.extract_strided_slice %get3A_27 {offsets = [13], sizes = [1], strides = [1]} : vector<16xi32> to vector<1xi32>
      %squeeze3A_765 = vector.extract %slice3A_764[0] : i32 from vector<1xi32>
      %mul3A_766 = arith.constant 64 : i32
      %mul3A_767 = arith.muli %squeeze3A_765, %mul3A_766 : i32
      %add3A_768 = arith.constant 0 : i32
      %add3A_769 = arith.addi %mul3A_767, %add3A_768 : i32
      %get3A_770 = arith.index_cast %add3A_769 : i32 to index
      %get3A_771 = tpu.vector_load %arg6[%get3A_770] {strides = array<i32>} : memref<16448xf32, #tpu.memory_space<vmem>>, vector<16xf32>,
      %add3A_772 = arith.addf %add3A_748, %get3A_771 : vector<16xf32>
      %add3A_773 = arith.constant 16 : i32
      %add3A_774 = arith.addi %mul3A_767, %add3A_773 : i32
      %get3A_775 = arith.index_cast %add3A_774 : i32 to index
      %get3A_776 = tpu.vector_load %arg6[%get3A_775] {strides = array<i32>} : memref<16448xf32, #tpu.memory_space<vmem>>, vector<16xf32>,
      %add3A_777 = arith.addf %add3A_753, %get3A_776 : vector<16xf32>
      %add3A_778 = arith.constant 32 : i32
      %add3A_779 = arith.addi %mul3A_767, %add3A_778 : i32
      %get3A_780 = arith.index_cast %add3A_779 : i32 to index
      %get3A_781 = tpu.vector_load %arg6[%get3A_780] {strides = array<i32>} : memref<16448xf32, #tpu.memory_space<vmem>>, vector<16xf32>,
      %add3A_782 = arith.addf %add3A_758, %get3A_781 : vector<16xf32>
      %add3A_783 = arith.constant 48 : i32
      %add3A_784 = arith.addi %mul3A_767, %add3A_783 : i32
      %get3A_785 = arith.index_cast %add3A_784 : i32 to index
      %get3A_786 = tpu.vector_load %arg6[%get3A_785] {strides = array<i32>} : memref<16448xf32, #tpu.memory_space<vmem>>, vector<16xf32>,
      %add3A_787 = arith.addf %add3A_763, %get3A_786 : vector<16xf32>
      %slice3A_788 = vector.extract_strided_slice %get3A_27 {offsets = [14], sizes = [1], strides = [1]} : vector<16xi32> to vector<1xi32>
      %squeeze3A_789 = vector.extract %slice3A_788[0] : i32 from vector<1xi32>
      %mul3A_790 = arith.constant 64 : i32
      %mul3A_791 = arith.muli %squeeze3A_789, %mul3A_790 : i32
      %add3A_792 = arith.constant 0 : i32
      %add3A_793 = arith.addi %mul3A_791, %add3A_792 : i32
      %get3A_794 = arith.index_cast %add3A_793 : i32 to index
      %get3A_795 = tpu.vector_load %arg6[%get3A_794] {strides = array<i32>} : memref<16448xf32, #tpu.memory_space<vmem>>, vector<16xf32>,
      %add3A_796 = arith.addf %add3A_772, %get3A_795 : vector<16xf32>
      %add3A_797 = arith.constant 16 : i32
      %add3A_798 = arith.addi %mul3A_791, %add3A_797 : i32
      %get3A_799 = arith.index_cast %add3A_798 : i32 to index
      %get3A_800 = tpu.vector_load %arg6[%get3A_799] {strides = array<i32>} : memref<16448xf32, #tpu.memory_space<vmem>>, vector<16xf32>,
      %add3A_801 = arith.addf %add3A_777, %get3A_800 : vector<16xf32>
      %add3A_802 = arith.constant 32 : i32
      %add3A_803 = arith.addi %mul3A_791, %add3A_802 : i32
      %get3A_804 = arith.index_cast %add3A_803 : i32 to index
      %get3A_805 = tpu.vector_load %arg6[%get3A_804] {strides = array<i32>} : memref<16448xf32, #tpu.memory_space<vmem>>, vector<16xf32>,
      %add3A_806 = arith.addf %add3A_782, %get3A_805 : vector<16xf32>
      %add3A_807 = arith.constant 48 : i32
      %add3A_808 = arith.addi %mul3A_791, %add3A_807 : i32
      %get3A_809 = arith.index_cast %add3A_808 : i32 to index
      %get3A_810 = tpu.vector_load %arg6[%get3A_809] {strides = array<i32>} : memref<16448xf32, #tpu.memory_space<vmem>>, vector<16xf32>,
      %add3A_811 = arith.addf %add3A_787, %get3A_810 : vector<16xf32>
      %slice3A_812 = vector.extract_strided_slice %get3A_27 {offsets = [15], sizes = [1], strides = [1]} : vector<16xi32> to vector<1xi32>
      %squeeze3A_813 = vector.extract %slice3A_812[0] : i32 from vector<1xi32>
      %mul3A_814 = arith.constant 64 : i32
      %mul3A_815 = arith.muli %squeeze3A_813, %mul3A_814 : i32
      %add3A_816 = arith.constant 0 : i32
      %add3A_817 = arith.addi %mul3A_815, %add3A_816 : i32
      %get3A_818 = arith.index_cast %add3A_817 : i32 to index
      %get3A_819 = tpu.vector_load %arg6[%get3A_818] {strides = array<i32>} : memref<16448xf32, #tpu.memory_space<vmem>>, vector<16xf32>,
      %add3A_820 = arith.addf %add3A_796, %get3A_819 : vector<16xf32>
      %add3A_821 = arith.constant 16 : i32
      %add3A_822 = arith.addi %mul3A_815, %add3A_821 : i32
      %get3A_823 = arith.index_cast %add3A_822 : i32 to index
      %get3A_824 = tpu.vector_load %arg6[%get3A_823] {strides = array<i32>} : memref<16448xf32, #tpu.memory_space<vmem>>, vector<16xf32>,
      %add3A_825 = arith.addf %add3A_801, %get3A_824 : vector<16xf32>
      %add3A_826 = arith.constant 32 : i32
      %add3A_827 = arith.addi %mul3A_815, %add3A_826 : i32
      %get3A_828 = arith.index_cast %add3A_827 : i32 to index
      %get3A_829 = tpu.vector_load %arg6[%get3A_828] {strides = array<i32>} : memref<16448xf32, #tpu.memory_space<vmem>>, vector<16xf32>,
      %add3A_830 = arith.addf %add3A_806, %get3A_829 : vector<16xf32>
      %add3A_831 = arith.constant 48 : i32
      %add3A_832 = arith.addi %mul3A_815, %add3A_831 : i32
      %get3A_833 = arith.index_cast %add3A_832 : i32 to index
      %get3A_834 = tpu.vector_load %arg6[%get3A_833] {strides = array<i32>} : memref<16448xf32, #tpu.memory_space<vmem>>, vector<16xf32>,
      %add3A_835 = arith.addf %add3A_811, %get3A_834 : vector<16xf32>
      %slice3A_836 = vector.extract_strided_slice %get3A_31 {offsets = [0], sizes = [1], strides = [1]} : vector<16xi32> to vector<1xi32>
      %squeeze3A_837 = vector.extract %slice3A_836[0] : i32 from vector<1xi32>
      %mul3A_838 = arith.constant 64 : i32
      %mul3A_839 = arith.muli %squeeze3A_837, %mul3A_838 : i32
      %add3A_840 = arith.constant 0 : i32
      %add3A_841 = arith.addi %mul3A_839, %add3A_840 : i32
      %get3A_842 = arith.index_cast %add3A_841 : i32 to index
      %get3A_843 = tpu.vector_load %arg6[%get3A_842] {strides = array<i32>} : memref<16448xf32, #tpu.memory_space<vmem>>, vector<16xf32>,
      %add3A_844 = arith.addf %add3A_820, %get3A_843 : vector<16xf32>
      %add3A_845 = arith.constant 16 : i32
      %add3A_846 = arith.addi %mul3A_839, %add3A_845 : i32
      %get3A_847 = arith.index_cast %add3A_846 : i32 to index
      %get3A_848 = tpu.vector_load %arg6[%get3A_847] {strides = array<i32>} : memref<16448xf32, #tpu.memory_space<vmem>>, vector<16xf32>,
      %add3A_849 = arith.addf %add3A_825, %get3A_848 : vector<16xf32>
      %add3A_850 = arith.constant 32 : i32
      %add3A_851 = arith.addi %mul3A_839, %add3A_850 : i32
      %get3A_852 = arith.index_cast %add3A_851 : i32 to index
      %get3A_853 = tpu.vector_load %arg6[%get3A_852] {strides = array<i32>} : memref<16448xf32, #tpu.memory_space<vmem>>, vector<16xf32>,
      %add3A_854 = arith.addf %add3A_830, %get3A_853 : vector<16xf32>
      %add3A_855 = arith.constant 48 : i32
      %add3A_856 = arith.addi %mul3A_839, %add3A_855 : i32
      %get3A_857 = arith.index_cast %add3A_856 : i32 to index
      %get3A_858 = tpu.vector_load %arg6[%get3A_857] {strides = array<i32>} : memref<16448xf32, #tpu.memory_space<vmem>>, vector<16xf32>,
      %add3A_859 = arith.addf %add3A_835, %get3A_858 : vector<16xf32>
      %slice3A_860 = vector.extract_strided_slice %get3A_31 {offsets = [1], sizes = [1], strides = [1]} : vector<16xi32> to vector<1xi32>
      %squeeze3A_861 = vector.extract %slice3A_860[0] : i32 from vector<1xi32>
      %mul3A_862 = arith.constant 64 : i32
      %mul3A_863 = arith.muli %squeeze3A_861, %mul3A_862 : i32
      %add3A_864 = arith.constant 0 : i32
      %add3A_865 = arith.addi %mul3A_863, %add3A_864 : i32
      %get3A_866 = arith.index_cast %add3A_865 : i32 to index
      %get3A_867 = tpu.vector_load %arg6[%get3A_866] {strides = array<i32>} : memref<16448xf32, #tpu.memory_space<vmem>>, vector<16xf32>,
      %add3A_868 = arith.addf %add3A_844, %get3A_867 : vector<16xf32>
      %add3A_869 = arith.constant 16 : i32
      %add3A_870 = arith.addi %mul3A_863, %add3A_869 : i32
      %get3A_871 = arith.index_cast %add3A_870 : i32 to index
      %get3A_872 = tpu.vector_load %arg6[%get3A_871] {strides = array<i32>} : memref<16448xf32, #tpu.memory_space<vmem>>, vector<16xf32>,
      %add3A_873 = arith.addf %add3A_849, %get3A_872 : vector<16xf32>
      %add3A_874 = arith.constant 32 : i32
      %add3A_875 = arith.addi %mul3A_863, %add3A_874 : i32
      %get3A_876 = arith.index_cast %add3A_875 : i32 to index
      %get3A_877 = tpu.vector_load %arg6[%get3A_876] {strides = array<i32>} : memref<16448xf32, #tpu.memory_space<vmem>>, vector<16xf32>,
      %add3A_878 = arith.addf %add3A_854, %get3A_877 : vector<16xf32>
      %add3A_879 = arith.constant 48 : i32
      %add3A_880 = arith.addi %mul3A_863, %add3A_879 : i32
      %get3A_881 = arith.index_cast %add3A_880 : i32 to index
      %get3A_882 = tpu.vector_load %arg6[%get3A_881] {strides = array<i32>} : memref<16448xf32, #tpu.memory_space<vmem>>, vector<16xf32>,
      %add3A_883 = arith.addf %add3A_859, %get3A_882 : vector<16xf32>
      %slice3A_884 = vector.extract_strided_slice %get3A_31 {offsets = [2], sizes = [1], strides = [1]} : vector<16xi32> to vector<1xi32>
      %squeeze3A_885 = vector.extract %slice3A_884[0] : i32 from vector<1xi32>
      %mul3A_886 = arith.constant 64 : i32
      %mul3A_887 = arith.muli %squeeze3A_885, %mul3A_886 : i32
      %add3A_888 = arith.constant 0 : i32
      %add3A_889 = arith.addi %mul3A_887, %add3A_888 : i32
      %get3A_890 = arith.index_cast %add3A_889 : i32 to index
      %get3A_891 = tpu.vector_load %arg6[%get3A_890] {strides = array<i32>} : memref<16448xf32, #tpu.memory_space<vmem>>, vector<16xf32>,
      %add3A_892 = arith.addf %add3A_868, %get3A_891 : vector<16xf32>
      %add3A_893 = arith.constant 16 : i32
      %add3A_894 = arith.addi %mul3A_887, %add3A_893 : i32
      %get3A_895 = arith.index_cast %add3A_894 : i32 to index
      %get3A_896 = tpu.vector_load %arg6[%get3A_895] {strides = array<i32>} : memref<16448xf32, #tpu.memory_space<vmem>>, vector<16xf32>,
      %add3A_897 = arith.addf %add3A_873, %get3A_896 : vector<16xf32>
      %add3A_898 = arith.constant 32 : i32
      %add3A_899 = arith.addi %mul3A_887, %add3A_898 : i32
      %get3A_900 = arith.index_cast %add3A_899 : i32 to index
      %get3A_901 = tpu.vector_load %arg6[%get3A_900] {strides = array<i32>} : memref<16448xf32, #tpu.memory_space<vmem>>, vector<16xf32>,
      %add3A_902 = arith.addf %add3A_878, %get3A_901 : vector<16xf32>
      %add3A_903 = arith.constant 48 : i32
      %add3A_904 = arith.addi %mul3A_887, %add3A_903 : i32
      %get3A_905 = arith.index_cast %add3A_904 : i32 to index
      %get3A_906 = tpu.vector_load %arg6[%get3A_905] {strides = array<i32>} : memref<16448xf32, #tpu.memory_space<vmem>>, vector<16xf32>,
      %add3A_907 = arith.addf %add3A_883, %get3A_906 : vector<16xf32>
      %slice3A_908 = vector.extract_strided_slice %get3A_31 {offsets = [3], sizes = [1], strides = [1]} : vector<16xi32> to vector<1xi32>
      %squeeze3A_909 = vector.extract %slice3A_908[0] : i32 from vector<1xi32>
      %mul3A_910 = arith.constant 64 : i32
      %mul3A_911 = arith.muli %squeeze3A_909, %mul3A_910 : i32
      %add3A_912 = arith.constant 0 : i32
      %add3A_913 = arith.addi %mul3A_911, %add3A_912 : i32
      %get3A_914 = arith.index_cast %add3A_913 : i32 to index
      %get3A_915 = tpu.vector_load %arg6[%get3A_914] {strides = array<i32>} : memref<16448xf32, #tpu.memory_space<vmem>>, vector<16xf32>,
      %add3A_916 = arith.addf %add3A_892, %get3A_915 : vector<16xf32>
      %add3A_917 = arith.constant 16 : i32
      %add3A_918 = arith.addi %mul3A_911, %add3A_917 : i32
      %get3A_919 = arith.index_cast %add3A_918 : i32 to index
      %get3A_920 = tpu.vector_load %arg6[%get3A_919] {strides = array<i32>} : memref<16448xf32, #tpu.memory_space<vmem>>, vector<16xf32>,
      %add3A_921 = arith.addf %add3A_897, %get3A_920 : vector<16xf32>
      %add3A_922 = arith.constant 32 : i32
      %add3A_923 = arith.addi %mul3A_911, %add3A_922 : i32
      %get3A_924 = arith.index_cast %add3A_923 : i32 to index
      %get3A_925 = tpu.vector_load %arg6[%get3A_924] {strides = array<i32>} : memref<16448xf32, #tpu.memory_space<vmem>>, vector<16xf32>,
      %add3A_926 = arith.addf %add3A_902, %get3A_925 : vector<16xf32>
      %add3A_927 = arith.constant 48 : i32
      %add3A_928 = arith.addi %mul3A_911, %add3A_927 : i32
      %get3A_929 = arith.index_cast %add3A_928 : i32 to index
      %get3A_930 = tpu.vector_load %arg6[%get3A_929] {strides = array<i32>} : memref<16448xf32, #tpu.memory_space<vmem>>, vector<16xf32>,
      %add3A_931 = arith.addf %add3A_907, %get3A_930 : vector<16xf32>
      %slice3A_932 = vector.extract_strided_slice %get3A_31 {offsets = [4], sizes = [1], strides = [1]} : vector<16xi32> to vector<1xi32>
      %squeeze3A_933 = vector.extract %slice3A_932[0] : i32 from vector<1xi32>
      %mul3A_934 = arith.constant 64 : i32
      %mul3A_935 = arith.muli %squeeze3A_933, %mul3A_934 : i32
      %add3A_936 = arith.constant 0 : i32
      %add3A_937 = arith.addi %mul3A_935, %add3A_936 : i32
      %get3A_938 = arith.index_cast %add3A_937 : i32 to index
      %get3A_939 = tpu.vector_load %arg6[%get3A_938] {strides = array<i32>} : memref<16448xf32, #tpu.memory_space<vmem>>, vector<16xf32>,
      %add3A_940 = arith.addf %add3A_916, %get3A_939 : vector<16xf32>
      %add3A_941 = arith.constant 16 : i32
      %add3A_942 = arith.addi %mul3A_935, %add3A_941 : i32
      %get3A_943 = arith.index_cast %add3A_942 : i32 to index
      %get3A_944 = tpu.vector_load %arg6[%get3A_943] {strides = array<i32>} : memref<16448xf32, #tpu.memory_space<vmem>>, vector<16xf32>,
      %add3A_945 = arith.addf %add3A_921, %get3A_944 : vector<16xf32>
      %add3A_946 = arith.constant 32 : i32
      %add3A_947 = arith.addi %mul3A_935, %add3A_946 : i32
      %get3A_948 = arith.index_cast %add3A_947 : i32 to index
      %get3A_949 = tpu.vector_load %arg6[%get3A_948] {strides = array<i32>} : memref<16448xf32, #tpu.memory_space<vmem>>, vector<16xf32>,
      %add3A_950 = arith.addf %add3A_926, %get3A_949 : vector<16xf32>
      %add3A_951 = arith.constant 48 : i32
      %add3A_952 = arith.addi %mul3A_935, %add3A_951 : i32
      %get3A_953 = arith.index_cast %add3A_952 : i32 to index
      %get3A_954 = tpu.vector_load %arg6[%get3A_953] {strides = array<i32>} : memref<16448xf32, #tpu.memory_space<vmem>>, vector<16xf32>,
      %add3A_955 = arith.addf %add3A_931, %get3A_954 : vector<16xf32>
      %slice3A_956 = vector.extract_strided_slice %get3A_31 {offsets = [5], sizes = [1], strides = [1]} : vector<16xi32> to vector<1xi32>
      %squeeze3A_957 = vector.extract %slice3A_956[0] : i32 from vector<1xi32>
      %mul3A_958 = arith.constant 64 : i32
      %mul3A_959 = arith.muli %squeeze3A_957, %mul3A_958 : i32
      %add3A_960 = arith.constant 0 : i32
      %add3A_961 = arith.addi %mul3A_959, %add3A_960 : i32
      %get3A_962 = arith.index_cast %add3A_961 : i32 to index
      %get3A_963 = tpu.vector_load %arg6[%get3A_962] {strides = array<i32>} : memref<16448xf32, #tpu.memory_space<vmem>>, vector<16xf32>,
      %add3A_964 = arith.addf %add3A_940, %get3A_963 : vector<16xf32>
      %add3A_965 = arith.constant 16 : i32
      %add3A_966 = arith.addi %mul3A_959, %add3A_965 : i32
      %get3A_967 = arith.index_cast %add3A_966 : i32 to index
      %get3A_968 = tpu.vector_load %arg6[%get3A_967] {strides = array<i32>} : memref<16448xf32, #tpu.memory_space<vmem>>, vector<16xf32>,
      %add3A_969 = arith.addf %add3A_945, %get3A_968 : vector<16xf32>
      %add3A_970 = arith.constant 32 : i32
      %add3A_971 = arith.addi %mul3A_959, %add3A_970 : i32
      %get3A_972 = arith.index_cast %add3A_971 : i32 to index
      %get3A_973 = tpu.vector_load %arg6[%get3A_972] {strides = array<i32>} : memref<16448xf32, #tpu.memory_space<vmem>>, vector<16xf32>,
      %add3A_974 = arith.addf %add3A_950, %get3A_973 : vector<16xf32>
      %add3A_975 = arith.constant 48 : i32
      %add3A_976 = arith.addi %mul3A_959, %add3A_975 : i32
      %get3A_977 = arith.index_cast %add3A_976 : i32 to index
      %get3A_978 = tpu.vector_load %arg6[%get3A_977] {strides = array<i32>} : memref<16448xf32, #tpu.memory_space<vmem>>, vector<16xf32>,
      %add3A_979 = arith.addf %add3A_955, %get3A_978 : vector<16xf32>
      %slice3A_980 = vector.extract_strided_slice %get3A_31 {offsets = [6], sizes = [1], strides = [1]} : vector<16xi32> to vector<1xi32>
      %squeeze3A_981 = vector.extract %slice3A_980[0] : i32 from vector<1xi32>
      %mul3A_982 = arith.constant 64 : i32
      %mul3A_983 = arith.muli %squeeze3A_981, %mul3A_982 : i32
      %add3A_984 = arith.constant 0 : i32
      %add3A_985 = arith.addi %mul3A_983, %add3A_984 : i32
      %get3A_986 = arith.index_cast %add3A_985 : i32 to index
      %get3A_987 = tpu.vector_load %arg6[%get3A_986] {strides = array<i32>} : memref<16448xf32, #tpu.memory_space<vmem>>, vector<16xf32>,
      %add3A_988 = arith.addf %add3A_964, %get3A_987 : vector<16xf32>
      %add3A_989 = arith.constant 16 : i32
      %add3A_990 = arith.addi %mul3A_983, %add3A_989 : i32
      %get3A_991 = arith.index_cast %add3A_990 : i32 to index
      %get3A_992 = tpu.vector_load %arg6[%get3A_991] {strides = array<i32>} : memref<16448xf32, #tpu.memory_space<vmem>>, vector<16xf32>,
      %add3A_993 = arith.addf %add3A_969, %get3A_992 : vector<16xf32>
      %add3A_994 = arith.constant 32 : i32
      %add3A_995 = arith.addi %mul3A_983, %add3A_994 : i32
      %get3A_996 = arith.index_cast %add3A_995 : i32 to index
      %get3A_997 = tpu.vector_load %arg6[%get3A_996] {strides = array<i32>} : memref<16448xf32, #tpu.memory_space<vmem>>, vector<16xf32>,
      %add3A_998 = arith.addf %add3A_974, %get3A_997 : vector<16xf32>
      %add3A_999 = arith.constant 48 : i32
      %add3A_1000 = arith.addi %mul3A_983, %add3A_999 : i32
      %get3A_1001 = arith.index_cast %add3A_1000 : i32 to index
      %get3A_1002 = tpu.vector_load %arg6[%get3A_1001] {strides = array<i32>} : memref<16448xf32, #tpu.memory_space<vmem>>, vector<16xf32>,
      %add3A_1003 = arith.addf %add3A_979, %get3A_1002 : vector<16xf32>
      %slice3A_1004 = vector.extract_strided_slice %get3A_31 {offsets = [7], sizes = [1], strides = [1]} : vector<16xi32> to vector<1xi32>
      %squeeze3A_1005 = vector.extract %slice3A_1004[0] : i32 from vector<1xi32>
      %mul3A_1006 = arith.constant 64 : i32
      %mul3A_1007 = arith.muli %squeeze3A_1005, %mul3A_1006 : i32
      %add3A_1008 = arith.constant 0 : i32
      %add3A_1009 = arith.addi %mul3A_1007, %add3A_1008 : i32
      %get3A_1010 = arith.index_cast %add3A_1009 : i32 to index
      %get3A_1011 = tpu.vector_load %arg6[%get3A_1010] {strides = array<i32>} : memref<16448xf32, #tpu.memory_space<vmem>>, vector<16xf32>,
      %add3A_1012 = arith.addf %add3A_988, %get3A_1011 : vector<16xf32>
      %add3A_1013 = arith.constant 16 : i32
      %add3A_1014 = arith.addi %mul3A_1007, %add3A_1013 : i32
      %get3A_1015 = arith.index_cast %add3A_1014 : i32 to index
      %get3A_1016 = tpu.vector_load %arg6[%get3A_1015] {strides = array<i32>} : memref<16448xf32, #tpu.memory_space<vmem>>, vector<16xf32>,
      %add3A_1017 = arith.addf %add3A_993, %get3A_1016 : vector<16xf32>
      %add3A_1018 = arith.constant 32 : i32
      %add3A_1019 = arith.addi %mul3A_1007, %add3A_1018 : i32
      %get3A_1020 = arith.index_cast %add3A_1019 : i32 to index
      %get3A_1021 = tpu.vector_load %arg6[%get3A_1020] {strides = array<i32>} : memref<16448xf32, #tpu.memory_space<vmem>>, vector<16xf32>,
      %add3A_1022 = arith.addf %add3A_998, %get3A_1021 : vector<16xf32>
      %add3A_1023 = arith.constant 48 : i32
      %add3A_1024 = arith.addi %mul3A_1007, %add3A_1023 : i32
      %get3A_1025 = arith.index_cast %add3A_1024 : i32 to index
      %get3A_1026 = tpu.vector_load %arg6[%get3A_1025] {strides = array<i32>} : memref<16448xf32, #tpu.memory_space<vmem>>, vector<16xf32>,
      %add3A_1027 = arith.addf %add3A_1003, %get3A_1026 : vector<16xf32>
      %mul3A_1028 = arith.constant 4 : i32
      %mul3A_1029 = arith.muli %scan3A_18, %mul3A_1028 : i32
      %add3A_1030 = arith.constant 1 : i32
      %add3A_1031 = arith.addi %mul3A_1029, %add3A_1030 : i32
      %mul3A_1032 = arith.constant 64 : i32
      %mul3A_1033 = arith.muli %add3A_1031, %mul3A_1032 : i32
      %mul3A_1034 = vector.broadcast %scan3A : f32 to vector<16xf32>
      %mul3A_1035 = arith.mulf %add3A_1012, %mul3A_1034 : vector<16xf32>
      %add3A_1036 = arith.constant 0 : i32
      %add3A_1037 = arith.addi %mul3A_1033, %add3A_1036 : i32
      %swap3A_1038 = arith.index_cast %add3A_1037 : i32 to index
      %swap3A_1039 = tpu.vector_load %arg7[%swap3A_1038] {strides = array<i32>} : memref<24576xf32, #tpu.memory_space<vmem>>, vector<16xf32>,
      tpu.vector_store %arg7[%swap3A_1038], %mul3A_1035 {strides = array<i32>} : memref<24576xf32, #tpu.memory_space<vmem>>, vector<16xf32>,
      %mul3A_1040 = vector.broadcast %scan3A : f32 to vector<16xf32>
      %mul3A_1041 = arith.mulf %add3A_1017, %mul3A_1040 : vector<16xf32>
      %add3A_1042 = arith.constant 16 : i32
      %add3A_1043 = arith.addi %mul3A_1033, %add3A_1042 : i32
      %swap3A_1044 = arith.index_cast %add3A_1043 : i32 to index
      %swap3A_1045 = tpu.vector_load %arg7[%swap3A_1044] {strides = array<i32>} : memref<24576xf32, #tpu.memory_space<vmem>>, vector<16xf32>,
      tpu.vector_store %arg7[%swap3A_1044], %mul3A_1041 {strides = array<i32>} : memref<24576xf32, #tpu.memory_space<vmem>>, vector<16xf32>,
      %mul3A_1046 = vector.broadcast %scan3A : f32 to vector<16xf32>
      %mul3A_1047 = arith.mulf %add3A_1022, %mul3A_1046 : vector<16xf32>
      %add3A_1048 = arith.constant 32 : i32
      %add3A_1049 = arith.addi %mul3A_1033, %add3A_1048 : i32
      %swap3A_1050 = arith.index_cast %add3A_1049 : i32 to index
      %swap3A_1051 = tpu.vector_load %arg7[%swap3A_1050] {strides = array<i32>} : memref<24576xf32, #tpu.memory_space<vmem>>, vector<16xf32>,
      tpu.vector_store %arg7[%swap3A_1050], %mul3A_1047 {strides = array<i32>} : memref<24576xf32, #tpu.memory_space<vmem>>, vector<16xf32>,
      %mul3A_1052 = vector.broadcast %scan3A : f32 to vector<16xf32>
      %mul3A_1053 = arith.mulf %add3A_1027, %mul3A_1052 : vector<16xf32>
      %add3A_1054 = arith.constant 48 : i32
      %add3A_1055 = arith.addi %mul3A_1033, %add3A_1054 : i32
      %swap3A_1056 = arith.index_cast %add3A_1055 : i32 to index
      %swap3A_1057 = tpu.vector_load %arg7[%swap3A_1056] {strides = array<i32>} : memref<24576xf32, #tpu.memory_space<vmem>>, vector<16xf32>,
      tpu.vector_store %arg7[%swap3A_1056], %mul3A_1053 {strides = array<i32>} : memref<24576xf32, #tpu.memory_space<vmem>>, vector<16xf32>,
      %slice3A_1058 = vector.extract_strided_slice %get3A_31 {offsets = [8], sizes = [1], strides = [1]} : vector<16xi32> to vector<1xi32>
      %squeeze3A_1059 = vector.extract %slice3A_1058[0] : i32 from vector<1xi32>
      %mul3A_1060 = arith.constant 64 : i32
      %mul3A_1061 = arith.muli %squeeze3A_1059, %mul3A_1060 : i32
      %add3A_1062 = arith.constant 0 : i32
      %add3A_1063 = arith.addi %mul3A_1061, %add3A_1062 : i32
      %get3A_1064 = arith.index_cast %add3A_1063 : i32 to index
      %get3A_1065 = tpu.vector_load %arg6[%get3A_1064] {strides = array<i32>} : memref<16448xf32, #tpu.memory_space<vmem>>, vector<16xf32>,
      %add3A_1066 = arith.addf %broadcast_in_dim3A_3, %get3A_1065 : vector<16xf32>
      %add3A_1067 = arith.constant 16 : i32
      %add3A_1068 = arith.addi %mul3A_1061, %add3A_1067 : i32
      %get3A_1069 = arith.index_cast %add3A_1068 : i32 to index
      %get3A_1070 = tpu.vector_load %arg6[%get3A_1069] {strides = array<i32>} : memref<16448xf32, #tpu.memory_space<vmem>>, vector<16xf32>,
      %add3A_1071 = arith.addf %broadcast_in_dim3A_3, %get3A_1070 : vector<16xf32>
      %add3A_1072 = arith.constant 32 : i32
      %add3A_1073 = arith.addi %mul3A_1061, %add3A_1072 : i32
      %get3A_1074 = arith.index_cast %add3A_1073 : i32 to index
      %get3A_1075 = tpu.vector_load %arg6[%get3A_1074] {strides = array<i32>} : memref<16448xf32, #tpu.memory_space<vmem>>, vector<16xf32>,
      %add3A_1076 = arith.addf %broadcast_in_dim3A_3, %get3A_1075 : vector<16xf32>
      %add3A_1077 = arith.constant 48 : i32
      %add3A_1078 = arith.addi %mul3A_1061, %add3A_1077 : i32
      %get3A_1079 = arith.index_cast %add3A_1078 : i32 to index
      %get3A_1080 = tpu.vector_load %arg6[%get3A_1079] {strides = array<i32>} : memref<16448xf32, #tpu.memory_space<vmem>>, vector<16xf32>,
      %add3A_1081 = arith.addf %broadcast_in_dim3A_3, %get3A_1080 : vector<16xf32>
      %slice3A_1082 = vector.extract_strided_slice %get3A_31 {offsets = [9], sizes = [1], strides = [1]} : vector<16xi32> to vector<1xi32>
      %squeeze3A_1083 = vector.extract %slice3A_1082[0] : i32 from vector<1xi32>
      %mul3A_1084 = arith.constant 64 : i32
      %mul3A_1085 = arith.muli %squeeze3A_1083, %mul3A_1084 : i32
      %add3A_1086 = arith.constant 0 : i32
      %add3A_1087 = arith.addi %mul3A_1085, %add3A_1086 : i32
      %get3A_1088 = arith.index_cast %add3A_1087 : i32 to index
      %get3A_1089 = tpu.vector_load %arg6[%get3A_1088] {strides = array<i32>} : memref<16448xf32, #tpu.memory_space<vmem>>, vector<16xf32>,
      %add3A_1090 = arith.addf %add3A_1066, %get3A_1089 : vector<16xf32>
      %add3A_1091 = arith.constant 16 : i32
      %add3A_1092 = arith.addi %mul3A_1085, %add3A_1091 : i32
      %get3A_1093 = arith.index_cast %add3A_1092 : i32 to index
      %get3A_1094 = tpu.vector_load %arg6[%get3A_1093] {strides = array<i32>} : memref<16448xf32, #tpu.memory_space<vmem>>, vector<16xf32>,
      %add3A_1095 = arith.addf %add3A_1071, %get3A_1094 : vector<16xf32>
      %add3A_1096 = arith.constant 32 : i32
      %add3A_1097 = arith.addi %mul3A_1085, %add3A_1096 : i32
      %get3A_1098 = arith.index_cast %add3A_1097 : i32 to index
      %get3A_1099 = tpu.vector_load %arg6[%get3A_1098] {strides = array<i32>} : memref<16448xf32, #tpu.memory_space<vmem>>, vector<16xf32>,
      %add3A_1100 = arith.addf %add3A_1076, %get3A_1099 : vector<16xf32>
      %add3A_1101 = arith.constant 48 : i32
      %add3A_1102 = arith.addi %mul3A_1085, %add3A_1101 : i32
      %get3A_1103 = arith.index_cast %add3A_1102 : i32 to index
      %get3A_1104 = tpu.vector_load %arg6[%get3A_1103] {strides = array<i32>} : memref<16448xf32, #tpu.memory_space<vmem>>, vector<16xf32>,
      %add3A_1105 = arith.addf %add3A_1081, %get3A_1104 : vector<16xf32>
      %slice3A_1106 = vector.extract_strided_slice %get3A_31 {offsets = [10], sizes = [1], strides = [1]} : vector<16xi32> to vector<1xi32>
      %squeeze3A_1107 = vector.extract %slice3A_1106[0] : i32 from vector<1xi32>
      %mul3A_1108 = arith.constant 64 : i32
      %mul3A_1109 = arith.muli %squeeze3A_1107, %mul3A_1108 : i32
      %add3A_1110 = arith.constant 0 : i32
      %add3A_1111 = arith.addi %mul3A_1109, %add3A_1110 : i32
      %get3A_1112 = arith.index_cast %add3A_1111 : i32 to index
      %get3A_1113 = tpu.vector_load %arg6[%get3A_1112] {strides = array<i32>} : memref<16448xf32, #tpu.memory_space<vmem>>, vector<16xf32>,
      %add3A_1114 = arith.addf %add3A_1090, %get3A_1113 : vector<16xf32>
      %add3A_1115 = arith.constant 16 : i32
      %add3A_1116 = arith.addi %mul3A_1109, %add3A_1115 : i32
      %get3A_1117 = arith.index_cast %add3A_1116 : i32 to index
      %get3A_1118 = tpu.vector_load %arg6[%get3A_1117] {strides = array<i32>} : memref<16448xf32, #tpu.memory_space<vmem>>, vector<16xf32>,
      %add3A_1119 = arith.addf %add3A_1095, %get3A_1118 : vector<16xf32>
      %add3A_1120 = arith.constant 32 : i32
      %add3A_1121 = arith.addi %mul3A_1109, %add3A_1120 : i32
      %get3A_1122 = arith.index_cast %add3A_1121 : i32 to index
      %get3A_1123 = tpu.vector_load %arg6[%get3A_1122] {strides = array<i32>} : memref<16448xf32, #tpu.memory_space<vmem>>, vector<16xf32>,
      %add3A_1124 = arith.addf %add3A_1100, %get3A_1123 : vector<16xf32>
      %add3A_1125 = arith.constant 48 : i32
      %add3A_1126 = arith.addi %mul3A_1109, %add3A_1125 : i32
      %get3A_1127 = arith.index_cast %add3A_1126 : i32 to index
      %get3A_1128 = tpu.vector_load %arg6[%get3A_1127] {strides = array<i32>} : memref<16448xf32, #tpu.memory_space<vmem>>, vector<16xf32>,
      %add3A_1129 = arith.addf %add3A_1105, %get3A_1128 : vector<16xf32>
      %slice3A_1130 = vector.extract_strided_slice %get3A_31 {offsets = [11], sizes = [1], strides = [1]} : vector<16xi32> to vector<1xi32>
      %squeeze3A_1131 = vector.extract %slice3A_1130[0] : i32 from vector<1xi32>
      %mul3A_1132 = arith.constant 64 : i32
      %mul3A_1133 = arith.muli %squeeze3A_1131, %mul3A_1132 : i32
      %add3A_1134 = arith.constant 0 : i32
      %add3A_1135 = arith.addi %mul3A_1133, %add3A_1134 : i32
      %get3A_1136 = arith.index_cast %add3A_1135 : i32 to index
      %get3A_1137 = tpu.vector_load %arg6[%get3A_1136] {strides = array<i32>} : memref<16448xf32, #tpu.memory_space<vmem>>, vector<16xf32>,
      %add3A_1138 = arith.addf %add3A_1114, %get3A_1137 : vector<16xf32>
      %add3A_1139 = arith.constant 16 : i32
      %add3A_1140 = arith.addi %mul3A_1133, %add3A_1139 : i32
      %get3A_1141 = arith.index_cast %add3A_1140 : i32 to index
      %get3A_1142 = tpu.vector_load %arg6[%get3A_1141] {strides = array<i32>} : memref<16448xf32, #tpu.memory_space<vmem>>, vector<16xf32>,
      %add3A_1143 = arith.addf %add3A_1119, %get3A_1142 : vector<16xf32>
      %add3A_1144 = arith.constant 32 : i32
      %add3A_1145 = arith.addi %mul3A_1133, %add3A_1144 : i32
      %get3A_1146 = arith.index_cast %add3A_1145 : i32 to index
      %get3A_1147 = tpu.vector_load %arg6[%get3A_1146] {strides = array<i32>} : memref<16448xf32, #tpu.memory_space<vmem>>, vector<16xf32>,
      %add3A_1148 = arith.addf %add3A_1124, %get3A_1147 : vector<16xf32>
      %add3A_1149 = arith.constant 48 : i32
      %add3A_1150 = arith.addi %mul3A_1133, %add3A_1149 : i32
      %get3A_1151 = arith.index_cast %add3A_1150 : i32 to index
      %get3A_1152 = tpu.vector_load %arg6[%get3A_1151] {strides = array<i32>} : memref<16448xf32, #tpu.memory_space<vmem>>, vector<16xf32>,
      %add3A_1153 = arith.addf %add3A_1129, %get3A_1152 : vector<16xf32>
      %slice3A_1154 = vector.extract_strided_slice %get3A_31 {offsets = [12], sizes = [1], strides = [1]} : vector<16xi32> to vector<1xi32>
      %squeeze3A_1155 = vector.extract %slice3A_1154[0] : i32 from vector<1xi32>
      %mul3A_1156 = arith.constant 64 : i32
      %mul3A_1157 = arith.muli %squeeze3A_1155, %mul3A_1156 : i32
      %add3A_1158 = arith.constant 0 : i32
      %add3A_1159 = arith.addi %mul3A_1157, %add3A_1158 : i32
      %get3A_1160 = arith.index_cast %add3A_1159 : i32 to index
      %get3A_1161 = tpu.vector_load %arg6[%get3A_1160] {strides = array<i32>} : memref<16448xf32, #tpu.memory_space<vmem>>, vector<16xf32>,
      %add3A_1162 = arith.addf %add3A_1138, %get3A_1161 : vector<16xf32>
      %add3A_1163 = arith.constant 16 : i32
      %add3A_1164 = arith.addi %mul3A_1157, %add3A_1163 : i32
      %get3A_1165 = arith.index_cast %add3A_1164 : i32 to index
      %get3A_1166 = tpu.vector_load %arg6[%get3A_1165] {strides = array<i32>} : memref<16448xf32, #tpu.memory_space<vmem>>, vector<16xf32>,
      %add3A_1167 = arith.addf %add3A_1143, %get3A_1166 : vector<16xf32>
      %add3A_1168 = arith.constant 32 : i32
      %add3A_1169 = arith.addi %mul3A_1157, %add3A_1168 : i32
      %get3A_1170 = arith.index_cast %add3A_1169 : i32 to index
      %get3A_1171 = tpu.vector_load %arg6[%get3A_1170] {strides = array<i32>} : memref<16448xf32, #tpu.memory_space<vmem>>, vector<16xf32>,
      %add3A_1172 = arith.addf %add3A_1148, %get3A_1171 : vector<16xf32>
      %add3A_1173 = arith.constant 48 : i32
      %add3A_1174 = arith.addi %mul3A_1157, %add3A_1173 : i32
      %get3A_1175 = arith.index_cast %add3A_1174 : i32 to index
      %get3A_1176 = tpu.vector_load %arg6[%get3A_1175] {strides = array<i32>} : memref<16448xf32, #tpu.memory_space<vmem>>, vector<16xf32>,
      %add3A_1177 = arith.addf %add3A_1153, %get3A_1176 : vector<16xf32>
      %slice3A_1178 = vector.extract_strided_slice %get3A_31 {offsets = [13], sizes = [1], strides = [1]} : vector<16xi32> to vector<1xi32>
      %squeeze3A_1179 = vector.extract %slice3A_1178[0] : i32 from vector<1xi32>
      %mul3A_1180 = arith.constant 64 : i32
      %mul3A_1181 = arith.muli %squeeze3A_1179, %mul3A_1180 : i32
      %add3A_1182 = arith.constant 0 : i32
      %add3A_1183 = arith.addi %mul3A_1181, %add3A_1182 : i32
      %get3A_1184 = arith.index_cast %add3A_1183 : i32 to index
      %get3A_1185 = tpu.vector_load %arg6[%get3A_1184] {strides = array<i32>} : memref<16448xf32, #tpu.memory_space<vmem>>, vector<16xf32>,
      %add3A_1186 = arith.addf %add3A_1162, %get3A_1185 : vector<16xf32>
      %add3A_1187 = arith.constant 16 : i32
      %add3A_1188 = arith.addi %mul3A_1181, %add3A_1187 : i32
      %get3A_1189 = arith.index_cast %add3A_1188 : i32 to index
      %get3A_1190 = tpu.vector_load %arg6[%get3A_1189] {strides = array<i32>} : memref<16448xf32, #tpu.memory_space<vmem>>, vector<16xf32>,
      %add3A_1191 = arith.addf %add3A_1167, %get3A_1190 : vector<16xf32>
      %add3A_1192 = arith.constant 32 : i32
      %add3A_1193 = arith.addi %mul3A_1181, %add3A_1192 : i32
      %get3A_1194 = arith.index_cast %add3A_1193 : i32 to index
      %get3A_1195 = tpu.vector_load %arg6[%get3A_1194] {strides = array<i32>} : memref<16448xf32, #tpu.memory_space<vmem>>, vector<16xf32>,
      %add3A_1196 = arith.addf %add3A_1172, %get3A_1195 : vector<16xf32>
      %add3A_1197 = arith.constant 48 : i32
      %add3A_1198 = arith.addi %mul3A_1181, %add3A_1197 : i32
      %get3A_1199 = arith.index_cast %add3A_1198 : i32 to index
      %get3A_1200 = tpu.vector_load %arg6[%get3A_1199] {strides = array<i32>} : memref<16448xf32, #tpu.memory_space<vmem>>, vector<16xf32>,
      %add3A_1201 = arith.addf %add3A_1177, %get3A_1200 : vector<16xf32>
      %slice3A_1202 = vector.extract_strided_slice %get3A_31 {offsets = [14], sizes = [1], strides = [1]} : vector<16xi32> to vector<1xi32>
      %squeeze3A_1203 = vector.extract %slice3A_1202[0] : i32 from vector<1xi32>
      %mul3A_1204 = arith.constant 64 : i32
      %mul3A_1205 = arith.muli %squeeze3A_1203, %mul3A_1204 : i32
      %add3A_1206 = arith.constant 0 : i32
      %add3A_1207 = arith.addi %mul3A_1205, %add3A_1206 : i32
      %get3A_1208 = arith.index_cast %add3A_1207 : i32 to index
      %get3A_1209 = tpu.vector_load %arg6[%get3A_1208] {strides = array<i32>} : memref<16448xf32, #tpu.memory_space<vmem>>, vector<16xf32>,
      %add3A_1210 = arith.addf %add3A_1186, %get3A_1209 : vector<16xf32>
      %add3A_1211 = arith.constant 16 : i32
      %add3A_1212 = arith.addi %mul3A_1205, %add3A_1211 : i32
      %get3A_1213 = arith.index_cast %add3A_1212 : i32 to index
      %get3A_1214 = tpu.vector_load %arg6[%get3A_1213] {strides = array<i32>} : memref<16448xf32, #tpu.memory_space<vmem>>, vector<16xf32>,
      %add3A_1215 = arith.addf %add3A_1191, %get3A_1214 : vector<16xf32>
      %add3A_1216 = arith.constant 32 : i32
      %add3A_1217 = arith.addi %mul3A_1205, %add3A_1216 : i32
      %get3A_1218 = arith.index_cast %add3A_1217 : i32 to index
      %get3A_1219 = tpu.vector_load %arg6[%get3A_1218] {strides = array<i32>} : memref<16448xf32, #tpu.memory_space<vmem>>, vector<16xf32>,
      %add3A_1220 = arith.addf %add3A_1196, %get3A_1219 : vector<16xf32>
      %add3A_1221 = arith.constant 48 : i32
      %add3A_1222 = arith.addi %mul3A_1205, %add3A_1221 : i32
      %get3A_1223 = arith.index_cast %add3A_1222 : i32 to index
      %get3A_1224 = tpu.vector_load %arg6[%get3A_1223] {strides = array<i32>} : memref<16448xf32, #tpu.memory_space<vmem>>, vector<16xf32>,
      %add3A_1225 = arith.addf %add3A_1201, %get3A_1224 : vector<16xf32>
      %slice3A_1226 = vector.extract_strided_slice %get3A_31 {offsets = [15], sizes = [1], strides = [1]} : vector<16xi32> to vector<1xi32>
      %squeeze3A_1227 = vector.extract %slice3A_1226[0] : i32 from vector<1xi32>
      %mul3A_1228 = arith.constant 64 : i32
      %mul3A_1229 = arith.muli %squeeze3A_1227, %mul3A_1228 : i32
      %add3A_1230 = arith.constant 0 : i32
      %add3A_1231 = arith.addi %mul3A_1229, %add3A_1230 : i32
      %get3A_1232 = arith.index_cast %add3A_1231 : i32 to index
      %get3A_1233 = tpu.vector_load %arg6[%get3A_1232] {strides = array<i32>} : memref<16448xf32, #tpu.memory_space<vmem>>, vector<16xf32>,
      %add3A_1234 = arith.addf %add3A_1210, %get3A_1233 : vector<16xf32>
      %add3A_1235 = arith.constant 16 : i32
      %add3A_1236 = arith.addi %mul3A_1229, %add3A_1235 : i32
      %get3A_1237 = arith.index_cast %add3A_1236 : i32 to index
      %get3A_1238 = tpu.vector_load %arg6[%get3A_1237] {strides = array<i32>} : memref<16448xf32, #tpu.memory_space<vmem>>, vector<16xf32>,
      %add3A_1239 = arith.addf %add3A_1215, %get3A_1238 : vector<16xf32>
      %add3A_1240 = arith.constant 32 : i32
      %add3A_1241 = arith.addi %mul3A_1229, %add3A_1240 : i32
      %get3A_1242 = arith.index_cast %add3A_1241 : i32 to index
      %get3A_1243 = tpu.vector_load %arg6[%get3A_1242] {strides = array<i32>} : memref<16448xf32, #tpu.memory_space<vmem>>, vector<16xf32>,
      %add3A_1244 = arith.addf %add3A_1220, %get3A_1243 : vector<16xf32>
      %add3A_1245 = arith.constant 48 : i32
      %add3A_1246 = arith.addi %mul3A_1229, %add3A_1245 : i32
      %get3A_1247 = arith.index_cast %add3A_1246 : i32 to index
      %get3A_1248 = tpu.vector_load %arg6[%get3A_1247] {strides = array<i32>} : memref<16448xf32, #tpu.memory_space<vmem>>, vector<16xf32>,
      %add3A_1249 = arith.addf %add3A_1225, %get3A_1248 : vector<16xf32>
      %slice3A_1250 = vector.extract_strided_slice %get3A_35 {offsets = [0], sizes = [1], strides = [1]} : vector<16xi32> to vector<1xi32>
      %squeeze3A_1251 = vector.extract %slice3A_1250[0] : i32 from vector<1xi32>
      %mul3A_1252 = arith.constant 64 : i32
      %mul3A_1253 = arith.muli %squeeze3A_1251, %mul3A_1252 : i32
      %add3A_1254 = arith.constant 0 : i32
      %add3A_1255 = arith.addi %mul3A_1253, %add3A_1254 : i32
      %get3A_1256 = arith.index_cast %add3A_1255 : i32 to index
      %get3A_1257 = tpu.vector_load %arg6[%get3A_1256] {strides = array<i32>} : memref<16448xf32, #tpu.memory_space<vmem>>, vector<16xf32>,
      %add3A_1258 = arith.addf %add3A_1234, %get3A_1257 : vector<16xf32>
      %add3A_1259 = arith.constant 16 : i32
      %add3A_1260 = arith.addi %mul3A_1253, %add3A_1259 : i32
      %get3A_1261 = arith.index_cast %add3A_1260 : i32 to index
      %get3A_1262 = tpu.vector_load %arg6[%get3A_1261] {strides = array<i32>} : memref<16448xf32, #tpu.memory_space<vmem>>, vector<16xf32>,
      %add3A_1263 = arith.addf %add3A_1239, %get3A_1262 : vector<16xf32>
      %add3A_1264 = arith.constant 32 : i32
      %add3A_1265 = arith.addi %mul3A_1253, %add3A_1264 : i32
      %get3A_1266 = arith.index_cast %add3A_1265 : i32 to index
      %get3A_1267 = tpu.vector_load %arg6[%get3A_1266] {strides = array<i32>} : memref<16448xf32, #tpu.memory_space<vmem>>, vector<16xf32>,
      %add3A_1268 = arith.addf %add3A_1244, %get3A_1267 : vector<16xf32>
      %add3A_1269 = arith.constant 48 : i32
      %add3A_1270 = arith.addi %mul3A_1253, %add3A_1269 : i32
      %get3A_1271 = arith.index_cast %add3A_1270 : i32 to index
      %get3A_1272 = tpu.vector_load %arg6[%get3A_1271] {strides = array<i32>} : memref<16448xf32, #tpu.memory_space<vmem>>, vector<16xf32>,
      %add3A_1273 = arith.addf %add3A_1249, %get3A_1272 : vector<16xf32>
      %slice3A_1274 = vector.extract_strided_slice %get3A_35 {offsets = [1], sizes = [1], strides = [1]} : vector<16xi32> to vector<1xi32>
      %squeeze3A_1275 = vector.extract %slice3A_1274[0] : i32 from vector<1xi32>
      %mul3A_1276 = arith.constant 64 : i32
      %mul3A_1277 = arith.muli %squeeze3A_1275, %mul3A_1276 : i32
      %add3A_1278 = arith.constant 0 : i32
      %add3A_1279 = arith.addi %mul3A_1277, %add3A_1278 : i32
      %get3A_1280 = arith.index_cast %add3A_1279 : i32 to index
      %get3A_1281 = tpu.vector_load %arg6[%get3A_1280] {strides = array<i32>} : memref<16448xf32, #tpu.memory_space<vmem>>, vector<16xf32>,
      %add3A_1282 = arith.addf %add3A_1258, %get3A_1281 : vector<16xf32>
      %add3A_1283 = arith.constant 16 : i32
      %add3A_1284 = arith.addi %mul3A_1277, %add3A_1283 : i32
      %get3A_1285 = arith.index_cast %add3A_1284 : i32 to index
      %get3A_1286 = tpu.vector_load %arg6[%get3A_1285] {strides = array<i32>} : memref<16448xf32, #tpu.memory_space<vmem>>, vector<16xf32>,
      %add3A_1287 = arith.addf %add3A_1263, %get3A_1286 : vector<16xf32>
      %add3A_1288 = arith.constant 32 : i32
      %add3A_1289 = arith.addi %mul3A_1277, %add3A_1288 : i32
      %get3A_1290 = arith.index_cast %add3A_1289 : i32 to index
      %get3A_1291 = tpu.vector_load %arg6[%get3A_1290] {strides = array<i32>} : memref<16448xf32, #tpu.memory_space<vmem>>, vector<16xf32>,
      %add3A_1292 = arith.addf %add3A_1268, %get3A_1291 : vector<16xf32>
      %add3A_1293 = arith.constant 48 : i32
      %add3A_1294 = arith.addi %mul3A_1277, %add3A_1293 : i32
      %get3A_1295 = arith.index_cast %add3A_1294 : i32 to index
      %get3A_1296 = tpu.vector_load %arg6[%get3A_1295] {strides = array<i32>} : memref<16448xf32, #tpu.memory_space<vmem>>, vector<16xf32>,
      %add3A_1297 = arith.addf %add3A_1273, %get3A_1296 : vector<16xf32>
      %slice3A_1298 = vector.extract_strided_slice %get3A_35 {offsets = [2], sizes = [1], strides = [1]} : vector<16xi32> to vector<1xi32>
      %squeeze3A_1299 = vector.extract %slice3A_1298[0] : i32 from vector<1xi32>
      %mul3A_1300 = arith.constant 64 : i32
      %mul3A_1301 = arith.muli %squeeze3A_1299, %mul3A_1300 : i32
      %add3A_1302 = arith.constant 0 : i32
      %add3A_1303 = arith.addi %mul3A_1301, %add3A_1302 : i32
      %get3A_1304 = arith.index_cast %add3A_1303 : i32 to index
      %get3A_1305 = tpu.vector_load %arg6[%get3A_1304] {strides = array<i32>} : memref<16448xf32, #tpu.memory_space<vmem>>, vector<16xf32>,
      %add3A_1306 = arith.addf %add3A_1282, %get3A_1305 : vector<16xf32>
      %add3A_1307 = arith.constant 16 : i32
      %add3A_1308 = arith.addi %mul3A_1301, %add3A_1307 : i32
      %get3A_1309 = arith.index_cast %add3A_1308 : i32 to index
      %get3A_1310 = tpu.vector_load %arg6[%get3A_1309] {strides = array<i32>} : memref<16448xf32, #tpu.memory_space<vmem>>, vector<16xf32>,
      %add3A_1311 = arith.addf %add3A_1287, %get3A_1310 : vector<16xf32>
      %add3A_1312 = arith.constant 32 : i32
      %add3A_1313 = arith.addi %mul3A_1301, %add3A_1312 : i32
      %get3A_1314 = arith.index_cast %add3A_1313 : i32 to index
      %get3A_1315 = tpu.vector_load %arg6[%get3A_1314] {strides = array<i32>} : memref<16448xf32, #tpu.memory_space<vmem>>, vector<16xf32>,
      %add3A_1316 = arith.addf %add3A_1292, %get3A_1315 : vector<16xf32>
      %add3A_1317 = arith.constant 48 : i32
      %add3A_1318 = arith.addi %mul3A_1301, %add3A_1317 : i32
      %get3A_1319 = arith.index_cast %add3A_1318 : i32 to index
      %get3A_1320 = tpu.vector_load %arg6[%get3A_1319] {strides = array<i32>} : memref<16448xf32, #tpu.memory_space<vmem>>, vector<16xf32>,
      %add3A_1321 = arith.addf %add3A_1297, %get3A_1320 : vector<16xf32>
      %slice3A_1322 = vector.extract_strided_slice %get3A_35 {offsets = [3], sizes = [1], strides = [1]} : vector<16xi32> to vector<1xi32>
      %squeeze3A_1323 = vector.extract %slice3A_1322[0] : i32 from vector<1xi32>
      %mul3A_1324 = arith.constant 64 : i32
      %mul3A_1325 = arith.muli %squeeze3A_1323, %mul3A_1324 : i32
      %add3A_1326 = arith.constant 0 : i32
      %add3A_1327 = arith.addi %mul3A_1325, %add3A_1326 : i32
      %get3A_1328 = arith.index_cast %add3A_1327 : i32 to index
      %get3A_1329 = tpu.vector_load %arg6[%get3A_1328] {strides = array<i32>} : memref<16448xf32, #tpu.memory_space<vmem>>, vector<16xf32>,
      %add3A_1330 = arith.addf %add3A_1306, %get3A_1329 : vector<16xf32>
      %add3A_1331 = arith.constant 16 : i32
      %add3A_1332 = arith.addi %mul3A_1325, %add3A_1331 : i32
      %get3A_1333 = arith.index_cast %add3A_1332 : i32 to index
      %get3A_1334 = tpu.vector_load %arg6[%get3A_1333] {strides = array<i32>} : memref<16448xf32, #tpu.memory_space<vmem>>, vector<16xf32>,
      %add3A_1335 = arith.addf %add3A_1311, %get3A_1334 : vector<16xf32>
      %add3A_1336 = arith.constant 32 : i32
      %add3A_1337 = arith.addi %mul3A_1325, %add3A_1336 : i32
      %get3A_1338 = arith.index_cast %add3A_1337 : i32 to index
      %get3A_1339 = tpu.vector_load %arg6[%get3A_1338] {strides = array<i32>} : memref<16448xf32, #tpu.memory_space<vmem>>, vector<16xf32>,
      %add3A_1340 = arith.addf %add3A_1316, %get3A_1339 : vector<16xf32>
      %add3A_1341 = arith.constant 48 : i32
      %add3A_1342 = arith.addi %mul3A_1325, %add3A_1341 : i32
      %get3A_1343 = arith.index_cast %add3A_1342 : i32 to index
      %get3A_1344 = tpu.vector_load %arg6[%get3A_1343] {strides = array<i32>} : memref<16448xf32, #tpu.memory_space<vmem>>, vector<16xf32>,
      %add3A_1345 = arith.addf %add3A_1321, %get3A_1344 : vector<16xf32>
      %slice3A_1346 = vector.extract_strided_slice %get3A_35 {offsets = [4], sizes = [1], strides = [1]} : vector<16xi32> to vector<1xi32>
      %squeeze3A_1347 = vector.extract %slice3A_1346[0] : i32 from vector<1xi32>
      %mul3A_1348 = arith.constant 64 : i32
      %mul3A_1349 = arith.muli %squeeze3A_1347, %mul3A_1348 : i32
      %add3A_1350 = arith.constant 0 : i32
      %add3A_1351 = arith.addi %mul3A_1349, %add3A_1350 : i32
      %get3A_1352 = arith.index_cast %add3A_1351 : i32 to index
      %get3A_1353 = tpu.vector_load %arg6[%get3A_1352] {strides = array<i32>} : memref<16448xf32, #tpu.memory_space<vmem>>, vector<16xf32>,
      %add3A_1354 = arith.addf %add3A_1330, %get3A_1353 : vector<16xf32>
      %add3A_1355 = arith.constant 16 : i32
      %add3A_1356 = arith.addi %mul3A_1349, %add3A_1355 : i32
      %get3A_1357 = arith.index_cast %add3A_1356 : i32 to index
      %get3A_1358 = tpu.vector_load %arg6[%get3A_1357] {strides = array<i32>} : memref<16448xf32, #tpu.memory_space<vmem>>, vector<16xf32>,
      %add3A_1359 = arith.addf %add3A_1335, %get3A_1358 : vector<16xf32>
      %add3A_1360 = arith.constant 32 : i32
      %add3A_1361 = arith.addi %mul3A_1349, %add3A_1360 : i32
      %get3A_1362 = arith.index_cast %add3A_1361 : i32 to index
      %get3A_1363 = tpu.vector_load %arg6[%get3A_1362] {strides = array<i32>} : memref<16448xf32, #tpu.memory_space<vmem>>, vector<16xf32>,
      %add3A_1364 = arith.addf %add3A_1340, %get3A_1363 : vector<16xf32>
      %add3A_1365 = arith.constant 48 : i32
      %add3A_1366 = arith.addi %mul3A_1349, %add3A_1365 : i32
      %get3A_1367 = arith.index_cast %add3A_1366 : i32 to index
      %get3A_1368 = tpu.vector_load %arg6[%get3A_1367] {strides = array<i32>} : memref<16448xf32, #tpu.memory_space<vmem>>, vector<16xf32>,
      %add3A_1369 = arith.addf %add3A_1345, %get3A_1368 : vector<16xf32>
      %slice3A_1370 = vector.extract_strided_slice %get3A_35 {offsets = [5], sizes = [1], strides = [1]} : vector<16xi32> to vector<1xi32>
      %squeeze3A_1371 = vector.extract %slice3A_1370[0] : i32 from vector<1xi32>
      %mul3A_1372 = arith.constant 64 : i32
      %mul3A_1373 = arith.muli %squeeze3A_1371, %mul3A_1372 : i32
      %add3A_1374 = arith.constant 0 : i32
      %add3A_1375 = arith.addi %mul3A_1373, %add3A_1374 : i32
      %get3A_1376 = arith.index_cast %add3A_1375 : i32 to index
      %get3A_1377 = tpu.vector_load %arg6[%get3A_1376] {strides = array<i32>} : memref<16448xf32, #tpu.memory_space<vmem>>, vector<16xf32>,
      %add3A_1378 = arith.addf %add3A_1354, %get3A_1377 : vector<16xf32>
      %add3A_1379 = arith.constant 16 : i32
      %add3A_1380 = arith.addi %mul3A_1373, %add3A_1379 : i32
      %get3A_1381 = arith.index_cast %add3A_1380 : i32 to index
      %get3A_1382 = tpu.vector_load %arg6[%get3A_1381] {strides = array<i32>} : memref<16448xf32, #tpu.memory_space<vmem>>, vector<16xf32>,
      %add3A_1383 = arith.addf %add3A_1359, %get3A_1382 : vector<16xf32>
      %add3A_1384 = arith.constant 32 : i32
      %add3A_1385 = arith.addi %mul3A_1373, %add3A_1384 : i32
      %get3A_1386 = arith.index_cast %add3A_1385 : i32 to index
      %get3A_1387 = tpu.vector_load %arg6[%get3A_1386] {strides = array<i32>} : memref<16448xf32, #tpu.memory_space<vmem>>, vector<16xf32>,
      %add3A_1388 = arith.addf %add3A_1364, %get3A_1387 : vector<16xf32>
      %add3A_1389 = arith.constant 48 : i32
      %add3A_1390 = arith.addi %mul3A_1373, %add3A_1389 : i32
      %get3A_1391 = arith.index_cast %add3A_1390 : i32 to index
      %get3A_1392 = tpu.vector_load %arg6[%get3A_1391] {strides = array<i32>} : memref<16448xf32, #tpu.memory_space<vmem>>, vector<16xf32>,
      %add3A_1393 = arith.addf %add3A_1369, %get3A_1392 : vector<16xf32>
      %slice3A_1394 = vector.extract_strided_slice %get3A_35 {offsets = [6], sizes = [1], strides = [1]} : vector<16xi32> to vector<1xi32>
      %squeeze3A_1395 = vector.extract %slice3A_1394[0] : i32 from vector<1xi32>
      %mul3A_1396 = arith.constant 64 : i32
      %mul3A_1397 = arith.muli %squeeze3A_1395, %mul3A_1396 : i32
      %add3A_1398 = arith.constant 0 : i32
      %add3A_1399 = arith.addi %mul3A_1397, %add3A_1398 : i32
      %get3A_1400 = arith.index_cast %add3A_1399 : i32 to index
      %get3A_1401 = tpu.vector_load %arg6[%get3A_1400] {strides = array<i32>} : memref<16448xf32, #tpu.memory_space<vmem>>, vector<16xf32>,
      %add3A_1402 = arith.addf %add3A_1378, %get3A_1401 : vector<16xf32>
      %add3A_1403 = arith.constant 16 : i32
      %add3A_1404 = arith.addi %mul3A_1397, %add3A_1403 : i32
      %get3A_1405 = arith.index_cast %add3A_1404 : i32 to index
      %get3A_1406 = tpu.vector_load %arg6[%get3A_1405] {strides = array<i32>} : memref<16448xf32, #tpu.memory_space<vmem>>, vector<16xf32>,
      %add3A_1407 = arith.addf %add3A_1383, %get3A_1406 : vector<16xf32>
      %add3A_1408 = arith.constant 32 : i32
      %add3A_1409 = arith.addi %mul3A_1397, %add3A_1408 : i32
      %get3A_1410 = arith.index_cast %add3A_1409 : i32 to index
      %get3A_1411 = tpu.vector_load %arg6[%get3A_1410] {strides = array<i32>} : memref<16448xf32, #tpu.memory_space<vmem>>, vector<16xf32>,
      %add3A_1412 = arith.addf %add3A_1388, %get3A_1411 : vector<16xf32>
      %add3A_1413 = arith.constant 48 : i32
      %add3A_1414 = arith.addi %mul3A_1397, %add3A_1413 : i32
      %get3A_1415 = arith.index_cast %add3A_1414 : i32 to index
      %get3A_1416 = tpu.vector_load %arg6[%get3A_1415] {strides = array<i32>} : memref<16448xf32, #tpu.memory_space<vmem>>, vector<16xf32>,
      %add3A_1417 = arith.addf %add3A_1393, %get3A_1416 : vector<16xf32>
      %slice3A_1418 = vector.extract_strided_slice %get3A_35 {offsets = [7], sizes = [1], strides = [1]} : vector<16xi32> to vector<1xi32>
      %squeeze3A_1419 = vector.extract %slice3A_1418[0] : i32 from vector<1xi32>
      %mul3A_1420 = arith.constant 64 : i32
      %mul3A_1421 = arith.muli %squeeze3A_1419, %mul3A_1420 : i32
      %add3A_1422 = arith.constant 0 : i32
      %add3A_1423 = arith.addi %mul3A_1421, %add3A_1422 : i32
      %get3A_1424 = arith.index_cast %add3A_1423 : i32 to index
      %get3A_1425 = tpu.vector_load %arg6[%get3A_1424] {strides = array<i32>} : memref<16448xf32, #tpu.memory_space<vmem>>, vector<16xf32>,
      %add3A_1426 = arith.addf %add3A_1402, %get3A_1425 : vector<16xf32>
      %add3A_1427 = arith.constant 16 : i32
      %add3A_1428 = arith.addi %mul3A_1421, %add3A_1427 : i32
      %get3A_1429 = arith.index_cast %add3A_1428 : i32 to index
      %get3A_1430 = tpu.vector_load %arg6[%get3A_1429] {strides = array<i32>} : memref<16448xf32, #tpu.memory_space<vmem>>, vector<16xf32>,
      %add3A_1431 = arith.addf %add3A_1407, %get3A_1430 : vector<16xf32>
      %add3A_1432 = arith.constant 32 : i32
      %add3A_1433 = arith.addi %mul3A_1421, %add3A_1432 : i32
      %get3A_1434 = arith.index_cast %add3A_1433 : i32 to index
      %get3A_1435 = tpu.vector_load %arg6[%get3A_1434] {strides = array<i32>} : memref<16448xf32, #tpu.memory_space<vmem>>, vector<16xf32>,
      %add3A_1436 = arith.addf %add3A_1412, %get3A_1435 : vector<16xf32>
      %add3A_1437 = arith.constant 48 : i32
      %add3A_1438 = arith.addi %mul3A_1421, %add3A_1437 : i32
      %get3A_1439 = arith.index_cast %add3A_1438 : i32 to index
      %get3A_1440 = tpu.vector_load %arg6[%get3A_1439] {strides = array<i32>} : memref<16448xf32, #tpu.memory_space<vmem>>, vector<16xf32>,
      %add3A_1441 = arith.addf %add3A_1417, %get3A_1440 : vector<16xf32>
      %slice3A_1442 = vector.extract_strided_slice %get3A_35 {offsets = [8], sizes = [1], strides = [1]} : vector<16xi32> to vector<1xi32>
      %squeeze3A_1443 = vector.extract %slice3A_1442[0] : i32 from vector<1xi32>
      %mul3A_1444 = arith.constant 64 : i32
      %mul3A_1445 = arith.muli %squeeze3A_1443, %mul3A_1444 : i32
      %add3A_1446 = arith.constant 0 : i32
      %add3A_1447 = arith.addi %mul3A_1445, %add3A_1446 : i32
      %get3A_1448 = arith.index_cast %add3A_1447 : i32 to index
      %get3A_1449 = tpu.vector_load %arg6[%get3A_1448] {strides = array<i32>} : memref<16448xf32, #tpu.memory_space<vmem>>, vector<16xf32>,
      %add3A_1450 = arith.addf %add3A_1426, %get3A_1449 : vector<16xf32>
      %add3A_1451 = arith.constant 16 : i32
      %add3A_1452 = arith.addi %mul3A_1445, %add3A_1451 : i32
      %get3A_1453 = arith.index_cast %add3A_1452 : i32 to index
      %get3A_1454 = tpu.vector_load %arg6[%get3A_1453] {strides = array<i32>} : memref<16448xf32, #tpu.memory_space<vmem>>, vector<16xf32>,
      %add3A_1455 = arith.addf %add3A_1431, %get3A_1454 : vector<16xf32>
      %add3A_1456 = arith.constant 32 : i32
      %add3A_1457 = arith.addi %mul3A_1445, %add3A_1456 : i32
      %get3A_1458 = arith.index_cast %add3A_1457 : i32 to index
      %get3A_1459 = tpu.vector_load %arg6[%get3A_1458] {strides = array<i32>} : memref<16448xf32, #tpu.memory_space<vmem>>, vector<16xf32>,
      %add3A_1460 = arith.addf %add3A_1436, %get3A_1459 : vector<16xf32>
      %add3A_1461 = arith.constant 48 : i32
      %add3A_1462 = arith.addi %mul3A_1445, %add3A_1461 : i32
      %get3A_1463 = arith.index_cast %add3A_1462 : i32 to index
      %get3A_1464 = tpu.vector_load %arg6[%get3A_1463] {strides = array<i32>} : memref<16448xf32, #tpu.memory_space<vmem>>, vector<16xf32>,
      %add3A_1465 = arith.addf %add3A_1441, %get3A_1464 : vector<16xf32>
      %slice3A_1466 = vector.extract_strided_slice %get3A_35 {offsets = [9], sizes = [1], strides = [1]} : vector<16xi32> to vector<1xi32>
      %squeeze3A_1467 = vector.extract %slice3A_1466[0] : i32 from vector<1xi32>
      %mul3A_1468 = arith.constant 64 : i32
      %mul3A_1469 = arith.muli %squeeze3A_1467, %mul3A_1468 : i32
      %add3A_1470 = arith.constant 0 : i32
      %add3A_1471 = arith.addi %mul3A_1469, %add3A_1470 : i32
      %get3A_1472 = arith.index_cast %add3A_1471 : i32 to index
      %get3A_1473 = tpu.vector_load %arg6[%get3A_1472] {strides = array<i32>} : memref<16448xf32, #tpu.memory_space<vmem>>, vector<16xf32>,
      %add3A_1474 = arith.addf %add3A_1450, %get3A_1473 : vector<16xf32>
      %add3A_1475 = arith.constant 16 : i32
      %add3A_1476 = arith.addi %mul3A_1469, %add3A_1475 : i32
      %get3A_1477 = arith.index_cast %add3A_1476 : i32 to index
      %get3A_1478 = tpu.vector_load %arg6[%get3A_1477] {strides = array<i32>} : memref<16448xf32, #tpu.memory_space<vmem>>, vector<16xf32>,
      %add3A_1479 = arith.addf %add3A_1455, %get3A_1478 : vector<16xf32>
      %add3A_1480 = arith.constant 32 : i32
      %add3A_1481 = arith.addi %mul3A_1469, %add3A_1480 : i32
      %get3A_1482 = arith.index_cast %add3A_1481 : i32 to index
      %get3A_1483 = tpu.vector_load %arg6[%get3A_1482] {strides = array<i32>} : memref<16448xf32, #tpu.memory_space<vmem>>, vector<16xf32>,
      %add3A_1484 = arith.addf %add3A_1460, %get3A_1483 : vector<16xf32>
      %add3A_1485 = arith.constant 48 : i32
      %add3A_1486 = arith.addi %mul3A_1469, %add3A_1485 : i32
      %get3A_1487 = arith.index_cast %add3A_1486 : i32 to index
      %get3A_1488 = tpu.vector_load %arg6[%get3A_1487] {strides = array<i32>} : memref<16448xf32, #tpu.memory_space<vmem>>, vector<16xf32>,
      %add3A_1489 = arith.addf %add3A_1465, %get3A_1488 : vector<16xf32>
      %slice3A_1490 = vector.extract_strided_slice %get3A_35 {offsets = [10], sizes = [1], strides = [1]} : vector<16xi32> to vector<1xi32>
      %squeeze3A_1491 = vector.extract %slice3A_1490[0] : i32 from vector<1xi32>
      %mul3A_1492 = arith.constant 64 : i32
      %mul3A_1493 = arith.muli %squeeze3A_1491, %mul3A_1492 : i32
      %add3A_1494 = arith.constant 0 : i32
      %add3A_1495 = arith.addi %mul3A_1493, %add3A_1494 : i32
      %get3A_1496 = arith.index_cast %add3A_1495 : i32 to index
      %get3A_1497 = tpu.vector_load %arg6[%get3A_1496] {strides = array<i32>} : memref<16448xf32, #tpu.memory_space<vmem>>, vector<16xf32>,
      %add3A_1498 = arith.addf %add3A_1474, %get3A_1497 : vector<16xf32>
      %add3A_1499 = arith.constant 16 : i32
      %add3A_1500 = arith.addi %mul3A_1493, %add3A_1499 : i32
      %get3A_1501 = arith.index_cast %add3A_1500 : i32 to index
      %get3A_1502 = tpu.vector_load %arg6[%get3A_1501] {strides = array<i32>} : memref<16448xf32, #tpu.memory_space<vmem>>, vector<16xf32>,
      %add3A_1503 = arith.addf %add3A_1479, %get3A_1502 : vector<16xf32>
      %add3A_1504 = arith.constant 32 : i32
      %add3A_1505 = arith.addi %mul3A_1493, %add3A_1504 : i32
      %get3A_1506 = arith.index_cast %add3A_1505 : i32 to index
      %get3A_1507 = tpu.vector_load %arg6[%get3A_1506] {strides = array<i32>} : memref<16448xf32, #tpu.memory_space<vmem>>, vector<16xf32>,
      %add3A_1508 = arith.addf %add3A_1484, %get3A_1507 : vector<16xf32>
      %add3A_1509 = arith.constant 48 : i32
      %add3A_1510 = arith.addi %mul3A_1493, %add3A_1509 : i32
      %get3A_1511 = arith.index_cast %add3A_1510 : i32 to index
      %get3A_1512 = tpu.vector_load %arg6[%get3A_1511] {strides = array<i32>} : memref<16448xf32, #tpu.memory_space<vmem>>, vector<16xf32>,
      %add3A_1513 = arith.addf %add3A_1489, %get3A_1512 : vector<16xf32>
      %slice3A_1514 = vector.extract_strided_slice %get3A_35 {offsets = [11], sizes = [1], strides = [1]} : vector<16xi32> to vector<1xi32>
      %squeeze3A_1515 = vector.extract %slice3A_1514[0] : i32 from vector<1xi32>
      %mul3A_1516 = arith.constant 64 : i32
      %mul3A_1517 = arith.muli %squeeze3A_1515, %mul3A_1516 : i32
      %add3A_1518 = arith.constant 0 : i32
      %add3A_1519 = arith.addi %mul3A_1517, %add3A_1518 : i32
      %get3A_1520 = arith.index_cast %add3A_1519 : i32 to index
      %get3A_1521 = tpu.vector_load %arg6[%get3A_1520] {strides = array<i32>} : memref<16448xf32, #tpu.memory_space<vmem>>, vector<16xf32>,
      %add3A_1522 = arith.addf %add3A_1498, %get3A_1521 : vector<16xf32>
      %add3A_1523 = arith.constant 16 : i32
      %add3A_1524 = arith.addi %mul3A_1517, %add3A_1523 : i32
      %get3A_1525 = arith.index_cast %add3A_1524 : i32 to index
      %get3A_1526 = tpu.vector_load %arg6[%get3A_1525] {strides = array<i32>} : memref<16448xf32, #tpu.memory_space<vmem>>, vector<16xf32>,
      %add3A_1527 = arith.addf %add3A_1503, %get3A_1526 : vector<16xf32>
      %add3A_1528 = arith.constant 32 : i32
      %add3A_1529 = arith.addi %mul3A_1517, %add3A_1528 : i32
      %get3A_1530 = arith.index_cast %add3A_1529 : i32 to index
      %get3A_1531 = tpu.vector_load %arg6[%get3A_1530] {strides = array<i32>} : memref<16448xf32, #tpu.memory_space<vmem>>, vector<16xf32>,
      %add3A_1532 = arith.addf %add3A_1508, %get3A_1531 : vector<16xf32>
      %add3A_1533 = arith.constant 48 : i32
      %add3A_1534 = arith.addi %mul3A_1517, %add3A_1533 : i32
      %get3A_1535 = arith.index_cast %add3A_1534 : i32 to index
      %get3A_1536 = tpu.vector_load %arg6[%get3A_1535] {strides = array<i32>} : memref<16448xf32, #tpu.memory_space<vmem>>, vector<16xf32>,
      %add3A_1537 = arith.addf %add3A_1513, %get3A_1536 : vector<16xf32>
      %mul3A_1538 = arith.constant 4 : i32
      %mul3A_1539 = arith.muli %scan3A_18, %mul3A_1538 : i32
      %add3A_1540 = arith.constant 2 : i32
      %add3A_1541 = arith.addi %mul3A_1539, %add3A_1540 : i32
      %mul3A_1542 = arith.constant 64 : i32
      %mul3A_1543 = arith.muli %add3A_1541, %mul3A_1542 : i32
      %mul3A_1544 = vector.broadcast %scan3A : f32 to vector<16xf32>
      %mul3A_1545 = arith.mulf %add3A_1522, %mul3A_1544 : vector<16xf32>
      %add3A_1546 = arith.constant 0 : i32
      %add3A_1547 = arith.addi %mul3A_1543, %add3A_1546 : i32
      %swap3A_1548 = arith.index_cast %add3A_1547 : i32 to index
      %swap3A_1549 = tpu.vector_load %arg7[%swap3A_1548] {strides = array<i32>} : memref<24576xf32, #tpu.memory_space<vmem>>, vector<16xf32>,
      tpu.vector_store %arg7[%swap3A_1548], %mul3A_1545 {strides = array<i32>} : memref<24576xf32, #tpu.memory_space<vmem>>, vector<16xf32>,
      %mul3A_1550 = vector.broadcast %scan3A : f32 to vector<16xf32>
      %mul3A_1551 = arith.mulf %add3A_1527, %mul3A_1550 : vector<16xf32>
      %add3A_1552 = arith.constant 16 : i32
      %add3A_1553 = arith.addi %mul3A_1543, %add3A_1552 : i32
      %swap3A_1554 = arith.index_cast %add3A_1553 : i32 to index
      %swap3A_1555 = tpu.vector_load %arg7[%swap3A_1554] {strides = array<i32>} : memref<24576xf32, #tpu.memory_space<vmem>>, vector<16xf32>,
      tpu.vector_store %arg7[%swap3A_1554], %mul3A_1551 {strides = array<i32>} : memref<24576xf32, #tpu.memory_space<vmem>>, vector<16xf32>,
      %mul3A_1556 = vector.broadcast %scan3A : f32 to vector<16xf32>
      %mul3A_1557 = arith.mulf %add3A_1532, %mul3A_1556 : vector<16xf32>
      %add3A_1558 = arith.constant 32 : i32
      %add3A_1559 = arith.addi %mul3A_1543, %add3A_1558 : i32
      %swap3A_1560 = arith.index_cast %add3A_1559 : i32 to index
      %swap3A_1561 = tpu.vector_load %arg7[%swap3A_1560] {strides = array<i32>} : memref<24576xf32, #tpu.memory_space<vmem>>, vector<16xf32>,
      tpu.vector_store %arg7[%swap3A_1560], %mul3A_1557 {strides = array<i32>} : memref<24576xf32, #tpu.memory_space<vmem>>, vector<16xf32>,
      %mul3A_1562 = vector.broadcast %scan3A : f32 to vector<16xf32>
      %mul3A_1563 = arith.mulf %add3A_1537, %mul3A_1562 : vector<16xf32>
      %add3A_1564 = arith.constant 48 : i32
      %add3A_1565 = arith.addi %mul3A_1543, %add3A_1564 : i32
      %swap3A_1566 = arith.index_cast %add3A_1565 : i32 to index
      %swap3A_1567 = tpu.vector_load %arg7[%swap3A_1566] {strides = array<i32>} : memref<24576xf32, #tpu.memory_space<vmem>>, vector<16xf32>,
      tpu.vector_store %arg7[%swap3A_1566], %mul3A_1563 {strides = array<i32>} : memref<24576xf32, #tpu.memory_space<vmem>>, vector<16xf32>,
      %slice3A_1568 = vector.extract_strided_slice %get3A_35 {offsets = [12], sizes = [1], strides = [1]} : vector<16xi32> to vector<1xi32>
      %squeeze3A_1569 = vector.extract %slice3A_1568[0] : i32 from vector<1xi32>
      %mul3A_1570 = arith.constant 64 : i32
      %mul3A_1571 = arith.muli %squeeze3A_1569, %mul3A_1570 : i32
      %add3A_1572 = arith.constant 0 : i32
      %add3A_1573 = arith.addi %mul3A_1571, %add3A_1572 : i32
      %get3A_1574 = arith.index_cast %add3A_1573 : i32 to index
      %get3A_1575 = tpu.vector_load %arg6[%get3A_1574] {strides = array<i32>} : memref<16448xf32, #tpu.memory_space<vmem>>, vector<16xf32>,
      %add3A_1576 = arith.addf %broadcast_in_dim3A_3, %get3A_1575 : vector<16xf32>
      %add3A_1577 = arith.constant 16 : i32
      %add3A_1578 = arith.addi %mul3A_1571, %add3A_1577 : i32
      %get3A_1579 = arith.index_cast %add3A_1578 : i32 to index
      %get3A_1580 = tpu.vector_load %arg6[%get3A_1579] {strides = array<i32>} : memref<16448xf32, #tpu.memory_space<vmem>>, vector<16xf32>,
      %add3A_1581 = arith.addf %broadcast_in_dim3A_3, %get3A_1580 : vector<16xf32>
      %add3A_1582 = arith.constant 32 : i32
      %add3A_1583 = arith.addi %mul3A_1571, %add3A_1582 : i32
      %get3A_1584 = arith.index_cast %add3A_1583 : i32 to index
      %get3A_1585 = tpu.vector_load %arg6[%get3A_1584] {strides = array<i32>} : memref<16448xf32, #tpu.memory_space<vmem>>, vector<16xf32>,
      %add3A_1586 = arith.addf %broadcast_in_dim3A_3, %get3A_1585 : vector<16xf32>
      %add3A_1587 = arith.constant 48 : i32
      %add3A_1588 = arith.addi %mul3A_1571, %add3A_1587 : i32
      %get3A_1589 = arith.index_cast %add3A_1588 : i32 to index
      %get3A_1590 = tpu.vector_load %arg6[%get3A_1589] {strides = array<i32>} : memref<16448xf32, #tpu.memory_space<vmem>>, vector<16xf32>,
      %add3A_1591 = arith.addf %broadcast_in_dim3A_3, %get3A_1590 : vector<16xf32>
      %slice3A_1592 = vector.extract_strided_slice %get3A_35 {offsets = [13], sizes = [1], strides = [1]} : vector<16xi32> to vector<1xi32>
      %squeeze3A_1593 = vector.extract %slice3A_1592[0] : i32 from vector<1xi32>
      %mul3A_1594 = arith.constant 64 : i32
      %mul3A_1595 = arith.muli %squeeze3A_1593, %mul3A_1594 : i32
      %add3A_1596 = arith.constant 0 : i32
      %add3A_1597 = arith.addi %mul3A_1595, %add3A_1596 : i32
      %get3A_1598 = arith.index_cast %add3A_1597 : i32 to index
      %get3A_1599 = tpu.vector_load %arg6[%get3A_1598] {strides = array<i32>} : memref<16448xf32, #tpu.memory_space<vmem>>, vector<16xf32>,
      %add3A_1600 = arith.addf %add3A_1576, %get3A_1599 : vector<16xf32>
      %add3A_1601 = arith.constant 16 : i32
      %add3A_1602 = arith.addi %mul3A_1595, %add3A_1601 : i32
      %get3A_1603 = arith.index_cast %add3A_1602 : i32 to index
      %get3A_1604 = tpu.vector_load %arg6[%get3A_1603] {strides = array<i32>} : memref<16448xf32, #tpu.memory_space<vmem>>, vector<16xf32>,
      %add3A_1605 = arith.addf %add3A_1581, %get3A_1604 : vector<16xf32>
      %add3A_1606 = arith.constant 32 : i32
      %add3A_1607 = arith.addi %mul3A_1595, %add3A_1606 : i32
      %get3A_1608 = arith.index_cast %add3A_1607 : i32 to index
      %get3A_1609 = tpu.vector_load %arg6[%get3A_1608] {strides = array<i32>} : memref<16448xf32, #tpu.memory_space<vmem>>, vector<16xf32>,
      %add3A_1610 = arith.addf %add3A_1586, %get3A_1609 : vector<16xf32>
      %add3A_1611 = arith.constant 48 : i32
      %add3A_1612 = arith.addi %mul3A_1595, %add3A_1611 : i32
      %get3A_1613 = arith.index_cast %add3A_1612 : i32 to index
      %get3A_1614 = tpu.vector_load %arg6[%get3A_1613] {strides = array<i32>} : memref<16448xf32, #tpu.memory_space<vmem>>, vector<16xf32>,
      %add3A_1615 = arith.addf %add3A_1591, %get3A_1614 : vector<16xf32>
      %slice3A_1616 = vector.extract_strided_slice %get3A_35 {offsets = [14], sizes = [1], strides = [1]} : vector<16xi32> to vector<1xi32>
      %squeeze3A_1617 = vector.extract %slice3A_1616[0] : i32 from vector<1xi32>
      %mul3A_1618 = arith.constant 64 : i32
      %mul3A_1619 = arith.muli %squeeze3A_1617, %mul3A_1618 : i32
      %add3A_1620 = arith.constant 0 : i32
      %add3A_1621 = arith.addi %mul3A_1619, %add3A_1620 : i32
      %get3A_1622 = arith.index_cast %add3A_1621 : i32 to index
      %get3A_1623 = tpu.vector_load %arg6[%get3A_1622] {strides = array<i32>} : memref<16448xf32, #tpu.memory_space<vmem>>, vector<16xf32>,
      %add3A_1624 = arith.addf %add3A_1600, %get3A_1623 : vector<16xf32>
      %add3A_1625 = arith.constant 16 : i32
      %add3A_1626 = arith.addi %mul3A_1619, %add3A_1625 : i32
      %get3A_1627 = arith.index_cast %add3A_1626 : i32 to index
      %get3A_1628 = tpu.vector_load %arg6[%get3A_1627] {strides = array<i32>} : memref<16448xf32, #tpu.memory_space<vmem>>, vector<16xf32>,
      %add3A_1629 = arith.addf %add3A_1605, %get3A_1628 : vector<16xf32>
      %add3A_1630 = arith.constant 32 : i32
      %add3A_1631 = arith.addi %mul3A_1619, %add3A_1630 : i32
      %get3A_1632 = arith.index_cast %add3A_1631 : i32 to index
      %get3A_1633 = tpu.vector_load %arg6[%get3A_1632] {strides = array<i32>} : memref<16448xf32, #tpu.memory_space<vmem>>, vector<16xf32>,
      %add3A_1634 = arith.addf %add3A_1610, %get3A_1633 : vector<16xf32>
      %add3A_1635 = arith.constant 48 : i32
      %add3A_1636 = arith.addi %mul3A_1619, %add3A_1635 : i32
      %get3A_1637 = arith.index_cast %add3A_1636 : i32 to index
      %get3A_1638 = tpu.vector_load %arg6[%get3A_1637] {strides = array<i32>} : memref<16448xf32, #tpu.memory_space<vmem>>, vector<16xf32>,
      %add3A_1639 = arith.addf %add3A_1615, %get3A_1638 : vector<16xf32>
      %slice3A_1640 = vector.extract_strided_slice %get3A_35 {offsets = [15], sizes = [1], strides = [1]} : vector<16xi32> to vector<1xi32>
      %squeeze3A_1641 = vector.extract %slice3A_1640[0] : i32 from vector<1xi32>
      %mul3A_1642 = arith.constant 64 : i32
      %mul3A_1643 = arith.muli %squeeze3A_1641, %mul3A_1642 : i32
      %add3A_1644 = arith.constant 0 : i32
      %add3A_1645 = arith.addi %mul3A_1643, %add3A_1644 : i32
      %get3A_1646 = arith.index_cast %add3A_1645 : i32 to index
      %get3A_1647 = tpu.vector_load %arg6[%get3A_1646] {strides = array<i32>} : memref<16448xf32, #tpu.memory_space<vmem>>, vector<16xf32>,
      %add3A_1648 = arith.addf %add3A_1624, %get3A_1647 : vector<16xf32>
      %add3A_1649 = arith.constant 16 : i32
      %add3A_1650 = arith.addi %mul3A_1643, %add3A_1649 : i32
      %get3A_1651 = arith.index_cast %add3A_1650 : i32 to index
      %get3A_1652 = tpu.vector_load %arg6[%get3A_1651] {strides = array<i32>} : memref<16448xf32, #tpu.memory_space<vmem>>, vector<16xf32>,
      %add3A_1653 = arith.addf %add3A_1629, %get3A_1652 : vector<16xf32>
      %add3A_1654 = arith.constant 32 : i32
      %add3A_1655 = arith.addi %mul3A_1643, %add3A_1654 : i32
      %get3A_1656 = arith.index_cast %add3A_1655 : i32 to index
      %get3A_1657 = tpu.vector_load %arg6[%get3A_1656] {strides = array<i32>} : memref<16448xf32, #tpu.memory_space<vmem>>, vector<16xf32>,
      %add3A_1658 = arith.addf %add3A_1634, %get3A_1657 : vector<16xf32>
      %add3A_1659 = arith.constant 48 : i32
      %add3A_1660 = arith.addi %mul3A_1643, %add3A_1659 : i32
      %get3A_1661 = arith.index_cast %add3A_1660 : i32 to index
      %get3A_1662 = tpu.vector_load %arg6[%get3A_1661] {strides = array<i32>} : memref<16448xf32, #tpu.memory_space<vmem>>, vector<16xf32>,
      %add3A_1663 = arith.addf %add3A_1639, %get3A_1662 : vector<16xf32>
      %slice3A_1664 = vector.extract_strided_slice %get3A_39 {offsets = [0], sizes = [1], strides = [1]} : vector<16xi32> to vector<1xi32>
      %squeeze3A_1665 = vector.extract %slice3A_1664[0] : i32 from vector<1xi32>
      %mul3A_1666 = arith.constant 64 : i32
      %mul3A_1667 = arith.muli %squeeze3A_1665, %mul3A_1666 : i32
      %add3A_1668 = arith.constant 0 : i32
      %add3A_1669 = arith.addi %mul3A_1667, %add3A_1668 : i32
      %get3A_1670 = arith.index_cast %add3A_1669 : i32 to index
      %get3A_1671 = tpu.vector_load %arg6[%get3A_1670] {strides = array<i32>} : memref<16448xf32, #tpu.memory_space<vmem>>, vector<16xf32>,
      %add3A_1672 = arith.addf %add3A_1648, %get3A_1671 : vector<16xf32>
      %add3A_1673 = arith.constant 16 : i32
      %add3A_1674 = arith.addi %mul3A_1667, %add3A_1673 : i32
      %get3A_1675 = arith.index_cast %add3A_1674 : i32 to index
      %get3A_1676 = tpu.vector_load %arg6[%get3A_1675] {strides = array<i32>} : memref<16448xf32, #tpu.memory_space<vmem>>, vector<16xf32>,
      %add3A_1677 = arith.addf %add3A_1653, %get3A_1676 : vector<16xf32>
      %add3A_1678 = arith.constant 32 : i32
      %add3A_1679 = arith.addi %mul3A_1667, %add3A_1678 : i32
      %get3A_1680 = arith.index_cast %add3A_1679 : i32 to index
      %get3A_1681 = tpu.vector_load %arg6[%get3A_1680] {strides = array<i32>} : memref<16448xf32, #tpu.memory_space<vmem>>, vector<16xf32>,
      %add3A_1682 = arith.addf %add3A_1658, %get3A_1681 : vector<16xf32>
      %add3A_1683 = arith.constant 48 : i32
      %add3A_1684 = arith.addi %mul3A_1667, %add3A_1683 : i32
      %get3A_1685 = arith.index_cast %add3A_1684 : i32 to index
      %get3A_1686 = tpu.vector_load %arg6[%get3A_1685] {strides = array<i32>} : memref<16448xf32, #tpu.memory_space<vmem>>, vector<16xf32>,
      %add3A_1687 = arith.addf %add3A_1663, %get3A_1686 : vector<16xf32>
      %slice3A_1688 = vector.extract_strided_slice %get3A_39 {offsets = [1], sizes = [1], strides = [1]} : vector<16xi32> to vector<1xi32>
      %squeeze3A_1689 = vector.extract %slice3A_1688[0] : i32 from vector<1xi32>
      %mul3A_1690 = arith.constant 64 : i32
      %mul3A_1691 = arith.muli %squeeze3A_1689, %mul3A_1690 : i32
      %add3A_1692 = arith.constant 0 : i32
      %add3A_1693 = arith.addi %mul3A_1691, %add3A_1692 : i32
      %get3A_1694 = arith.index_cast %add3A_1693 : i32 to index
      %get3A_1695 = tpu.vector_load %arg6[%get3A_1694] {strides = array<i32>} : memref<16448xf32, #tpu.memory_space<vmem>>, vector<16xf32>,
      %add3A_1696 = arith.addf %add3A_1672, %get3A_1695 : vector<16xf32>
      %add3A_1697 = arith.constant 16 : i32
      %add3A_1698 = arith.addi %mul3A_1691, %add3A_1697 : i32
      %get3A_1699 = arith.index_cast %add3A_1698 : i32 to index
      %get3A_1700 = tpu.vector_load %arg6[%get3A_1699] {strides = array<i32>} : memref<16448xf32, #tpu.memory_space<vmem>>, vector<16xf32>,
      %add3A_1701 = arith.addf %add3A_1677, %get3A_1700 : vector<16xf32>
      %add3A_1702 = arith.constant 32 : i32
      %add3A_1703 = arith.addi %mul3A_1691, %add3A_1702 : i32
      %get3A_1704 = arith.index_cast %add3A_1703 : i32 to index
      %get3A_1705 = tpu.vector_load %arg6[%get3A_1704] {strides = array<i32>} : memref<16448xf32, #tpu.memory_space<vmem>>, vector<16xf32>,
      %add3A_1706 = arith.addf %add3A_1682, %get3A_1705 : vector<16xf32>
      %add3A_1707 = arith.constant 48 : i32
      %add3A_1708 = arith.addi %mul3A_1691, %add3A_1707 : i32
      %get3A_1709 = arith.index_cast %add3A_1708 : i32 to index
      %get3A_1710 = tpu.vector_load %arg6[%get3A_1709] {strides = array<i32>} : memref<16448xf32, #tpu.memory_space<vmem>>, vector<16xf32>,
      %add3A_1711 = arith.addf %add3A_1687, %get3A_1710 : vector<16xf32>
      %slice3A_1712 = vector.extract_strided_slice %get3A_39 {offsets = [2], sizes = [1], strides = [1]} : vector<16xi32> to vector<1xi32>
      %squeeze3A_1713 = vector.extract %slice3A_1712[0] : i32 from vector<1xi32>
      %mul3A_1714 = arith.constant 64 : i32
      %mul3A_1715 = arith.muli %squeeze3A_1713, %mul3A_1714 : i32
      %add3A_1716 = arith.constant 0 : i32
      %add3A_1717 = arith.addi %mul3A_1715, %add3A_1716 : i32
      %get3A_1718 = arith.index_cast %add3A_1717 : i32 to index
      %get3A_1719 = tpu.vector_load %arg6[%get3A_1718] {strides = array<i32>} : memref<16448xf32, #tpu.memory_space<vmem>>, vector<16xf32>,
      %add3A_1720 = arith.addf %add3A_1696, %get3A_1719 : vector<16xf32>
      %add3A_1721 = arith.constant 16 : i32
      %add3A_1722 = arith.addi %mul3A_1715, %add3A_1721 : i32
      %get3A_1723 = arith.index_cast %add3A_1722 : i32 to index
      %get3A_1724 = tpu.vector_load %arg6[%get3A_1723] {strides = array<i32>} : memref<16448xf32, #tpu.memory_space<vmem>>, vector<16xf32>,
      %add3A_1725 = arith.addf %add3A_1701, %get3A_1724 : vector<16xf32>
      %add3A_1726 = arith.constant 32 : i32
      %add3A_1727 = arith.addi %mul3A_1715, %add3A_1726 : i32
      %get3A_1728 = arith.index_cast %add3A_1727 : i32 to index
      %get3A_1729 = tpu.vector_load %arg6[%get3A_1728] {strides = array<i32>} : memref<16448xf32, #tpu.memory_space<vmem>>, vector<16xf32>,
      %add3A_1730 = arith.addf %add3A_1706, %get3A_1729 : vector<16xf32>
      %add3A_1731 = arith.constant 48 : i32
      %add3A_1732 = arith.addi %mul3A_1715, %add3A_1731 : i32
      %get3A_1733 = arith.index_cast %add3A_1732 : i32 to index
      %get3A_1734 = tpu.vector_load %arg6[%get3A_1733] {strides = array<i32>} : memref<16448xf32, #tpu.memory_space<vmem>>, vector<16xf32>,
      %add3A_1735 = arith.addf %add3A_1711, %get3A_1734 : vector<16xf32>
      %slice3A_1736 = vector.extract_strided_slice %get3A_39 {offsets = [3], sizes = [1], strides = [1]} : vector<16xi32> to vector<1xi32>
      %squeeze3A_1737 = vector.extract %slice3A_1736[0] : i32 from vector<1xi32>
      %mul3A_1738 = arith.constant 64 : i32
      %mul3A_1739 = arith.muli %squeeze3A_1737, %mul3A_1738 : i32
      %add3A_1740 = arith.constant 0 : i32
      %add3A_1741 = arith.addi %mul3A_1739, %add3A_1740 : i32
      %get3A_1742 = arith.index_cast %add3A_1741 : i32 to index
      %get3A_1743 = tpu.vector_load %arg6[%get3A_1742] {strides = array<i32>} : memref<16448xf32, #tpu.memory_space<vmem>>, vector<16xf32>,
      %add3A_1744 = arith.addf %add3A_1720, %get3A_1743 : vector<16xf32>
      %add3A_1745 = arith.constant 16 : i32
      %add3A_1746 = arith.addi %mul3A_1739, %add3A_1745 : i32
      %get3A_1747 = arith.index_cast %add3A_1746 : i32 to index
      %get3A_1748 = tpu.vector_load %arg6[%get3A_1747] {strides = array<i32>} : memref<16448xf32, #tpu.memory_space<vmem>>, vector<16xf32>,
      %add3A_1749 = arith.addf %add3A_1725, %get3A_1748 : vector<16xf32>
      %add3A_1750 = arith.constant 32 : i32
      %add3A_1751 = arith.addi %mul3A_1739, %add3A_1750 : i32
      %get3A_1752 = arith.index_cast %add3A_1751 : i32 to index
      %get3A_1753 = tpu.vector_load %arg6[%get3A_1752] {strides = array<i32>} : memref<16448xf32, #tpu.memory_space<vmem>>, vector<16xf32>,
      %add3A_1754 = arith.addf %add3A_1730, %get3A_1753 : vector<16xf32>
      %add3A_1755 = arith.constant 48 : i32
      %add3A_1756 = arith.addi %mul3A_1739, %add3A_1755 : i32
      %get3A_1757 = arith.index_cast %add3A_1756 : i32 to index
      %get3A_1758 = tpu.vector_load %arg6[%get3A_1757] {strides = array<i32>} : memref<16448xf32, #tpu.memory_space<vmem>>, vector<16xf32>,
      %add3A_1759 = arith.addf %add3A_1735, %get3A_1758 : vector<16xf32>
      %slice3A_1760 = vector.extract_strided_slice %get3A_39 {offsets = [4], sizes = [1], strides = [1]} : vector<16xi32> to vector<1xi32>
      %squeeze3A_1761 = vector.extract %slice3A_1760[0] : i32 from vector<1xi32>
      %mul3A_1762 = arith.constant 64 : i32
      %mul3A_1763 = arith.muli %squeeze3A_1761, %mul3A_1762 : i32
      %add3A_1764 = arith.constant 0 : i32
      %add3A_1765 = arith.addi %mul3A_1763, %add3A_1764 : i32
      %get3A_1766 = arith.index_cast %add3A_1765 : i32 to index
      %get3A_1767 = tpu.vector_load %arg6[%get3A_1766] {strides = array<i32>} : memref<16448xf32, #tpu.memory_space<vmem>>, vector<16xf32>,
      %add3A_1768 = arith.addf %add3A_1744, %get3A_1767 : vector<16xf32>
      %add3A_1769 = arith.constant 16 : i32
      %add3A_1770 = arith.addi %mul3A_1763, %add3A_1769 : i32
      %get3A_1771 = arith.index_cast %add3A_1770 : i32 to index
      %get3A_1772 = tpu.vector_load %arg6[%get3A_1771] {strides = array<i32>} : memref<16448xf32, #tpu.memory_space<vmem>>, vector<16xf32>,
      %add3A_1773 = arith.addf %add3A_1749, %get3A_1772 : vector<16xf32>
      %add3A_1774 = arith.constant 32 : i32
      %add3A_1775 = arith.addi %mul3A_1763, %add3A_1774 : i32
      %get3A_1776 = arith.index_cast %add3A_1775 : i32 to index
      %get3A_1777 = tpu.vector_load %arg6[%get3A_1776] {strides = array<i32>} : memref<16448xf32, #tpu.memory_space<vmem>>, vector<16xf32>,
      %add3A_1778 = arith.addf %add3A_1754, %get3A_1777 : vector<16xf32>
      %add3A_1779 = arith.constant 48 : i32
      %add3A_1780 = arith.addi %mul3A_1763, %add3A_1779 : i32
      %get3A_1781 = arith.index_cast %add3A_1780 : i32 to index
      %get3A_1782 = tpu.vector_load %arg6[%get3A_1781] {strides = array<i32>} : memref<16448xf32, #tpu.memory_space<vmem>>, vector<16xf32>,
      %add3A_1783 = arith.addf %add3A_1759, %get3A_1782 : vector<16xf32>
      %slice3A_1784 = vector.extract_strided_slice %get3A_39 {offsets = [5], sizes = [1], strides = [1]} : vector<16xi32> to vector<1xi32>
      %squeeze3A_1785 = vector.extract %slice3A_1784[0] : i32 from vector<1xi32>
      %mul3A_1786 = arith.constant 64 : i32
      %mul3A_1787 = arith.muli %squeeze3A_1785, %mul3A_1786 : i32
      %add3A_1788 = arith.constant 0 : i32
      %add3A_1789 = arith.addi %mul3A_1787, %add3A_1788 : i32
      %get3A_1790 = arith.index_cast %add3A_1789 : i32 to index
      %get3A_1791 = tpu.vector_load %arg6[%get3A_1790] {strides = array<i32>} : memref<16448xf32, #tpu.memory_space<vmem>>, vector<16xf32>,
      %add3A_1792 = arith.addf %add3A_1768, %get3A_1791 : vector<16xf32>
      %add3A_1793 = arith.constant 16 : i32
      %add3A_1794 = arith.addi %mul3A_1787, %add3A_1793 : i32
      %get3A_1795 = arith.index_cast %add3A_1794 : i32 to index
      %get3A_1796 = tpu.vector_load %arg6[%get3A_1795] {strides = array<i32>} : memref<16448xf32, #tpu.memory_space<vmem>>, vector<16xf32>,
      %add3A_1797 = arith.addf %add3A_1773, %get3A_1796 : vector<16xf32>
      %add3A_1798 = arith.constant 32 : i32
      %add3A_1799 = arith.addi %mul3A_1787, %add3A_1798 : i32
      %get3A_1800 = arith.index_cast %add3A_1799 : i32 to index
      %get3A_1801 = tpu.vector_load %arg6[%get3A_1800] {strides = array<i32>} : memref<16448xf32, #tpu.memory_space<vmem>>, vector<16xf32>,
      %add3A_1802 = arith.addf %add3A_1778, %get3A_1801 : vector<16xf32>
      %add3A_1803 = arith.constant 48 : i32
      %add3A_1804 = arith.addi %mul3A_1787, %add3A_1803 : i32
      %get3A_1805 = arith.index_cast %add3A_1804 : i32 to index
      %get3A_1806 = tpu.vector_load %arg6[%get3A_1805] {strides = array<i32>} : memref<16448xf32, #tpu.memory_space<vmem>>, vector<16xf32>,
      %add3A_1807 = arith.addf %add3A_1783, %get3A_1806 : vector<16xf32>
      %slice3A_1808 = vector.extract_strided_slice %get3A_39 {offsets = [6], sizes = [1], strides = [1]} : vector<16xi32> to vector<1xi32>
      %squeeze3A_1809 = vector.extract %slice3A_1808[0] : i32 from vector<1xi32>
      %mul3A_1810 = arith.constant 64 : i32
      %mul3A_1811 = arith.muli %squeeze3A_1809, %mul3A_1810 : i32
      %add3A_1812 = arith.constant 0 : i32
      %add3A_1813 = arith.addi %mul3A_1811, %add3A_1812 : i32
      %get3A_1814 = arith.index_cast %add3A_1813 : i32 to index
      %get3A_1815 = tpu.vector_load %arg6[%get3A_1814] {strides = array<i32>} : memref<16448xf32, #tpu.memory_space<vmem>>, vector<16xf32>,
      %add3A_1816 = arith.addf %add3A_1792, %get3A_1815 : vector<16xf32>
      %add3A_1817 = arith.constant 16 : i32
      %add3A_1818 = arith.addi %mul3A_1811, %add3A_1817 : i32
      %get3A_1819 = arith.index_cast %add3A_1818 : i32 to index
      %get3A_1820 = tpu.vector_load %arg6[%get3A_1819] {strides = array<i32>} : memref<16448xf32, #tpu.memory_space<vmem>>, vector<16xf32>,
      %add3A_1821 = arith.addf %add3A_1797, %get3A_1820 : vector<16xf32>
      %add3A_1822 = arith.constant 32 : i32
      %add3A_1823 = arith.addi %mul3A_1811, %add3A_1822 : i32
      %get3A_1824 = arith.index_cast %add3A_1823 : i32 to index
      %get3A_1825 = tpu.vector_load %arg6[%get3A_1824] {strides = array<i32>} : memref<16448xf32, #tpu.memory_space<vmem>>, vector<16xf32>,
      %add3A_1826 = arith.addf %add3A_1802, %get3A_1825 : vector<16xf32>
      %add3A_1827 = arith.constant 48 : i32
      %add3A_1828 = arith.addi %mul3A_1811, %add3A_1827 : i32
      %get3A_1829 = arith.index_cast %add3A_1828 : i32 to index
      %get3A_1830 = tpu.vector_load %arg6[%get3A_1829] {strides = array<i32>} : memref<16448xf32, #tpu.memory_space<vmem>>, vector<16xf32>,
      %add3A_1831 = arith.addf %add3A_1807, %get3A_1830 : vector<16xf32>
      %slice3A_1832 = vector.extract_strided_slice %get3A_39 {offsets = [7], sizes = [1], strides = [1]} : vector<16xi32> to vector<1xi32>
      %squeeze3A_1833 = vector.extract %slice3A_1832[0] : i32 from vector<1xi32>
      %mul3A_1834 = arith.constant 64 : i32
      %mul3A_1835 = arith.muli %squeeze3A_1833, %mul3A_1834 : i32
      %add3A_1836 = arith.constant 0 : i32
      %add3A_1837 = arith.addi %mul3A_1835, %add3A_1836 : i32
      %get3A_1838 = arith.index_cast %add3A_1837 : i32 to index
      %get3A_1839 = tpu.vector_load %arg6[%get3A_1838] {strides = array<i32>} : memref<16448xf32, #tpu.memory_space<vmem>>, vector<16xf32>,
      %add3A_1840 = arith.addf %add3A_1816, %get3A_1839 : vector<16xf32>
      %add3A_1841 = arith.constant 16 : i32
      %add3A_1842 = arith.addi %mul3A_1835, %add3A_1841 : i32
      %get3A_1843 = arith.index_cast %add3A_1842 : i32 to index
      %get3A_1844 = tpu.vector_load %arg6[%get3A_1843] {strides = array<i32>} : memref<16448xf32, #tpu.memory_space<vmem>>, vector<16xf32>,
      %add3A_1845 = arith.addf %add3A_1821, %get3A_1844 : vector<16xf32>
      %add3A_1846 = arith.constant 32 : i32
      %add3A_1847 = arith.addi %mul3A_1835, %add3A_1846 : i32
      %get3A_1848 = arith.index_cast %add3A_1847 : i32 to index
      %get3A_1849 = tpu.vector_load %arg6[%get3A_1848] {strides = array<i32>} : memref<16448xf32, #tpu.memory_space<vmem>>, vector<16xf32>,
      %add3A_1850 = arith.addf %add3A_1826, %get3A_1849 : vector<16xf32>
      %add3A_1851 = arith.constant 48 : i32
      %add3A_1852 = arith.addi %mul3A_1835, %add3A_1851 : i32
      %get3A_1853 = arith.index_cast %add3A_1852 : i32 to index
      %get3A_1854 = tpu.vector_load %arg6[%get3A_1853] {strides = array<i32>} : memref<16448xf32, #tpu.memory_space<vmem>>, vector<16xf32>,
      %add3A_1855 = arith.addf %add3A_1831, %get3A_1854 : vector<16xf32>
      %slice3A_1856 = vector.extract_strided_slice %get3A_39 {offsets = [8], sizes = [1], strides = [1]} : vector<16xi32> to vector<1xi32>
      %squeeze3A_1857 = vector.extract %slice3A_1856[0] : i32 from vector<1xi32>
      %mul3A_1858 = arith.constant 64 : i32
      %mul3A_1859 = arith.muli %squeeze3A_1857, %mul3A_1858 : i32
      %add3A_1860 = arith.constant 0 : i32
      %add3A_1861 = arith.addi %mul3A_1859, %add3A_1860 : i32
      %get3A_1862 = arith.index_cast %add3A_1861 : i32 to index
      %get3A_1863 = tpu.vector_load %arg6[%get3A_1862] {strides = array<i32>} : memref<16448xf32, #tpu.memory_space<vmem>>, vector<16xf32>,
      %add3A_1864 = arith.addf %add3A_1840, %get3A_1863 : vector<16xf32>
      %add3A_1865 = arith.constant 16 : i32
      %add3A_1866 = arith.addi %mul3A_1859, %add3A_1865 : i32
      %get3A_1867 = arith.index_cast %add3A_1866 : i32 to index
      %get3A_1868 = tpu.vector_load %arg6[%get3A_1867] {strides = array<i32>} : memref<16448xf32, #tpu.memory_space<vmem>>, vector<16xf32>,
      %add3A_1869 = arith.addf %add3A_1845, %get3A_1868 : vector<16xf32>
      %add3A_1870 = arith.constant 32 : i32
      %add3A_1871 = arith.addi %mul3A_1859, %add3A_1870 : i32
      %get3A_1872 = arith.index_cast %add3A_1871 : i32 to index
      %get3A_1873 = tpu.vector_load %arg6[%get3A_1872] {strides = array<i32>} : memref<16448xf32, #tpu.memory_space<vmem>>, vector<16xf32>,
      %add3A_1874 = arith.addf %add3A_1850, %get3A_1873 : vector<16xf32>
      %add3A_1875 = arith.constant 48 : i32
      %add3A_1876 = arith.addi %mul3A_1859, %add3A_1875 : i32
      %get3A_1877 = arith.index_cast %add3A_1876 : i32 to index
      %get3A_1878 = tpu.vector_load %arg6[%get3A_1877] {strides = array<i32>} : memref<16448xf32, #tpu.memory_space<vmem>>, vector<16xf32>,
      %add3A_1879 = arith.addf %add3A_1855, %get3A_1878 : vector<16xf32>
      %slice3A_1880 = vector.extract_strided_slice %get3A_39 {offsets = [9], sizes = [1], strides = [1]} : vector<16xi32> to vector<1xi32>
      %squeeze3A_1881 = vector.extract %slice3A_1880[0] : i32 from vector<1xi32>
      %mul3A_1882 = arith.constant 64 : i32
      %mul3A_1883 = arith.muli %squeeze3A_1881, %mul3A_1882 : i32
      %add3A_1884 = arith.constant 0 : i32
      %add3A_1885 = arith.addi %mul3A_1883, %add3A_1884 : i32
      %get3A_1886 = arith.index_cast %add3A_1885 : i32 to index
      %get3A_1887 = tpu.vector_load %arg6[%get3A_1886] {strides = array<i32>} : memref<16448xf32, #tpu.memory_space<vmem>>, vector<16xf32>,
      %add3A_1888 = arith.addf %add3A_1864, %get3A_1887 : vector<16xf32>
      %add3A_1889 = arith.constant 16 : i32
      %add3A_1890 = arith.addi %mul3A_1883, %add3A_1889 : i32
      %get3A_1891 = arith.index_cast %add3A_1890 : i32 to index
      %get3A_1892 = tpu.vector_load %arg6[%get3A_1891] {strides = array<i32>} : memref<16448xf32, #tpu.memory_space<vmem>>, vector<16xf32>,
      %add3A_1893 = arith.addf %add3A_1869, %get3A_1892 : vector<16xf32>
      %add3A_1894 = arith.constant 32 : i32
      %add3A_1895 = arith.addi %mul3A_1883, %add3A_1894 : i32
      %get3A_1896 = arith.index_cast %add3A_1895 : i32 to index
      %get3A_1897 = tpu.vector_load %arg6[%get3A_1896] {strides = array<i32>} : memref<16448xf32, #tpu.memory_space<vmem>>, vector<16xf32>,
      %add3A_1898 = arith.addf %add3A_1874, %get3A_1897 : vector<16xf32>
      %add3A_1899 = arith.constant 48 : i32
      %add3A_1900 = arith.addi %mul3A_1883, %add3A_1899 : i32
      %get3A_1901 = arith.index_cast %add3A_1900 : i32 to index
      %get3A_1902 = tpu.vector_load %arg6[%get3A_1901] {strides = array<i32>} : memref<16448xf32, #tpu.memory_space<vmem>>, vector<16xf32>,
      %add3A_1903 = arith.addf %add3A_1879, %get3A_1902 : vector<16xf32>
      %slice3A_1904 = vector.extract_strided_slice %get3A_39 {offsets = [10], sizes = [1], strides = [1]} : vector<16xi32> to vector<1xi32>
      %squeeze3A_1905 = vector.extract %slice3A_1904[0] : i32 from vector<1xi32>
      %mul3A_1906 = arith.constant 64 : i32
      %mul3A_1907 = arith.muli %squeeze3A_1905, %mul3A_1906 : i32
      %add3A_1908 = arith.constant 0 : i32
      %add3A_1909 = arith.addi %mul3A_1907, %add3A_1908 : i32
      %get3A_1910 = arith.index_cast %add3A_1909 : i32 to index
      %get3A_1911 = tpu.vector_load %arg6[%get3A_1910] {strides = array<i32>} : memref<16448xf32, #tpu.memory_space<vmem>>, vector<16xf32>,
      %add3A_1912 = arith.addf %add3A_1888, %get3A_1911 : vector<16xf32>
      %add3A_1913 = arith.constant 16 : i32
      %add3A_1914 = arith.addi %mul3A_1907, %add3A_1913 : i32
      %get3A_1915 = arith.index_cast %add3A_1914 : i32 to index
      %get3A_1916 = tpu.vector_load %arg6[%get3A_1915] {strides = array<i32>} : memref<16448xf32, #tpu.memory_space<vmem>>, vector<16xf32>,
      %add3A_1917 = arith.addf %add3A_1893, %get3A_1916 : vector<16xf32>
      %add3A_1918 = arith.constant 32 : i32
      %add3A_1919 = arith.addi %mul3A_1907, %add3A_1918 : i32
      %get3A_1920 = arith.index_cast %add3A_1919 : i32 to index
      %get3A_1921 = tpu.vector_load %arg6[%get3A_1920] {strides = array<i32>} : memref<16448xf32, #tpu.memory_space<vmem>>, vector<16xf32>,
      %add3A_1922 = arith.addf %add3A_1898, %get3A_1921 : vector<16xf32>
      %add3A_1923 = arith.constant 48 : i32
      %add3A_1924 = arith.addi %mul3A_1907, %add3A_1923 : i32
      %get3A_1925 = arith.index_cast %add3A_1924 : i32 to index
      %get3A_1926 = tpu.vector_load %arg6[%get3A_1925] {strides = array<i32>} : memref<16448xf32, #tpu.memory_space<vmem>>, vector<16xf32>,
      %add3A_1927 = arith.addf %add3A_1903, %get3A_1926 : vector<16xf32>
      %slice3A_1928 = vector.extract_strided_slice %get3A_39 {offsets = [11], sizes = [1], strides = [1]} : vector<16xi32> to vector<1xi32>
      %squeeze3A_1929 = vector.extract %slice3A_1928[0] : i32 from vector<1xi32>
      %mul3A_1930 = arith.constant 64 : i32
      %mul3A_1931 = arith.muli %squeeze3A_1929, %mul3A_1930 : i32
      %add3A_1932 = arith.constant 0 : i32
      %add3A_1933 = arith.addi %mul3A_1931, %add3A_1932 : i32
      %get3A_1934 = arith.index_cast %add3A_1933 : i32 to index
      %get3A_1935 = tpu.vector_load %arg6[%get3A_1934] {strides = array<i32>} : memref<16448xf32, #tpu.memory_space<vmem>>, vector<16xf32>,
      %add3A_1936 = arith.addf %add3A_1912, %get3A_1935 : vector<16xf32>
      %add3A_1937 = arith.constant 16 : i32
      %add3A_1938 = arith.addi %mul3A_1931, %add3A_1937 : i32
      %get3A_1939 = arith.index_cast %add3A_1938 : i32 to index
      %get3A_1940 = tpu.vector_load %arg6[%get3A_1939] {strides = array<i32>} : memref<16448xf32, #tpu.memory_space<vmem>>, vector<16xf32>,
      %add3A_1941 = arith.addf %add3A_1917, %get3A_1940 : vector<16xf32>
      %add3A_1942 = arith.constant 32 : i32
      %add3A_1943 = arith.addi %mul3A_1931, %add3A_1942 : i32
      %get3A_1944 = arith.index_cast %add3A_1943 : i32 to index
      %get3A_1945 = tpu.vector_load %arg6[%get3A_1944] {strides = array<i32>} : memref<16448xf32, #tpu.memory_space<vmem>>, vector<16xf32>,
      %add3A_1946 = arith.addf %add3A_1922, %get3A_1945 : vector<16xf32>
      %add3A_1947 = arith.constant 48 : i32
      %add3A_1948 = arith.addi %mul3A_1931, %add3A_1947 : i32
      %get3A_1949 = arith.index_cast %add3A_1948 : i32 to index
      %get3A_1950 = tpu.vector_load %arg6[%get3A_1949] {strides = array<i32>} : memref<16448xf32, #tpu.memory_space<vmem>>, vector<16xf32>,
      %add3A_1951 = arith.addf %add3A_1927, %get3A_1950 : vector<16xf32>
      %slice3A_1952 = vector.extract_strided_slice %get3A_39 {offsets = [12], sizes = [1], strides = [1]} : vector<16xi32> to vector<1xi32>
      %squeeze3A_1953 = vector.extract %slice3A_1952[0] : i32 from vector<1xi32>
      %mul3A_1954 = arith.constant 64 : i32
      %mul3A_1955 = arith.muli %squeeze3A_1953, %mul3A_1954 : i32
      %add3A_1956 = arith.constant 0 : i32
      %add3A_1957 = arith.addi %mul3A_1955, %add3A_1956 : i32
      %get3A_1958 = arith.index_cast %add3A_1957 : i32 to index
      %get3A_1959 = tpu.vector_load %arg6[%get3A_1958] {strides = array<i32>} : memref<16448xf32, #tpu.memory_space<vmem>>, vector<16xf32>,
      %add3A_1960 = arith.addf %add3A_1936, %get3A_1959 : vector<16xf32>
      %add3A_1961 = arith.constant 16 : i32
      %add3A_1962 = arith.addi %mul3A_1955, %add3A_1961 : i32
      %get3A_1963 = arith.index_cast %add3A_1962 : i32 to index
      %get3A_1964 = tpu.vector_load %arg6[%get3A_1963] {strides = array<i32>} : memref<16448xf32, #tpu.memory_space<vmem>>, vector<16xf32>,
      %add3A_1965 = arith.addf %add3A_1941, %get3A_1964 : vector<16xf32>
      %add3A_1966 = arith.constant 32 : i32
      %add3A_1967 = arith.addi %mul3A_1955, %add3A_1966 : i32
      %get3A_1968 = arith.index_cast %add3A_1967 : i32 to index
      %get3A_1969 = tpu.vector_load %arg6[%get3A_1968] {strides = array<i32>} : memref<16448xf32, #tpu.memory_space<vmem>>, vector<16xf32>,
      %add3A_1970 = arith.addf %add3A_1946, %get3A_1969 : vector<16xf32>
      %add3A_1971 = arith.constant 48 : i32
      %add3A_1972 = arith.addi %mul3A_1955, %add3A_1971 : i32
      %get3A_1973 = arith.index_cast %add3A_1972 : i32 to index
      %get3A_1974 = tpu.vector_load %arg6[%get3A_1973] {strides = array<i32>} : memref<16448xf32, #tpu.memory_space<vmem>>, vector<16xf32>,
      %add3A_1975 = arith.addf %add3A_1951, %get3A_1974 : vector<16xf32>
      %slice3A_1976 = vector.extract_strided_slice %get3A_39 {offsets = [13], sizes = [1], strides = [1]} : vector<16xi32> to vector<1xi32>
      %squeeze3A_1977 = vector.extract %slice3A_1976[0] : i32 from vector<1xi32>
      %mul3A_1978 = arith.constant 64 : i32
      %mul3A_1979 = arith.muli %squeeze3A_1977, %mul3A_1978 : i32
      %add3A_1980 = arith.constant 0 : i32
      %add3A_1981 = arith.addi %mul3A_1979, %add3A_1980 : i32
      %get3A_1982 = arith.index_cast %add3A_1981 : i32 to index
      %get3A_1983 = tpu.vector_load %arg6[%get3A_1982] {strides = array<i32>} : memref<16448xf32, #tpu.memory_space<vmem>>, vector<16xf32>,
      %add3A_1984 = arith.addf %add3A_1960, %get3A_1983 : vector<16xf32>
      %add3A_1985 = arith.constant 16 : i32
      %add3A_1986 = arith.addi %mul3A_1979, %add3A_1985 : i32
      %get3A_1987 = arith.index_cast %add3A_1986 : i32 to index
      %get3A_1988 = tpu.vector_load %arg6[%get3A_1987] {strides = array<i32>} : memref<16448xf32, #tpu.memory_space<vmem>>, vector<16xf32>,
      %add3A_1989 = arith.addf %add3A_1965, %get3A_1988 : vector<16xf32>
      %add3A_1990 = arith.constant 32 : i32
      %add3A_1991 = arith.addi %mul3A_1979, %add3A_1990 : i32
      %get3A_1992 = arith.index_cast %add3A_1991 : i32 to index
      %get3A_1993 = tpu.vector_load %arg6[%get3A_1992] {strides = array<i32>} : memref<16448xf32, #tpu.memory_space<vmem>>, vector<16xf32>,
      %add3A_1994 = arith.addf %add3A_1970, %get3A_1993 : vector<16xf32>
      %add3A_1995 = arith.constant 48 : i32
      %add3A_1996 = arith.addi %mul3A_1979, %add3A_1995 : i32
      %get3A_1997 = arith.index_cast %add3A_1996 : i32 to index
      %get3A_1998 = tpu.vector_load %arg6[%get3A_1997] {strides = array<i32>} : memref<16448xf32, #tpu.memory_space<vmem>>, vector<16xf32>,
      %add3A_1999 = arith.addf %add3A_1975, %get3A_1998 : vector<16xf32>
      %slice3A_2000 = vector.extract_strided_slice %get3A_39 {offsets = [14], sizes = [1], strides = [1]} : vector<16xi32> to vector<1xi32>
      %squeeze3A_2001 = vector.extract %slice3A_2000[0] : i32 from vector<1xi32>
      %mul3A_2002 = arith.constant 64 : i32
      %mul3A_2003 = arith.muli %squeeze3A_2001, %mul3A_2002 : i32
      %add3A_2004 = arith.constant 0 : i32
      %add3A_2005 = arith.addi %mul3A_2003, %add3A_2004 : i32
      %get3A_2006 = arith.index_cast %add3A_2005 : i32 to index
      %get3A_2007 = tpu.vector_load %arg6[%get3A_2006] {strides = array<i32>} : memref<16448xf32, #tpu.memory_space<vmem>>, vector<16xf32>,
      %add3A_2008 = arith.addf %add3A_1984, %get3A_2007 : vector<16xf32>
      %add3A_2009 = arith.constant 16 : i32
      %add3A_2010 = arith.addi %mul3A_2003, %add3A_2009 : i32
      %get3A_2011 = arith.index_cast %add3A_2010 : i32 to index
      %get3A_2012 = tpu.vector_load %arg6[%get3A_2011] {strides = array<i32>} : memref<16448xf32, #tpu.memory_space<vmem>>, vector<16xf32>,
      %add3A_2013 = arith.addf %add3A_1989, %get3A_2012 : vector<16xf32>
      %add3A_2014 = arith.constant 32 : i32
      %add3A_2015 = arith.addi %mul3A_2003, %add3A_2014 : i32
      %get3A_2016 = arith.index_cast %add3A_2015 : i32 to index
      %get3A_2017 = tpu.vector_load %arg6[%get3A_2016] {strides = array<i32>} : memref<16448xf32, #tpu.memory_space<vmem>>, vector<16xf32>,
      %add3A_2018 = arith.addf %add3A_1994, %get3A_2017 : vector<16xf32>
      %add3A_2019 = arith.constant 48 : i32
      %add3A_2020 = arith.addi %mul3A_2003, %add3A_2019 : i32
      %get3A_2021 = arith.index_cast %add3A_2020 : i32 to index
      %get3A_2022 = tpu.vector_load %arg6[%get3A_2021] {strides = array<i32>} : memref<16448xf32, #tpu.memory_space<vmem>>, vector<16xf32>,
      %add3A_2023 = arith.addf %add3A_1999, %get3A_2022 : vector<16xf32>
      %slice3A_2024 = vector.extract_strided_slice %get3A_39 {offsets = [15], sizes = [1], strides = [1]} : vector<16xi32> to vector<1xi32>
      %squeeze3A_2025 = vector.extract %slice3A_2024[0] : i32 from vector<1xi32>
      %mul3A_2026 = arith.constant 64 : i32
      %mul3A_2027 = arith.muli %squeeze3A_2025, %mul3A_2026 : i32
      %add3A_2028 = arith.constant 0 : i32
      %add3A_2029 = arith.addi %mul3A_2027, %add3A_2028 : i32
      %get3A_2030 = arith.index_cast %add3A_2029 : i32 to index
      %get3A_2031 = tpu.vector_load %arg6[%get3A_2030] {strides = array<i32>} : memref<16448xf32, #tpu.memory_space<vmem>>, vector<16xf32>,
      %add3A_2032 = arith.addf %add3A_2008, %get3A_2031 : vector<16xf32>
      %add3A_2033 = arith.constant 16 : i32
      %add3A_2034 = arith.addi %mul3A_2027, %add3A_2033 : i32
      %get3A_2035 = arith.index_cast %add3A_2034 : i32 to index
      %get3A_2036 = tpu.vector_load %arg6[%get3A_2035] {strides = array<i32>} : memref<16448xf32, #tpu.memory_space<vmem>>, vector<16xf32>,
      %add3A_2037 = arith.addf %add3A_2013, %get3A_2036 : vector<16xf32>
      %add3A_2038 = arith.constant 32 : i32
      %add3A_2039 = arith.addi %mul3A_2027, %add3A_2038 : i32
      %get3A_2040 = arith.index_cast %add3A_2039 : i32 to index
      %get3A_2041 = tpu.vector_load %arg6[%get3A_2040] {strides = array<i32>} : memref<16448xf32, #tpu.memory_space<vmem>>, vector<16xf32>,
      %add3A_2042 = arith.addf %add3A_2018, %get3A_2041 : vector<16xf32>
      %add3A_2043 = arith.constant 48 : i32
      %add3A_2044 = arith.addi %mul3A_2027, %add3A_2043 : i32
      %get3A_2045 = arith.index_cast %add3A_2044 : i32 to index
      %get3A_2046 = tpu.vector_load %arg6[%get3A_2045] {strides = array<i32>} : memref<16448xf32, #tpu.memory_space<vmem>>, vector<16xf32>,
      %add3A_2047 = arith.addf %add3A_2023, %get3A_2046 : vector<16xf32>
      %mul3A_2048 = arith.constant 4 : i32
      %mul3A_2049 = arith.muli %scan3A_18, %mul3A_2048 : i32
      %add3A_2050 = arith.constant 3 : i32
      %add3A_2051 = arith.addi %mul3A_2049, %add3A_2050 : i32
      %mul3A_2052 = arith.constant 64 : i32
      %mul3A_2053 = arith.muli %add3A_2051, %mul3A_2052 : i32
      %mul3A_2054 = vector.broadcast %scan3A : f32 to vector<16xf32>
      %mul3A_2055 = arith.mulf %add3A_2032, %mul3A_2054 : vector<16xf32>
      %add3A_2056 = arith.constant 0 : i32
      %add3A_2057 = arith.addi %mul3A_2053, %add3A_2056 : i32
      %swap3A_2058 = arith.index_cast %add3A_2057 : i32 to index
      %swap3A_2059 = tpu.vector_load %arg7[%swap3A_2058] {strides = array<i32>} : memref<24576xf32, #tpu.memory_space<vmem>>, vector<16xf32>,
      tpu.vector_store %arg7[%swap3A_2058], %mul3A_2055 {strides = array<i32>} : memref<24576xf32, #tpu.memory_space<vmem>>, vector<16xf32>,
      %mul3A_2060 = vector.broadcast %scan3A : f32 to vector<16xf32>
      %mul3A_2061 = arith.mulf %add3A_2037, %mul3A_2060 : vector<16xf32>
      %add3A_2062 = arith.constant 16 : i32
      %add3A_2063 = arith.addi %mul3A_2053, %add3A_2062 : i32
      %swap3A_2064 = arith.index_cast %add3A_2063 : i32 to index
      %swap3A_2065 = tpu.vector_load %arg7[%swap3A_2064] {strides = array<i32>} : memref<24576xf32, #tpu.memory_space<vmem>>, vector<16xf32>,
      tpu.vector_store %arg7[%swap3A_2064], %mul3A_2061 {strides = array<i32>} : memref<24576xf32, #tpu.memory_space<vmem>>, vector<16xf32>,
      %mul3A_2066 = vector.broadcast %scan3A : f32 to vector<16xf32>
      %mul3A_2067 = arith.mulf %add3A_2042, %mul3A_2066 : vector<16xf32>
      %add3A_2068 = arith.constant 32 : i32
      %add3A_2069 = arith.addi %mul3A_2053, %add3A_2068 : i32
      %swap3A_2070 = arith.index_cast %add3A_2069 : i32 to index
      %swap3A_2071 = tpu.vector_load %arg7[%swap3A_2070] {strides = array<i32>} : memref<24576xf32, #tpu.memory_space<vmem>>, vector<16xf32>,
      tpu.vector_store %arg7[%swap3A_2070], %mul3A_2067 {strides = array<i32>} : memref<24576xf32, #tpu.memory_space<vmem>>, vector<16xf32>,
      %mul3A_2072 = vector.broadcast %scan3A : f32 to vector<16xf32>
      %mul3A_2073 = arith.mulf %add3A_2047, %mul3A_2072 : vector<16xf32>
      %add3A_2074 = arith.constant 48 : i32
      %add3A_2075 = arith.addi %mul3A_2053, %add3A_2074 : i32
      %swap3A_2076 = arith.index_cast %add3A_2075 : i32 to index
      %swap3A_2077 = tpu.vector_load %arg7[%swap3A_2076] {strides = array<i32>} : memref<24576xf32, #tpu.memory_space<vmem>>, vector<16xf32>,
      tpu.vector_store %arg7[%swap3A_2076], %mul3A_2073 {strides = array<i32>} : memref<24576xf32, #tpu.memory_space<vmem>>, vector<16xf32>,
    }
    %scan3A_15 = arith.constant 96 : i32
    %mul3A_16 = arith.constant 24576 : i32
    %mul3A_17 = arith.muli %add3A, %mul3A_16 : i32
    "tpu.region"() ({
      %run_scoped3A = tpu.sem_alloc : memref<!tpu.dma_semaphore, #tpu.memory_space<semaphore_mem>>
      %dma_start3A = tpu.memref_slice %arg4[%mul3A_17] : memref<786432xf32, #tpu.memory_space<hbm>> -> memref<24576xf32, #tpu.memory_space<hbm>>
      %dma_start3A_18 = tpu.memref_slice %arg4[%mul3A_17] : memref<786432xf32, #tpu.memory_space<hbm>> -> memref<24576xf32, #tpu.memory_space<hbm>>
      tpu.enqueue_dma source(%arg7 : memref<24576xf32, #tpu.memory_space<vmem>>) target(%dma_start3A_18 : memref<24576xf32, #tpu.memory_space<hbm>>) target_semaphore(%run_scoped3A : memref<!tpu.dma_semaphore, #tpu.memory_space<semaphore_mem>>)
      %dma_wait3A = tpu.memref_slice %arg4[%mul3A_17] : memref<786432xf32, #tpu.memory_space<hbm>> -> memref<24576xf32, #tpu.memory_space<hbm>>
      %dma_wait3A_19 = tpu.memref_slice %arg4[%mul3A_17] : memref<786432xf32, #tpu.memory_space<hbm>> -> memref<24576xf32, #tpu.memory_space<hbm>>
      tpu.wait_dma2 semaphore(%run_scoped3A : memref<!tpu.dma_semaphore, #tpu.memory_space<semaphore_mem>>) src(%arg7 : memref<24576xf32, #tpu.memory_space<vmem>>) dst(%dma_wait3A_19 : memref<24576xf32, #tpu.memory_space<hbm>>)
      tpu.yield
    }) : () -> ()
    return
  }
}

module attributes {stable_mosaic.version = 14 : i64} {
  func.func @_tc_counts_kernel(%arg0: i32, %arg1: memref<1024x20xi32, #tpu.memory_space<vmem>>, %arg2: memref<257x64xf32, #tpu.memory_space<vmem>>, %arg3: memref<257x64xf32, #tpu.memory_space<vmem>>, %arg4: memref<1x257xf32, #tpu.memory_space<vmem>>, %arg5: memref<1024x257xf32, #tpu.memory_space<vmem>>) attributes {dimension_semantics = [#tpu.dimension_semantics<arbitrary>], iteration_bounds = array<i64: 4>, scalar_prefetch = 0 : i64, scratch_operands = 0 : i64, tpu.core_type = #tpu.core_type<tc>, window_params = [{transform_indices = @transform_0, window_bounds = array<i64: 1024, 20>}, {pipeline_mode = #tpu.pipeline_mode<synchronous>, transform_indices = @transform_1, window_bounds = array<i64: 257, 64>}, {pipeline_mode = #tpu.pipeline_mode<synchronous>, transform_indices = @transform_2, window_bounds = array<i64: 257, 64>}, {pipeline_mode = #tpu.pipeline_mode<synchronous>, transform_indices = @transform_3, window_bounds = array<i64: 1, 257>}, {transform_indices = @transform_4, window_bounds = array<i64: 1024, 257>}]} {
    %get3A = arith.constant 0 : index
    %get3A_0 = arith.constant 0 : index
    %get3A_1 = vector.load %arg2[%get3A, %get3A_0] : memref<257x64xf32, #tpu.memory_space<vmem>>, vector<257x64xf32>
    %iota3A = tpu.iota {dimensions = array<i32: 0>} : vector<257x64xi32>
    %eq3A = arith.constant 0 : i32
    %eq3A_2 = vector.broadcast %eq3A : i32 to vector<257x64xi32>
    %eq3A_3 = arith.cmpi eq, %iota3A, %eq3A_2 : vector<257x64xi32>
    %jit3A = arith.constant 0.000000e+00 : f32
    %broadcast_in_dim3A = vector.broadcast %jit3A : f32 to vector<257x64xf32>
    %select_n3A = arith.select %eq3A_3, %broadcast_in_dim3A, %get3A_1 : vector<257x64xi1>, vector<257x64xf32>
    %get3A_4 = arith.constant 0 : index
    %get3A_5 = arith.constant 0 : index
    %get3A_6 = vector.load %arg3[%get3A_4, %get3A_5] : memref<257x64xf32, #tpu.memory_space<vmem>>, vector<257x64xf32>
    %dot_general3A = arith.constant dense<0.000000e+00> : vector<257x257xf32>
    %dot_general3A_7 = tpu.matmul %select_n3A, %get3A_6, %dot_general3A {dimension_numbers = #tpu.dot_dimension_numbers<[1], [1], [0], [0], [0, 0, 1, 0], [], []>, transpose_lhs_hint = false} : vector<257x64xf32>, vector<257x64xf32>, vector<257x257xf32> -> vector<257x257xf32>
    %get3A_8 = arith.constant 0 : index
    %get3A_9 = arith.constant 0 : index
    %get3A_10 = vector.load %arg1[%get3A_8, %get3A_9] : memref<1024x20xi32, #tpu.memory_space<vmem>>, vector<1024x20xi32>
    %iota3A_11 = tpu.iota {dimensions = array<i32: 1>} : vector<1x257xi32>
    %broadcast_in_dim3A_12 = arith.constant 0.000000e+00 : f32
    %broadcast_in_dim3A_13 = vector.broadcast %broadcast_in_dim3A_12 : f32 to vector<1024x257xf32>
    %slice3A = vector.extract_strided_slice %get3A_10 {offsets = [0, 0], sizes = [1024, 1], strides = [1, 1]} : vector<1024x20xi32> to vector<1024x1xi32>
    %eq3A_14 = vector.broadcast %slice3A : vector<1024x1xi32> to vector<1024x257xi32>
    %eq3A_15 = vector.broadcast %iota3A_11 : vector<1x257xi32> to vector<1024x257xi32>
    %eq3A_16 = arith.cmpi eq, %eq3A_14, %eq3A_15 : vector<1024x257xi32>
    %convert_element_type3A = arith.extui %eq3A_16 : vector<1024x257xi1> to vector<1024x257xi32>
    %convert_element_type3A_17 = arith.sitofp %convert_element_type3A : vector<1024x257xi32> to vector<1024x257xf32>
    %add3A = arith.addf %broadcast_in_dim3A_13, %convert_element_type3A_17 : vector<1024x257xf32>
    %slice3A_18 = vector.extract_strided_slice %get3A_10 {offsets = [0, 1], sizes = [1024, 1], strides = [1, 1]} : vector<1024x20xi32> to vector<1024x1xi32>
    %eq3A_19 = vector.broadcast %slice3A_18 : vector<1024x1xi32> to vector<1024x257xi32>
    %eq3A_20 = vector.broadcast %iota3A_11 : vector<1x257xi32> to vector<1024x257xi32>
    %eq3A_21 = arith.cmpi eq, %eq3A_19, %eq3A_20 : vector<1024x257xi32>
    %convert_element_type3A_22 = arith.extui %eq3A_21 : vector<1024x257xi1> to vector<1024x257xi32>
    %convert_element_type3A_23 = arith.sitofp %convert_element_type3A_22 : vector<1024x257xi32> to vector<1024x257xf32>
    %add3A_24 = arith.addf %add3A, %convert_element_type3A_23 : vector<1024x257xf32>
    %slice3A_25 = vector.extract_strided_slice %get3A_10 {offsets = [0, 2], sizes = [1024, 1], strides = [1, 1]} : vector<1024x20xi32> to vector<1024x1xi32>
    %eq3A_26 = vector.broadcast %slice3A_25 : vector<1024x1xi32> to vector<1024x257xi32>
    %eq3A_27 = vector.broadcast %iota3A_11 : vector<1x257xi32> to vector<1024x257xi32>
    %eq3A_28 = arith.cmpi eq, %eq3A_26, %eq3A_27 : vector<1024x257xi32>
    %convert_element_type3A_29 = arith.extui %eq3A_28 : vector<1024x257xi1> to vector<1024x257xi32>
    %convert_element_type3A_30 = arith.sitofp %convert_element_type3A_29 : vector<1024x257xi32> to vector<1024x257xf32>
    %add3A_31 = arith.addf %add3A_24, %convert_element_type3A_30 : vector<1024x257xf32>
    %slice3A_32 = vector.extract_strided_slice %get3A_10 {offsets = [0, 3], sizes = [1024, 1], strides = [1, 1]} : vector<1024x20xi32> to vector<1024x1xi32>
    %eq3A_33 = vector.broadcast %slice3A_32 : vector<1024x1xi32> to vector<1024x257xi32>
    %eq3A_34 = vector.broadcast %iota3A_11 : vector<1x257xi32> to vector<1024x257xi32>
    %eq3A_35 = arith.cmpi eq, %eq3A_33, %eq3A_34 : vector<1024x257xi32>
    %convert_element_type3A_36 = arith.extui %eq3A_35 : vector<1024x257xi1> to vector<1024x257xi32>
    %convert_element_type3A_37 = arith.sitofp %convert_element_type3A_36 : vector<1024x257xi32> to vector<1024x257xf32>
    %add3A_38 = arith.addf %add3A_31, %convert_element_type3A_37 : vector<1024x257xf32>
    %slice3A_39 = vector.extract_strided_slice %get3A_10 {offsets = [0, 4], sizes = [1024, 1], strides = [1, 1]} : vector<1024x20xi32> to vector<1024x1xi32>
    %eq3A_40 = vector.broadcast %slice3A_39 : vector<1024x1xi32> to vector<1024x257xi32>
    %eq3A_41 = vector.broadcast %iota3A_11 : vector<1x257xi32> to vector<1024x257xi32>
    %eq3A_42 = arith.cmpi eq, %eq3A_40, %eq3A_41 : vector<1024x257xi32>
    %convert_element_type3A_43 = arith.extui %eq3A_42 : vector<1024x257xi1> to vector<1024x257xi32>
    %convert_element_type3A_44 = arith.sitofp %convert_element_type3A_43 : vector<1024x257xi32> to vector<1024x257xf32>
    %add3A_45 = arith.addf %add3A_38, %convert_element_type3A_44 : vector<1024x257xf32>
    %slice3A_46 = vector.extract_strided_slice %get3A_10 {offsets = [0, 5], sizes = [1024, 1], strides = [1, 1]} : vector<1024x20xi32> to vector<1024x1xi32>
    %eq3A_47 = vector.broadcast %slice3A_46 : vector<1024x1xi32> to vector<1024x257xi32>
    %eq3A_48 = vector.broadcast %iota3A_11 : vector<1x257xi32> to vector<1024x257xi32>
    %eq3A_49 = arith.cmpi eq, %eq3A_47, %eq3A_48 : vector<1024x257xi32>
    %convert_element_type3A_50 = arith.extui %eq3A_49 : vector<1024x257xi1> to vector<1024x257xi32>
    %convert_element_type3A_51 = arith.sitofp %convert_element_type3A_50 : vector<1024x257xi32> to vector<1024x257xf32>
    %add3A_52 = arith.addf %add3A_45, %convert_element_type3A_51 : vector<1024x257xf32>
    %slice3A_53 = vector.extract_strided_slice %get3A_10 {offsets = [0, 6], sizes = [1024, 1], strides = [1, 1]} : vector<1024x20xi32> to vector<1024x1xi32>
    %eq3A_54 = vector.broadcast %slice3A_53 : vector<1024x1xi32> to vector<1024x257xi32>
    %eq3A_55 = vector.broadcast %iota3A_11 : vector<1x257xi32> to vector<1024x257xi32>
    %eq3A_56 = arith.cmpi eq, %eq3A_54, %eq3A_55 : vector<1024x257xi32>
    %convert_element_type3A_57 = arith.extui %eq3A_56 : vector<1024x257xi1> to vector<1024x257xi32>
    %convert_element_type3A_58 = arith.sitofp %convert_element_type3A_57 : vector<1024x257xi32> to vector<1024x257xf32>
    %add3A_59 = arith.addf %add3A_52, %convert_element_type3A_58 : vector<1024x257xf32>
    %slice3A_60 = vector.extract_strided_slice %get3A_10 {offsets = [0, 7], sizes = [1024, 1], strides = [1, 1]} : vector<1024x20xi32> to vector<1024x1xi32>
    %eq3A_61 = vector.broadcast %slice3A_60 : vector<1024x1xi32> to vector<1024x257xi32>
    %eq3A_62 = vector.broadcast %iota3A_11 : vector<1x257xi32> to vector<1024x257xi32>
    %eq3A_63 = arith.cmpi eq, %eq3A_61, %eq3A_62 : vector<1024x257xi32>
    %convert_element_type3A_64 = arith.extui %eq3A_63 : vector<1024x257xi1> to vector<1024x257xi32>
    %convert_element_type3A_65 = arith.sitofp %convert_element_type3A_64 : vector<1024x257xi32> to vector<1024x257xf32>
    %add3A_66 = arith.addf %add3A_59, %convert_element_type3A_65 : vector<1024x257xf32>
    %slice3A_67 = vector.extract_strided_slice %get3A_10 {offsets = [0, 8], sizes = [1024, 1], strides = [1, 1]} : vector<1024x20xi32> to vector<1024x1xi32>
    %eq3A_68 = vector.broadcast %slice3A_67 : vector<1024x1xi32> to vector<1024x257xi32>
    %eq3A_69 = vector.broadcast %iota3A_11 : vector<1x257xi32> to vector<1024x257xi32>
    %eq3A_70 = arith.cmpi eq, %eq3A_68, %eq3A_69 : vector<1024x257xi32>
    %convert_element_type3A_71 = arith.extui %eq3A_70 : vector<1024x257xi1> to vector<1024x257xi32>
    %convert_element_type3A_72 = arith.sitofp %convert_element_type3A_71 : vector<1024x257xi32> to vector<1024x257xf32>
    %add3A_73 = arith.addf %add3A_66, %convert_element_type3A_72 : vector<1024x257xf32>
    %slice3A_74 = vector.extract_strided_slice %get3A_10 {offsets = [0, 9], sizes = [1024, 1], strides = [1, 1]} : vector<1024x20xi32> to vector<1024x1xi32>
    %eq3A_75 = vector.broadcast %slice3A_74 : vector<1024x1xi32> to vector<1024x257xi32>
    %eq3A_76 = vector.broadcast %iota3A_11 : vector<1x257xi32> to vector<1024x257xi32>
    %eq3A_77 = arith.cmpi eq, %eq3A_75, %eq3A_76 : vector<1024x257xi32>
    %convert_element_type3A_78 = arith.extui %eq3A_77 : vector<1024x257xi1> to vector<1024x257xi32>
    %convert_element_type3A_79 = arith.sitofp %convert_element_type3A_78 : vector<1024x257xi32> to vector<1024x257xf32>
    %add3A_80 = arith.addf %add3A_73, %convert_element_type3A_79 : vector<1024x257xf32>
    %slice3A_81 = vector.extract_strided_slice %get3A_10 {offsets = [0, 10], sizes = [1024, 1], strides = [1, 1]} : vector<1024x20xi32> to vector<1024x1xi32>
    %eq3A_82 = vector.broadcast %slice3A_81 : vector<1024x1xi32> to vector<1024x257xi32>
    %eq3A_83 = vector.broadcast %iota3A_11 : vector<1x257xi32> to vector<1024x257xi32>
    %eq3A_84 = arith.cmpi eq, %eq3A_82, %eq3A_83 : vector<1024x257xi32>
    %convert_element_type3A_85 = arith.extui %eq3A_84 : vector<1024x257xi1> to vector<1024x257xi32>
    %convert_element_type3A_86 = arith.sitofp %convert_element_type3A_85 : vector<1024x257xi32> to vector<1024x257xf32>
    %add3A_87 = arith.addf %add3A_80, %convert_element_type3A_86 : vector<1024x257xf32>
    %slice3A_88 = vector.extract_strided_slice %get3A_10 {offsets = [0, 11], sizes = [1024, 1], strides = [1, 1]} : vector<1024x20xi32> to vector<1024x1xi32>
    %eq3A_89 = vector.broadcast %slice3A_88 : vector<1024x1xi32> to vector<1024x257xi32>
    %eq3A_90 = vector.broadcast %iota3A_11 : vector<1x257xi32> to vector<1024x257xi32>
    %eq3A_91 = arith.cmpi eq, %eq3A_89, %eq3A_90 : vector<1024x257xi32>
    %convert_element_type3A_92 = arith.extui %eq3A_91 : vector<1024x257xi1> to vector<1024x257xi32>
    %convert_element_type3A_93 = arith.sitofp %convert_element_type3A_92 : vector<1024x257xi32> to vector<1024x257xf32>
    %add3A_94 = arith.addf %add3A_87, %convert_element_type3A_93 : vector<1024x257xf32>
    %slice3A_95 = vector.extract_strided_slice %get3A_10 {offsets = [0, 12], sizes = [1024, 1], strides = [1, 1]} : vector<1024x20xi32> to vector<1024x1xi32>
    %eq3A_96 = vector.broadcast %slice3A_95 : vector<1024x1xi32> to vector<1024x257xi32>
    %eq3A_97 = vector.broadcast %iota3A_11 : vector<1x257xi32> to vector<1024x257xi32>
    %eq3A_98 = arith.cmpi eq, %eq3A_96, %eq3A_97 : vector<1024x257xi32>
    %convert_element_type3A_99 = arith.extui %eq3A_98 : vector<1024x257xi1> to vector<1024x257xi32>
    %convert_element_type3A_100 = arith.sitofp %convert_element_type3A_99 : vector<1024x257xi32> to vector<1024x257xf32>
    %add3A_101 = arith.addf %add3A_94, %convert_element_type3A_100 : vector<1024x257xf32>
    %slice3A_102 = vector.extract_strided_slice %get3A_10 {offsets = [0, 13], sizes = [1024, 1], strides = [1, 1]} : vector<1024x20xi32> to vector<1024x1xi32>
    %eq3A_103 = vector.broadcast %slice3A_102 : vector<1024x1xi32> to vector<1024x257xi32>
    %eq3A_104 = vector.broadcast %iota3A_11 : vector<1x257xi32> to vector<1024x257xi32>
    %eq3A_105 = arith.cmpi eq, %eq3A_103, %eq3A_104 : vector<1024x257xi32>
    %convert_element_type3A_106 = arith.extui %eq3A_105 : vector<1024x257xi1> to vector<1024x257xi32>
    %convert_element_type3A_107 = arith.sitofp %convert_element_type3A_106 : vector<1024x257xi32> to vector<1024x257xf32>
    %add3A_108 = arith.addf %add3A_101, %convert_element_type3A_107 : vector<1024x257xf32>
    %slice3A_109 = vector.extract_strided_slice %get3A_10 {offsets = [0, 14], sizes = [1024, 1], strides = [1, 1]} : vector<1024x20xi32> to vector<1024x1xi32>
    %eq3A_110 = vector.broadcast %slice3A_109 : vector<1024x1xi32> to vector<1024x257xi32>
    %eq3A_111 = vector.broadcast %iota3A_11 : vector<1x257xi32> to vector<1024x257xi32>
    %eq3A_112 = arith.cmpi eq, %eq3A_110, %eq3A_111 : vector<1024x257xi32>
    %convert_element_type3A_113 = arith.extui %eq3A_112 : vector<1024x257xi1> to vector<1024x257xi32>
    %convert_element_type3A_114 = arith.sitofp %convert_element_type3A_113 : vector<1024x257xi32> to vector<1024x257xf32>
    %add3A_115 = arith.addf %add3A_108, %convert_element_type3A_114 : vector<1024x257xf32>
    %slice3A_116 = vector.extract_strided_slice %get3A_10 {offsets = [0, 15], sizes = [1024, 1], strides = [1, 1]} : vector<1024x20xi32> to vector<1024x1xi32>
    %eq3A_117 = vector.broadcast %slice3A_116 : vector<1024x1xi32> to vector<1024x257xi32>
    %eq3A_118 = vector.broadcast %iota3A_11 : vector<1x257xi32> to vector<1024x257xi32>
    %eq3A_119 = arith.cmpi eq, %eq3A_117, %eq3A_118 : vector<1024x257xi32>
    %convert_element_type3A_120 = arith.extui %eq3A_119 : vector<1024x257xi1> to vector<1024x257xi32>
    %convert_element_type3A_121 = arith.sitofp %convert_element_type3A_120 : vector<1024x257xi32> to vector<1024x257xf32>
    %add3A_122 = arith.addf %add3A_115, %convert_element_type3A_121 : vector<1024x257xf32>
    %slice3A_123 = vector.extract_strided_slice %get3A_10 {offsets = [0, 16], sizes = [1024, 1], strides = [1, 1]} : vector<1024x20xi32> to vector<1024x1xi32>
    %eq3A_124 = vector.broadcast %slice3A_123 : vector<1024x1xi32> to vector<1024x257xi32>
    %eq3A_125 = vector.broadcast %iota3A_11 : vector<1x257xi32> to vector<1024x257xi32>
    %eq3A_126 = arith.cmpi eq, %eq3A_124, %eq3A_125 : vector<1024x257xi32>
    %convert_element_type3A_127 = arith.extui %eq3A_126 : vector<1024x257xi1> to vector<1024x257xi32>
    %convert_element_type3A_128 = arith.sitofp %convert_element_type3A_127 : vector<1024x257xi32> to vector<1024x257xf32>
    %add3A_129 = arith.addf %add3A_122, %convert_element_type3A_128 : vector<1024x257xf32>
    %slice3A_130 = vector.extract_strided_slice %get3A_10 {offsets = [0, 17], sizes = [1024, 1], strides = [1, 1]} : vector<1024x20xi32> to vector<1024x1xi32>
    %eq3A_131 = vector.broadcast %slice3A_130 : vector<1024x1xi32> to vector<1024x257xi32>
    %eq3A_132 = vector.broadcast %iota3A_11 : vector<1x257xi32> to vector<1024x257xi32>
    %eq3A_133 = arith.cmpi eq, %eq3A_131, %eq3A_132 : vector<1024x257xi32>
    %convert_element_type3A_134 = arith.extui %eq3A_133 : vector<1024x257xi1> to vector<1024x257xi32>
    %convert_element_type3A_135 = arith.sitofp %convert_element_type3A_134 : vector<1024x257xi32> to vector<1024x257xf32>
    %add3A_136 = arith.addf %add3A_129, %convert_element_type3A_135 : vector<1024x257xf32>
    %slice3A_137 = vector.extract_strided_slice %get3A_10 {offsets = [0, 18], sizes = [1024, 1], strides = [1, 1]} : vector<1024x20xi32> to vector<1024x1xi32>
    %eq3A_138 = vector.broadcast %slice3A_137 : vector<1024x1xi32> to vector<1024x257xi32>
    %eq3A_139 = vector.broadcast %iota3A_11 : vector<1x257xi32> to vector<1024x257xi32>
    %eq3A_140 = arith.cmpi eq, %eq3A_138, %eq3A_139 : vector<1024x257xi32>
    %convert_element_type3A_141 = arith.extui %eq3A_140 : vector<1024x257xi1> to vector<1024x257xi32>
    %convert_element_type3A_142 = arith.sitofp %convert_element_type3A_141 : vector<1024x257xi32> to vector<1024x257xf32>
    %add3A_143 = arith.addf %add3A_136, %convert_element_type3A_142 : vector<1024x257xf32>
    %slice3A_144 = vector.extract_strided_slice %get3A_10 {offsets = [0, 19], sizes = [1024, 1], strides = [1, 1]} : vector<1024x20xi32> to vector<1024x1xi32>
    %eq3A_145 = vector.broadcast %slice3A_144 : vector<1024x1xi32> to vector<1024x257xi32>
    %eq3A_146 = vector.broadcast %iota3A_11 : vector<1x257xi32> to vector<1024x257xi32>
    %eq3A_147 = arith.cmpi eq, %eq3A_145, %eq3A_146 : vector<1024x257xi32>
    %convert_element_type3A_148 = arith.extui %eq3A_147 : vector<1024x257xi1> to vector<1024x257xi32>
    %convert_element_type3A_149 = arith.sitofp %convert_element_type3A_148 : vector<1024x257xi32> to vector<1024x257xf32>
    %add3A_150 = arith.addf %add3A_143, %convert_element_type3A_149 : vector<1024x257xf32>
    %dot_general3A_151 = arith.constant dense<0.000000e+00> : vector<1024x257xf32>
    %dot_general3A_152 = tpu.matmul %add3A_150, %dot_general3A_7, %dot_general3A_151 {dimension_numbers = #tpu.dot_dimension_numbers<[1], [0], [0], [1], [0, 0, 1, 1], [], []>, transpose_lhs_hint = false} : vector<1024x257xf32>, vector<257x257xf32>, vector<1024x257xf32> -> vector<1024x257xf32>
    %mul3A = arith.constant 5.000000e-02 : f32
    %mul3A_153 = vector.broadcast %mul3A : f32 to vector<1024x257xf32>
    %mul3A_154 = arith.mulf %dot_general3A_152, %mul3A_153 : vector<1024x257xf32>
    %get3A_155 = arith.constant 0 : index
    %get3A_156 = arith.constant 0 : index
    %get3A_157 = vector.load %arg4[%get3A_155, %get3A_156] : memref<1x257xf32, #tpu.memory_space<vmem>>, vector<1x257xf32>
    %add3A_158 = vector.broadcast %get3A_157 : vector<1x257xf32> to vector<1024x257xf32>
    %add3A_159 = arith.addf %mul3A_154, %add3A_158 : vector<1024x257xf32>
    %swap3A = arith.constant 0 : index
    %swap3A_160 = arith.constant 0 : index
    %swap3A_161 = vector.load %arg5[%swap3A, %swap3A_160] : memref<1024x257xf32, #tpu.memory_space<vmem>>, vector<1024x257xf32>
    tpu.vector_store %arg5[%swap3A, %swap3A_160], %add3A_159 {strides = array<i32>} : memref<1024x257xf32, #tpu.memory_space<vmem>>, vector<1024x257xf32>,
    return
  }
  func.func @transform_0(%arg0: i32) -> (i32, i32) {
    %c0_i32 = arith.constant 0 : i32
    %c0_i32_0 = arith.constant 0 : i32
    return %arg0, %c0_i32 : i32, i32
  }
  func.func @transform_1(%arg0: i32) -> (i32, i32) {
    %c0_i32 = arith.constant 0 : i32
    %c0_i32_0 = arith.constant 0 : i32
    %c0_i32_1 = arith.constant 0 : i32
    return %c0_i32, %c0_i32_0 : i32, i32
  }
  func.func @transform_2(%arg0: i32) -> (i32, i32) {
    %c0_i32 = arith.constant 0 : i32
    %c0_i32_0 = arith.constant 0 : i32
    %c0_i32_1 = arith.constant 0 : i32
    return %c0_i32, %c0_i32_0 : i32, i32
  }
  func.func @transform_3(%arg0: i32) -> (i32, i32) {
    %c0_i32 = arith.constant 0 : i32
    %c0_i32_0 = arith.constant 0 : i32
    %c0_i32_1 = arith.constant 0 : i32
    return %c0_i32, %c0_i32_0 : i32, i32
  }
  func.func @transform_4(%arg0: i32) -> (i32, i32) {
    %add3A = arith.constant 12 : i32
    %add3A_0 = arith.addi %add3A, %arg0 : i32
    %c0_i32 = arith.constant 0 : i32
    %c0_i32_1 = arith.constant 0 : i32
    return %add3A_0, %c0_i32 : i32, i32
  }
}

module attributes {stable_mosaic.version = 14 : i64} {
  func.func @_tc_proj_kernel(%arg0: i32, %arg1: memref<1024x64xf32, #tpu.memory_space<vmem>>, %arg2: memref<257x64xf32, #tpu.memory_space<vmem>>, %arg3: memref<1x257xf32, #tpu.memory_space<vmem>>, %arg4: memref<8x128xf32, #tpu.memory_space<vmem>>, %arg5: memref<1024x257xf32, #tpu.memory_space<vmem>>) attributes {dimension_semantics = [#tpu.dimension_semantics<arbitrary>], iteration_bounds = array<i64: 12>, scalar_prefetch = 0 : i64, scratch_operands = 0 : i64, tpu.core_type = #tpu.core_type<tc>, window_params = [{transform_indices = @transform_0, window_bounds = array<i64: 1024, 64>}, {pipeline_mode = #tpu.pipeline_mode<synchronous>, transform_indices = @transform_1, window_bounds = array<i64: 257, 64>}, {pipeline_mode = #tpu.pipeline_mode<synchronous>, transform_indices = @transform_2, window_bounds = array<i64: 1, 257>}, {transform_indices = @transform_3, window_bounds = array<i64: 8, 128>}, {transform_indices = @transform_4, window_bounds = array<i64: 1024, 257>}]} {
    %get3A = arith.constant 0 : index
    %get3A_0 = arith.constant 0 : index
    %get3A_1 = vector.load %arg1[%get3A, %get3A_0] : memref<1024x64xf32, #tpu.memory_space<vmem>>, vector<1024x64xf32>
    %get3A_2 = arith.constant 0 : index
    %get3A_3 = arith.constant 0 : index
    %get3A_4 = vector.load %arg2[%get3A_2, %get3A_3] : memref<257x64xf32, #tpu.memory_space<vmem>>, vector<257x64xf32>
    %dot_general3A = arith.constant dense<0.000000e+00> : vector<1024x257xf32>
    %dot_general3A_5 = tpu.matmul %get3A_1, %get3A_4, %dot_general3A {dimension_numbers = #tpu.dot_dimension_numbers<[1], [1], [0], [0], [0, 0, 1, 0], [], []>, transpose_lhs_hint = false} : vector<1024x64xf32>, vector<257x64xf32>, vector<1024x257xf32> -> vector<1024x257xf32>
    %get3A_6 = arith.constant 0 : index
    %get3A_7 = arith.constant 0 : index
    %get3A_8 = vector.load %arg3[%get3A_6, %get3A_7] : memref<1x257xf32, #tpu.memory_space<vmem>>, vector<1x257xf32>
    %add3A = vector.broadcast %get3A_8 : vector<1x257xf32> to vector<1024x257xf32>
    %add3A_9 = arith.addf %dot_general3A_5, %add3A : vector<1024x257xf32>
    %swap3A = arith.constant 0 : index
    %swap3A_10 = arith.constant 0 : index
    %swap3A_11 = vector.load %arg5[%swap3A, %swap3A_10] : memref<1024x257xf32, #tpu.memory_space<vmem>>, vector<1024x257xf32>
    tpu.vector_store %arg5[%swap3A, %swap3A_10], %add3A_9 {strides = array<i32>} : memref<1024x257xf32, #tpu.memory_space<vmem>>, vector<1024x257xf32>,
    return
  }
  func.func @transform_0(%arg0: i32) -> (i32, i32) {
    %c0_i32 = arith.constant 0 : i32
    %c0_i32_0 = arith.constant 0 : i32
    return %arg0, %c0_i32 : i32, i32
  }
  func.func @transform_1(%arg0: i32) -> (i32, i32) {
    %c0_i32 = arith.constant 0 : i32
    %c0_i32_0 = arith.constant 0 : i32
    %c0_i32_1 = arith.constant 0 : i32
    return %c0_i32, %c0_i32_0 : i32, i32
  }
  func.func @transform_2(%arg0: i32) -> (i32, i32) {
    %c0_i32 = arith.constant 0 : i32
    %c0_i32_0 = arith.constant 0 : i32
    %c0_i32_1 = arith.constant 0 : i32
    return %c0_i32, %c0_i32_0 : i32, i32
  }
  func.func @transform_3(%arg0: i32) -> (i32, i32) {
    %c0_i32 = arith.constant 0 : i32
    %c0_i32_0 = arith.constant 0 : i32
    %c0_i32_1 = arith.constant 0 : i32
    return %c0_i32, %c0_i32_0 : i32, i32
  }
  func.func @transform_4(%arg0: i32) -> (i32, i32) {
    %c0_i32 = arith.constant 0 : i32
    %c0_i32_0 = arith.constant 0 : i32
    return %arg0, %c0_i32 : i32, i32
  }
}

</mosaic_0001>

<sc_bundles>
// kernel: kernel.5.cloned.1.call-start
scs
__scs_entry_jumppad:
0x0: {  	(pc) =	sbr.rel $0x88, $3  }
0x1: {  	(tag) =	ssettag $0x0;
	lr =	simm.s32 $0x1  }
0x2: {  	[smem:$0x3F9D] =	sst lr;
	_ =	strace $0xD0000000  }
0x3: {  	_ = 	snop  }
0x4: {  	_ = 	snop  }
0x5: {  	_ = 	snop  }
0x6: {  	_ = 	snop  }
0x7: {  	_ = 	snop  }
__scs_overlays_trampoline_lowered:
0x8: {  	[smem:$0x3FAC] =	sst s0  }
0x9: {  	[smem:$0x3FAD] =	sst s1  }
0xa: {  	[smem:$0x3FAE] =	sst s2  }
0xb: {  	[smem:$0x3FAF] =	sst s3  }
0xc: {  	[smem:$0x3FB0] =	sst s4  }
0xd: {  	[smem:$0x3FB1] =	sst s5  }
0xe: {  	[smem:$0x3FB2] =	sst s6  }
0xf: {  	[smem:$0x3FB3] =	sst s7  }
0x10: {  	[smem:$0x3FB4] =	sst s8  }
0x11: {  	[smem:$0x3FB5] =	sst s9;
	s0 =	simm.s32 @!p0 $0x0  }
0x12: {  	s1 =	sld [smem:$0x3F9B];
	s0 =	simm.s32 @p0 $0x1  }
0x13: {  	[smem:$0x3FB6] =	sst s0;
	s0 =	simm.s32 @!p1 $0x0  }
0x14: {  	s2 =	sld [smem:$0x3F9A];
	s0 =	simm.s32 @p1 $0x1  }
0x15: {  	[smem:$0x3FB7] =	sst s0;
	s0 =	simm.s32 @!p2 $0x0  }
0x16: {  	s3 =	sld [smem:$0x3FDB];
	s0 =	simm.s32 @p2 $0x1  }
0x17: {  	s4 =	simm.s32 $0x1BF5;
	[smem:$0x3FB9] =	sst s0  }
0x18: {  	s0 =	sld [smem:$0x3F9C];
	_ =	swait.ge [sflag:s4], $0x0  }
0x19: {  	s7 =	sld [smem:$0x3F9D]  }
0x1a: {  	s8 =	sadd.s32 $0xFFFFE003, lr  }
0x1b: {  	s9 =	sadd.s32 $0xFFFFFEF7, lr;
	s5 =	simm.s32 $0xFFFFFFFF;
	p2 =	slt.u32 s8, $0xFFFFF086  }
0x1c: {  	p1 =	slt.u32 s9, $0xF7A;
	s5 =	simm.s32 @!p2 $0x0  }
0x1d: {  	s5 =	simm.s32 @p1 $0x1;
	p0 =	seq.s32 s7, s2  }
0x1e: {  	s7 =	smul.u32 @!p0 $0xF7A, s2;
	p2 =	seq.s32 @!p0 s5, $0x0  }
0x1f: {  	s9 =	smul.u32 $0xF7A, s1;
	s8 =	simm.s32 @!p0 $0x1BF5;
	p2 =	por !p2, p0  }
0x20: {  	[sflag:s8] =	ssyncset.s32 @!p0 $0xFFFFF086;
	s6 =	sadd.s32 @!p0 s3, s7;
	s7 =	simm.s32 @!p0 $0x108  }
0x21: {  	s3 =	sadd.s32 s3, s9;
	s6 =	sadd.s32 @!p0 $0x88, s6;
	s7 =	simm.s32 @p2 $0x1082  }
0x22: {  	[simem:s7], [sflag:s8] =	dma.local @!p0 [hbm:s6], $0xF7A  }
0x23: {  	s9 =	sor.u32 $0xD0000000, s2;
	s6 =	simm.s32 $0x108;
	_ =	swait.ge @!p0 [sflag:s8], $0x0  }
0x24: {  	s3 =	sadd.s32 $0x88, s3;
	s6 =	simm.s32 @!p1 $0x1082;
	[sflag:s4] =	ssyncset.s32 $0xFFFFF086  }
0x25: {  	[simem:s6], [sflag:s4] =	dma.local [hbm:s3], $0xF7A  }
0x26: {  	[smem:$0x3F9D] =	sst s1;
	(tag) =	ssettag s2;
	_ =	strace s9  }
0x27: {  	s1 =	sld [smem:$0x3FAD]  }
0x28: {  	s2 =	sld [smem:$0x3FAE]  }
0x29: {  	s4 =	sld [smem:$0x3FB0]  }
0x2a: {  	p0 =	seq.s32 s5, $0x0;
	s5 =	sld [smem:$0x3FB1]  }
0x2b: {  	s6 =	sld [smem:$0x3FB2]  }
0x2c: {  	s7 =	sld [smem:$0x3FB3]  }
0x2d: {  	s3 =	simm.s32 $0x108;
	s8 =	sld [smem:$0x3FB4]  }
0x2e: {  	s3 =	simm.s32 @!p0 $0x1082;
	s9 =	sld [smem:$0x3FB5]  }
0x2f: {  	lr =	sadd.s32 s0, s3;
	s0 =	sld [smem:$0x3FAC]  }
0x30: {  	s3 =	sld [smem:$0x3FAF]  }
0x31: {  	[smem:$0x3FB8] =	sst s10  }
0x32: {  	s10 =	sld [smem:$0x3FB6];
	_ =	sdelay $0x3  }
0x33: {  	p0 =	seq.s32 s10, $0x1;
	s10 =	sld [smem:$0x3FB8];
	_ =	sdelay $0x3  }
0x34: {  	[smem:$0x3FB8] =	sst s10  }
0x35: {  	s10 =	sld [smem:$0x3FB7];
	_ =	sdelay $0x3  }
0x36: {  	p1 =	seq.s32 s10, $0x1;
	s10 =	sld [smem:$0x3FB8];
	_ =	sdelay $0x3  }
0x37: {  	[smem:$0x3FB8] =	sst s10  }
0x38: {  	s10 =	sld [smem:$0x3FB9]  }
0x39: {  	_ = 	snop;
	(pc) =	sbr.ind lr, $3  }
0x3a: {  	_ = 	snop  }
0x3b: {  	_ = 	snop  }
0x3c: {  	p2 =	seq.s32 s10, $0x1;
	s10 =	sld [smem:$0x3FB8]  }
0x3d: {  	_ =	shalt  }
0x3e: {  	_ =	shalt  }
0x3f: {  	_ =	shalt  }
0x40: {  	_ =	shalt  }
0x41: {  	_ =	shalt  }
0x42: {  	_ =	shalt  }
0x43: {  	_ =	shalt  }
0x44: {  	_ =	shalt  }
0x45: {  	_ =	shalt  }
0x46: {  	_ =	shalt  }
0x47: {  	_ =	shalt  }
0x48: {  	_ =	shalt  }
0x49: {  	_ =	shalt  }
0x4a: {  	_ =	shalt  }
0x4b: {  	_ =	shalt  }
0x4c: {  	_ =	shalt  }
0x4d: {  	_ =	shalt  }
0x4e: {  	_ =	shalt  }
0x4f: {  	_ =	shalt  }
0x50: {  	_ =	shalt  }
0x51: {  	_ =	shalt  }
0x52: {  	_ =	shalt  }
0x53: {  	_ =	shalt  }
0x54: {  	_ =	shalt  }
0x55: {  	_ =	shalt  }
0x56: {  	_ =	shalt  }
0x57: {  	_ =	shalt  }
0x58: {  	_ =	shalt  }
0x59: {  	_ =	shalt  }
0x5a: {  	_ =	shalt  }
0x5b: {  	_ =	shalt  }
0x5c: {  	_ =	shalt  }
0x5d: {  	_ =	shalt  }
0x5e: {  	_ =	shalt  }
0x5f: {  	_ =	shalt  }
0x60: {  	_ =	shalt  }
0x61: {  	_ =	shalt  }
0x62: {  	_ =	shalt  }
0x63: {  	_ =	shalt  }
0x64: {  	_ =	shalt  }
0x65: {  	_ =	shalt  }
0x66: {  	_ =	shalt  }
0x67: {  	_ =	shalt  }
0x68: {  	_ =	shalt  }
0x69: {  	_ =	shalt  }
0x6a: {  	_ =	shalt  }
0x6b: {  	_ =	shalt  }
0x6c: {  	_ =	shalt  }
0x6d: {  	_ =	shalt  }
0x6e: {  	_ =	shalt  }
0x6f: {  	_ =	shalt  }
0x70: {  	_ =	shalt  }
0x71: {  	_ =	shalt  }
0x72: {  	_ =	shalt  }
0x73: {  	_ =	shalt  }
0x74: {  	_ =	shalt  }
0x75: {  	_ =	shalt  }
0x76: {  	_ =	shalt  }
0x77: {  	_ =	shalt  }
0x78: {  	_ =	shalt  }
0x79: {  	_ =	shalt  }
0x7a: {  	_ =	shalt  }
0x7b: {  	_ =	shalt  }
0x7c: {  	_ =	shalt  }
0x7d: {  	_ =	shalt  }
0x7e: {  	_ =	shalt  }
0x7f: {  	_ =	shalt  }
0x80: {  	_ =	shalt  }
0x81: {  	_ =	shalt  }
0x82: {  	_ =	shalt  }
0x83: {  	_ =	shalt  }
0x84: {  	_ =	shalt  }
0x85: {  	_ =	shalt  }
0x86: {  	_ =	shalt  }
0x87: {  	_ =	shalt  }
.Lfunc_end0:
.L_simem_size_0:
called_computation_lowered:
.L_overlay_start_0:
0x88: {  	s2 =	sld [smem:$0x3FD9]  }
0x89: {  	s3 =	sld [smem:$0x3FFE];
	_ =	sdelay $0x1  }
0x8a: {  	s1 =	srdreg.scid  }
0x8b: {  	s0 =	sand.u32 $0x1, s1  }
0x8c: {  	s17 =	sshll.u32 s0, $0xA;
	s2 =	sadd.s32 s3, s2  }
0x8d: {  	s2 =	sadd.s32 s2, s17  }
0x8e: {  	[smem:$0x3FC4] =	sst s2  }
0x8f: {  	_ = 	snop  }
0x90: {  	s2 =	sld [smem:$0x3FD0];
	(tm) =	ssettm $0x1  }
0x91: {  	s18 =	sld [smem:$0x3FFB];
	_ =	sdelay $0x3  }
0x92: {  	_ =	strace s18  }
0x93: {  	s3 =	sld [smem:$0x3FFC];
	_ =	sdelay $0x3  }
0x94: {  	_ =	strace s3  }
0x95: {  	s3 =	sld [smem:$0x3FFD];
	_ =	sdelay $0x3  }
0x96: {  	_ =	strace s3  }
0x97: {  	_ =	strace $0x8FFFFFFF  }
0x98: {  	s19 =	sld [smem:$0x3FDB];
	_ =	sdelay $0x1  }
0x99: {  	s4 =	simm.s32 $_scs_section_size  }
0x9a: {  	s5 =	simm.s32 $_size__tile_overlayer_lowered;
	s6 =	simm.s32 $_tile_overlayer_lowered  }
0x9b: {  	s22 =	simm.s32 $0x1BFF;
	s21 =	sshll.u32 s6, $0x1;
	s3 =	sadd.s32 s4, s19  }
0x9c: {  	s7 =	simm.s32 $0x0;
	s20 =	sshll.u32 s5, $0x1;
	s5 =	sadd.s32 s21, s3  }
0x9d: {  	[timem:s7], [sflag:s22] =	dma.local [hbm:s5], s20  }
0x9e: {  	_ =	swait.ge [sflag:s22], s20  }
0x9f: {  	s4 =	ssub.s32 $0x0, s20;
	[sflag:s22] =	ssyncset.done $0x0  }
0xa0: {  	[sflag:s22] =	ssyncadd.s32 s4;
	_ =	sdelay $0x1  }
0xa1: {  	s23 =	simm.s32 $0x1B8B  }
0xa2: {  	_ =	swait.ge [sflag:s23], $0x1  }
0xa3: {  	[sflag:s23] =	ssyncset.done $0x0  }
0xa4: {  	s25 =	simm.s32 $0x1B8E;
	s24 =	sld [smem:$0x3FFE];
	[sflag:s23] =	ssyncadd.s32 $0xFFFFFFFF  }
0xa5: {  	s26 =	simm.s32 $execute0_lowered;
	[smem:$0x3FD2] =	sst s25  }
0xa6: {  	s5 =	sshll.u32 s26, $0x1;
	_ =	strace $0x80000046;
	[dreg:$0x1] =	wrdreg $0xFFFFFFFF  }
0xa7: {  	s28 =	simm.s32 $_size_execute0_lowered;
	s3 =	sadd.s32 s3, s5;
	[dreg:$0x0] =	wrdreg $0x0  }
0xa8: {  	s5 =	sshll.u32 s28, $0x1;
	[dreg:$0x2] =	wrdreg s3  }
0xa9: {  	[dreg:$0x3] =	wrdreg s5  }
0xaa: {  	[dreg:$0x4] =	wrdreg $0xC0  }
0xab: {  	_ =	task [dreg:s7], $0x5FFFF  }
0xac: {  	[dreg:$0x1] =	wrdreg $0xFFFFFFFF  }
0xad: {  	[dreg:$0x0] =	wrdreg $0x60  }
0xae: {  	[dreg:$0x2] =	wrdreg s24  }
0xaf: {  	[dreg:$0x3] =	wrdreg s2  }
0xb0: {  	[dreg:$0x4] =	wrdreg $0x9  }
0xb1: {  	_ =	task.clear_ibuf [dreg:s7], $0x5FFFF;
	_ =	strace $0x90000046  }
0xb2: {  	s29 =	simm.s32 $0x9;
	_ =	strace $0x80000048  }
0xb3: {  	_ =	swait.ge [sflag:s29], $0x1  }
0xb4: {  	[sflag:s29] =	ssyncadd.s32 $0xFFFFFFFF  }
0xb5: {  	_ =	strace $0x90000048  }
0xb6: {  	_ =	sfence  }
0xb7: {  	s30 =	sld [smem:$0x0];
	_ =	sdelay $0x2  }
0xb8: {  	s31 =	sshll.u32 s1, $0xD;
	s1 =	sshrl.u32 s1, $0x2  }
0xb9: {  	s3 =	sand.u32 $0x4000, s31;
	s1 =	sadd.s32 s1, s30  }
0xba: {  	s0 =	sor.u32 s3, s0;
	s1 =	sshll.u32 s1, $0x11  }
0xbb: {  	s0 =	sor.u32 s1, s0  }
0xbc: {  	s0 =	sadd.s32 $0x8F2B, s0  }
0xbd: {  	[sflag:s0] =	ssyncadd.remote.s32 $0x1  }
0xbe: {  	_ =	sfence.sel $0xFFFF  }
0xbf: {  	[dreg:$0x0] =	wrdreg $0xFFFFFFFF;
	(pc) =	sbr.abs _section_cstart, $3  }
0xc0: {  	[dreg:$0x1] =	wrdreg $0xFFFFFFFF  }
0xc1: {  	_ =	task.clear_ibuf [dreg:s7], $0x2FFFF;
	_ =	strace $0x9FFFFFFF  }
0xc2: {  	(tm) =	ssettm $0x7FFFFFFF  }
0xc3: {  	_ =	shalt  }
tec
execute0_lowered:
.L_overlay_start_1:
0x0: {  	(tag) =	ssettag $0x1  }
0x1: {  	s3 =	rddreg [dreg:$0x0];
	s1 =	srdreg.scid  }
0x2: {  	s0 =	stileid.u32;
	s5 =	rddreg [dreg:$0x1]  }
0x3: {  	s2 =	simm.s32 $0x0;
	s4 =	sand.u32 $0x1, s1;
	s6 =	sshll.u32 s0, $0x1  }
0x4: {  	s9 =	simm.s32 $0x5E80;
	s10 =	simm.s32 $0x0;
	s6 =	sor.u32 s4, s6  }
0x5: {  	s1 =	rddreg [dreg:$0x2];
	s4 =	ssub.s32 $0x2, s4;
	s7 =	smul.u32 $0x3C0, s6  }
0x6: {  	[smem:$0x7FF] =	sst s2;
	s8 =	sshrl.u32 s4, $0x1;
	s6 =	smul.u32 $0xC00, s6  }
0x7: {  	_ =	strace $0x80000047;
	s8 =	ssub.s32 s4, s8;
	s7 =	sadd.s32 s7, s3  }
0x8: {  	s3 =	sadd.s32 $0xC00, s3;
	s5 =	sadd.s32 s5, s6;
	s6 =	smax.u32 s8, $0x1  }
0x9: {  	v0 =	vimm.f32 $0.0e+00;
	s8 =	simm.s32 $0x1E00;
	s4 =	sadd.s32 $0x1600, s7;
	s7 =	simm.s32 $0x1  }
.LBB2_1:
0xa: {  	[tilespmem:s2], [sflag:$0x1] =	stream.linear.gather [hbm4b:s4+s2], $0x1E00, $0x38;
	[tilespmem:$0xBE80] =	vst v63  }
0xb: {  	_ =	swait.ge [sflag:s7], $0x1E00  }
0xc: {  	[sflag:s7] =	ssyncset.done $0x0  }
0xd: {  	[sflag:s7] =	ssyncadd.s32 $0xFFFFE200  }
0xe: {  	[tilespmem:s8], [sflag:$0x1] =	stream.linear.gather [hbm4b:s3+s2], $0x4080, $0x38;
	[tilespmem:$0xBE80] =	vst v63  }
0xf: {  	_ =	swait.ge [sflag:s7], $0x4080  }
0x10: {  	[sflag:s7] =	ssyncset.done $0x0  }
0x11: {  	[sflag:s7] =	ssyncadd.s32 $0xFFFFBF80  }
0x12: {  	[tilespmem:$0x1E00] =	vst v0  }
0x13: {  	[tilespmem:$0x1E10] =	vst v0  }
0x14: {  	[tilespmem:$0x1E20] =	vst v0  }
0x15: {  	s11 =	simm.s32 $0x5F00;
	s12 =	simm.s32 $0x0;
	[tilespmem:$0x1E30] =	vst v0  }
.LBB2_2:
0x16: {  	s13 =	sshra.s32 s12, $0x2  }
0x17: {  	v1 =	vld [tilespmem:s13+$0x0];
	_ =	sdelay $0x4  }
0x18: {  	v1 =	vshll.u32 v1, $0x8  }
0x19: {  	v1 =	vshra.s32 v1, $0x2  }
0x1a: {  	v2 =	vld [tilespmem:s13+$0x10];
	(v2sf) =	vpush v1, $0x0;
	_ =	sdelay $0x3  }
0x1b: {  	(v2sf) =	vpush v1, $0x1;
	_ =	sdelay $0x3  }
0x1c: {  	(v2sf) =	vpush v1, $0x2;
	_ =	sdelay $0x3  }
0x1d: {  	(v2sf) =	vpush v1, $0x3;
	_ =	sdelay $0x2  }
0x1e: {  	s14 =	spop (v2sf)  }
0x1f: {  	(v2sf) =	vpush v1, $0x4;
	v3 =	vld [tilespmem:s14+$0x1E00]  }
0x20: {  	v4 =	vld [tilespmem:s14+$0x1E10]  }
0x21: {  	v5 =	vld [tilespmem:s14+$0x1E20]  }
0x22: {  	v6 =	vld [tilespmem:s14+$0x1E30];
	s19 =	spop (v2sf)  }
0x23: {  	(v2sf) =	vpush v1, $0x5;
	v7 =	vld [tilespmem:s19+$0x1E00]  }
0x24: {  	v8 =	vld [tilespmem:s19+$0x1E10]  }
0x25: {  	v9 =	vld [tilespmem:s19+$0x1E20]  }
0x26: {  	v10 =	vld [tilespmem:s19+$0x1E30];
	s20 =	spop (v2sf)  }
0x27: {  	(v2sf) =	vpush v1, $0x6;
	v11 =	vld [tilespmem:s20+$0x1E00]  }
0x28: {  	v12 =	vld [tilespmem:s20+$0x1E10]  }
0x29: {  	v13 =	vld [tilespmem:s20+$0x1E20]  }
0x2a: {  	v14 =	vld [tilespmem:s20+$0x1E30];
	s21 =	spop (v2sf)  }
0x2b: {  	(v2sf) =	vpush v1, $0x7;
	v15 =	vld [tilespmem:s21+$0x1E00]  }
0x2c: {  	v16 =	vld [tilespmem:s21+$0x1E10]  }
0x2d: {  	v17 =	vld [tilespmem:s21+$0x1E20]  }
0x2e: {  	v18 =	vld [tilespmem:s21+$0x1E30];
	s22 =	spop (v2sf)  }
0x2f: {  	(v2sf) =	vpush v1, $0x8;
	v19 =	vld [tilespmem:s22+$0x1E00]  }
0x30: {  	v20 =	vld [tilespmem:s22+$0x1E10]  }
0x31: {  	v21 =	vld [tilespmem:s22+$0x1E20]  }
0x32: {  	v22 =	vld [tilespmem:s22+$0x1E30];
	s23 =	spop (v2sf)  }
0x33: {  	(v2sf) =	vpush v1, $0x9;
	v23 =	vld [tilespmem:s23+$0x1E00]  }
0x34: {  	v24 =	vld [tilespmem:s23+$0x1E10]  }
0x35: {  	v25 =	vld [tilespmem:s23+$0x1E20]  }
0x36: {  	v26 =	vld [tilespmem:s23+$0x1E30];
	s24 =	spop (v2sf)  }
0x37: {  	(v2sf) =	vpush v1, $0xA;
	v27 =	vld [tilespmem:s24+$0x1E00]  }
0x38: {  	v28 =	vld [tilespmem:s24+$0x1E10]  }
0x39: {  	v29 =	vld [tilespmem:s24+$0x1E20]  }
0x3a: {  	v30 =	vld [tilespmem:s24+$0x1E30];
	s25 =	spop (v2sf)  }
0x3b: {  	(v2sf) =	vpush v1, $0xB;
	v31 =	vld [tilespmem:s25+$0x1E00]  }
0x3c: {  	v32 =	vld [tilespmem:s25+$0x1E10]  }
0x3d: {  	v33 =	vld [tilespmem:s25+$0x1E20]  }
0x3e: {  	v34 =	vld [tilespmem:s25+$0x1E30];
	s26 =	spop (v2sf)  }
0x3f: {  	(v2sf) =	vpush v1, $0xC;
	v35 =	vld [tilespmem:s26+$0x1E00]  }
0x40: {  	v36 =	vld [tilespmem:s26+$0x1E10]  }
0x41: {  	v37 =	vld [tilespmem:s26+$0x1E20]  }
0x42: {  	v38 =	vld [tilespmem:s26+$0x1E30];
	s28 =	spop (v2sf)  }
0x43: {  	(v2sf) =	vpush v1, $0xD;
	v39 =	vld [tilespmem:s28+$0x1E00]  }
0x44: {  	v40 =	vld [tilespmem:s28+$0x1E10]  }
0x45: {  	v41 =	vld [tilespmem:s28+$0x1E20]  }
0x46: {  	v3 =	vadd.f32 $0.0e+00, v3;
	v4 =	vadd.f32 $0.0e+00, v4;
	v42 =	vld [tilespmem:s28+$0x1E30];
	s29 =	spop (v2sf)  }
0x47: {  	v6 =	vadd.f32 $0.0e+00, v6;
	(v2sf) =	vpush v1, $0xE;
	v43 =	vld [tilespmem:s29+$0x1E00]  }
0x48: {  	v5 =	vadd.f32 $0.0e+00, v5;
	v3 =	vadd.f32 v7, v3;
	v44 =	vld [tilespmem:s29+$0x1E10]  }
0x49: {  	v4 =	vadd.f32 v8, v4;
	v6 =	vadd.f32 v10, v6;
	v50 =	vld [tilespmem:s29+$0x1E20]  }
0x4a: {  	v5 =	vadd.f32 v9, v5;
	v3 =	vadd.f32 v11, v3;
	v51 =	vld [tilespmem:s29+$0x1E30];
	s30 =	spop (v2sf)  }
0x4b: {  	v6 =	vadd.f32 v14, v6;
	(v2sf) =	vpush v1, $0xF;
	v52 =	vld [tilespmem:s30+$0x1E00]  }
0x4c: {  	v2 =	vshll.u32 v2, $0x8;
	v53 =	vadd.f32 v13, v5;
	v55 =	vadd.f32 v15, v3;
	v54 =	vld [tilespmem:s30+$0x1E10]  }
0x4d: {  	v3 =	vshra.s32 v2, $0x2;
	v2 =	vadd.f32 v18, v6;
	v1 =	vadd.f32 v12, v4;
	v56 =	vld [tilespmem:s30+$0x1E20]  }
0x4e: {  	v10 =	vadd.f32 v19, v55;
	v4 =	vadd.f32 v17, v53;
	v57 =	vld [tilespmem:s30+$0x1E30];
	s31 =	spop (v2sf)  }
0x4f: {  	v1 =	vadd.f32 v16, v1;
	(v2sf) =	vpush v3, $0x0;
	v58 =	vld [tilespmem:s31+$0x1E00]  }
0x50: {  	v2 =	vadd.f32 v22, v2;
	v4 =	vadd.f32 v21, v4;
	v59 =	vld [tilespmem:s31+$0x1E10]  }
0x51: {  	v10 =	vadd.f32 v23, v10;
	v1 =	vadd.f32 v20, v1;
	v60 =	vld [tilespmem:s31+$0x1E20]  }
0x52: {  	v2 =	vadd.f32 v26, v2;
	v4 =	vadd.f32 v25, v4;
	v61 =	vld [tilespmem:s31+$0x1E30];
	s15 =	spop (v2sf)  }
0x53: {  	v1 =	vadd.f32 v24, v1;
	(v2sf) =	vpush v3, $0x1;
	v62 =	vld [tilespmem:s15+$0x1E00]  }
0x54: {  	v10 =	vadd.f32 v27, v10;
	v2 =	vadd.f32 v30, v2;
	v63 =	vld [tilespmem:s15+$0x1E10]  }
0x55: {  	v4 =	vadd.f32 v29, v4;
	v1 =	vadd.f32 v28, v1;
	v29 =	vld [tilespmem:s15+$0x1E20]  }
0x56: {  	v10 =	vadd.f32 v31, v10;
	v2 =	vadd.f32 v34, v2;
	v31 =	vld [tilespmem:s15+$0x1E30];
	s16 =	spop (v2sf)  }
0x57: {  	v1 =	vadd.f32 v32, v1;
	(v2sf) =	vpush v3, $0x2;
	v32 =	vld [tilespmem:s16+$0x1E00]  }
0x58: {  	v10 =	vadd.f32 v35, v10;
	v4 =	vadd.f32 v33, v4;
	v34 =	vld [tilespmem:s16+$0x1E10]  }
0x59: {  	v2 =	vadd.f32 v38, v2;
	v1 =	vadd.f32 v36, v1;
	v36 =	vld [tilespmem:s16+$0x1E20]  }
0x5a: {  	v10 =	vadd.f32 v39, v10;
	v4 =	vadd.f32 v37, v4;
	v38 =	vld [tilespmem:s16+$0x1E30];
	s17 =	spop (v2sf)  }
0x5b: {  	v2 =	vadd.f32 v42, v2;
	(v2sf) =	vpush v3, $0x3;
	v39 =	vld [tilespmem:s17+$0x1E00]  }
0x5c: {  	v4 =	vadd.f32 v41, v4;
	v1 =	vadd.f32 v40, v1;
	v40 =	vld [tilespmem:s17+$0x1E10]  }
0x5d: {  	v10 =	vadd.f32 v43, v10;
	v41 =	vld [tilespmem:s17+$0x1E20]  }
0x5e: {  	v2 =	vadd.f32 v51, v2;
	v4 =	vadd.f32 v50, v4;
	v42 =	vld [tilespmem:s17+$0x1E30];
	s18 =	spop (v2sf)  }
0x5f: {  	v43 =	vadd.f32 v52, v10;
	v1 =	vadd.f32 v44, v1;
	v44 =	vld [tilespmem:s18+$0x1E00]  }
0x60: {  	v2 =	vadd.f32 v57, v2;
	v4 =	vadd.f32 v56, v4;
	v45 =	vld [tilespmem:s18+$0x1E10]  }
0x61: {  	v1 =	vadd.f32 v54, v1;
	v6 =	vadd.f32 v58, v43;
	v46 =	vld [tilespmem:s18+$0x1E20]  }
0x62: {  	v4 =	vadd.f32 v60, v4;
	v2 =	vadd.f32 v61, v2;
	v47 =	vld [tilespmem:s18+$0x1E30];
	s19 =	spop (v2sf)  }
0x63: {  	v1 =	vadd.f32 v59, v1;
	v6 =	vadd.f32 v62, v6;
	v48 =	vld [tilespmem:s19+$0x1E00]  }
0x64: {  	v4 =	vadd.f32 v29, v4;
	v2 =	vadd.f32 v31, v2;
	v49 =	vld [tilespmem:s19+$0x1E10]  }
0x65: {  	v1 =	vadd.f32 v63, v1;
	v6 =	vadd.f32 v32, v6;
	v50 =	vld [tilespmem:s19+$0x1E20]  }
0x66: {  	v4 =	vadd.f32 v36, v4;
	v2 =	vadd.f32 v38, v2;
	v51 =	vld [tilespmem:s19+$0x1E30];
	s20 =	spop (v2sf)  }
0x67: {  	v1 =	vadd.f32 v34, v1;
	v6 =	vadd.f32 v39, v6;
	v52 =	vld [tilespmem:s20+$0x1E00]  }
0x68: {  	v4 =	vadd.f32 v41, v4;
	(v2sf) =	vpush v3, $0x4;
	v53 =	vld [tilespmem:s20+$0x1E10]  }
0x69: {  	v2 =	vadd.f32 v42, v2;
	v1 =	vadd.f32 v40, v1;
	v54 =	vld [tilespmem:s20+$0x1E20]  }
0x6a: {  	(v2sf) =	vpush v3, $0x5;
	v55 =	vld [tilespmem:s20+$0x1E30];
	s21 =	spop (v2sf);
	v6 =	vadd.f32 v44, v6  }
0x6b: {  	(v2sf) =	vpush v3, $0x6;
	v56 =	vld [tilespmem:s21+$0x1E00];
	v1 =	vadd.f32 v45, v1  }
0x6c: {  	v57 =	vld [tilespmem:s21+$0x1E10];
	v4 =	vadd.f32 v46, v4;
	v6 =	vadd.f32 v48, v6  }
0x6d: {  	v58 =	vld [tilespmem:s21+$0x1E20];
	v2 =	vadd.f32 v47, v2;
	v1 =	vadd.f32 v49, v1  }
0x6e: {  	v59 =	vld [tilespmem:s21+$0x1E30];
	v4 =	vadd.f32 v50, v4;
	v6 =	vadd.f32 v52, v6  }
0x6f: {  	v2 =	vadd.f32 v51, v2;
	v1 =	vadd.f32 v53, v1  }
0x70: {  	v4 =	vadd.f32 v54, v4;
	v6 =	vadd.f32 v56, v6  }
0x71: {  	v5 =	vadd.f32 v55, v2;
	v61 =	vadd.f32 v57, v1  }
0x72: {  	v60 =	vld [tilespmem:s13+$0x20];
	v4 =	vadd.f32 v58, v4;
	v6 =	vmul.f32 $5.000000070e-02, v6  }
0x73: {  	v2 =	vld [tilespmem:s13+$0x30];
	v5 =	vadd.f32 v59, v5;
	v8 =	vmul.f32 $5.000000070e-02, v61  }
0x74: {  	(v2sf) =	vpush v3, $0x7;
	v1 =	vld [tilespmem:s13+$0x40];
	v4 =	vmul.f32 $5.000000070e-02, v4;
	[tilespmem:s11+$0xFFFFFF80] =	vst v6  }
0x75: {  	v5 =	vmul.f32 $5.000000070e-02, v5;
	[tilespmem:s11+$0xFFFFFF90] =	vst v8  }
0x76: {  	[tilespmem:s11+$0xFFFFFFA0] =	vst v4  }
0x77: {  	s22 =	spop (v2sf);
	[tilespmem:s11+$0xFFFFFFB0] =	vst v5  }
0x78: {  	(v2sf) =	vpush v3, $0x8;
	v4 =	vld [tilespmem:s22+$0x1E00]  }
0x79: {  	v5 =	vld [tilespmem:s22+$0x1E10]  }
0x7a: {  	v6 =	vld [tilespmem:s22+$0x1E20]  }
0x7b: {  	s23 =	spop (v2sf);
	v8 =	vld [tilespmem:s22+$0x1E30]  }
0x7c: {  	(v2sf) =	vpush v3, $0x9;
	v9 =	vld [tilespmem:s23+$0x1E00]  }
0x7d: {  	v62 =	vld [tilespmem:s23+$0x1E10]  }
0x7e: {  	v11 =	vld [tilespmem:s23+$0x1E20]  }
0x7f: {  	v12 =	vld [tilespmem:s23+$0x1E30];
	s24 =	spop (v2sf)  }
0x80: {  	(v2sf) =	vpush v3, $0xA;
	v63 =	vld [tilespmem:s24+$0x1E00]  }
0x81: {  	v14 =	vld [tilespmem:s24+$0x1E10]  }
0x82: {  	v15 =	vld [tilespmem:s24+$0x1E20]  }
0x83: {  	v16 =	vld [tilespmem:s24+$0x1E30];
	s25 =	spop (v2sf)  }
0x84: {  	(v2sf) =	vpush v3, $0xB;
	v17 =	vld [tilespmem:s25+$0x1E00]  }
0x85: {  	v18 =	vld [tilespmem:s25+$0x1E10]  }
0x86: {  	v19 =	vld [tilespmem:s25+$0x1E20]  }
0x87: {  	v20 =	vld [tilespmem:s25+$0x1E30];
	s26 =	spop (v2sf)  }
0x88: {  	(v2sf) =	vpush v3, $0xC;
	v21 =	vld [tilespmem:s26+$0x1E00]  }
0x89: {  	v48 =	vld [tilespmem:s26+$0x1E10]  }
0x8a: {  	v23 =	vld [tilespmem:s26+$0x1E20]  }
0x8b: {  	v49 =	vld [tilespmem:s26+$0x1E30];
	s28 =	spop (v2sf)  }
0x8c: {  	(v2sf) =	vpush v3, $0xD;
	v25 =	vld [tilespmem:s28+$0x1E00]  }
0x8d: {  	v50 =	vld [tilespmem:s28+$0x1E10]  }
0x8e: {  	v51 =	vld [tilespmem:s28+$0x1E20]  }
0x8f: {  	v28 =	vld [tilespmem:s28+$0x1E30];
	s29 =	spop (v2sf)  }
0x90: {  	(v2sf) =	vpush v3, $0xE;
	v52 =	vld [tilespmem:s29+$0x1E00]  }
0x91: {  	v30 =	vld [tilespmem:s29+$0x1E10]  }
0x92: {  	v53 =	vld [tilespmem:s29+$0x1E20]  }
0x93: {  	v32 =	vld [tilespmem:s29+$0x1E30];
	s30 =	spop (v2sf)  }
0x94: {  	(v2sf) =	vpush v3, $0xF;
	v54 =	vld [tilespmem:s30+$0x1E00]  }
0x95: {  	v55 =	vld [tilespmem:s30+$0x1E10]  }
0x96: {  	v3 =	vshll.u32 v60, $0x8;
	v35 =	vld [tilespmem:s30+$0x1E20]  }
0x97: {  	v56 =	vld [tilespmem:s30+$0x1E30];
	v3 =	vshra.s32 v3, $0x2;
	s31 =	spop (v2sf)  }
0x98: {  	(v2sf) =	vpush v3, $0x0;
	v36 =	vld [tilespmem:s31+$0x1E00]  }
0x99: {  	v57 =	vld [tilespmem:s31+$0x1E10]  }
0x9a: {  	v38 =	vld [tilespmem:s31+$0x1E20]  }
0x9b: {  	v58 =	vld [tilespmem:s31+$0x1E30];
	s14 =	spop (v2sf)  }
0x9c: {  	(v2sf) =	vpush v3, $0x1;
	v59 =	vld [tilespmem:s14+$0x1E00]  }
0x9d: {  	v41 =	vld [tilespmem:s14+$0x1E10]  }
0x9e: {  	v60 =	vld [tilespmem:s14+$0x1E20]  }
0x9f: {  	v4 =	vadd.f32 $0.0e+00, v4;
	v43 =	vld [tilespmem:s14+$0x1E30];
	s15 =	spop (v2sf)  }
0xa0: {  	v5 =	vadd.f32 $0.0e+00, v5;
	(v2sf) =	vpush v3, $0x2;
	v61 =	vld [tilespmem:s15+$0x1E00]  }
0xa1: {  	v6 =	vadd.f32 $0.0e+00, v6;
	v8 =	vadd.f32 $0.0e+00, v8;
	v45 =	vld [tilespmem:s15+$0x1E10]  }
0xa2: {  	v4 =	vadd.f32 v9, v4;
	v5 =	vadd.f32 v62, v5;
	v62 =	vld [tilespmem:s15+$0x1E20]  }
0xa3: {  	v6 =	vadd.f32 v11, v6;
	v8 =	vadd.f32 v12, v8;
	v10 =	vld [tilespmem:s15+$0x1E30];
	s16 =	spop (v2sf)  }
0xa4: {  	v4 =	vadd.f32 v63, v4;
	(v2sf) =	vpush v3, $0x3;
	v63 =	vld [tilespmem:s16+$0x1E00]  }
0xa5: {  	v5 =	vadd.f32 v14, v5;
	v6 =	vadd.f32 v15, v6;
	v12 =	vld [tilespmem:s16+$0x1E10]  }
0xa6: {  	v8 =	vadd.f32 v16, v8;
	v4 =	vadd.f32 v17, v4;
	v13 =	vld [tilespmem:s16+$0x1E20]  }
0xa7: {  	v5 =	vadd.f32 v18, v5;
	v6 =	vadd.f32 v19, v6;
	v46 =	vld [tilespmem:s16+$0x1E30];
	s17 =	spop (v2sf)  }
0xa8: {  	v8 =	vadd.f32 v20, v8;
	(v2sf) =	vpush v3, $0x4;
	v47 =	vld [tilespmem:s17+$0x1E00]  }
0xa9: {  	v4 =	vadd.f32 v21, v4;
	v5 =	vadd.f32 v48, v5;
	v48 =	vld [tilespmem:s17+$0x1E10]  }
0xaa: {  	v6 =	vadd.f32 v23, v6;
	v8 =	vadd.f32 v49, v8;
	v49 =	vld [tilespmem:s17+$0x1E20]  }
0xab: {  	v4 =	vadd.f32 v25, v4;
	v5 =	vadd.f32 v50, v5;
	v50 =	vld [tilespmem:s17+$0x1E30];
	s18 =	spop (v2sf)  }
0xac: {  	v6 =	vadd.f32 v51, v6;
	(v2sf) =	vpush v3, $0x5;
	v51 =	vld [tilespmem:s18+$0x1E00]  }
0xad: {  	v8 =	vadd.f32 v28, v8;
	v4 =	vadd.f32 v52, v4;
	v52 =	vld [tilespmem:s18+$0x1E10]  }
0xae: {  	v5 =	vadd.f32 v30, v5;
	v6 =	vadd.f32 v53, v6;
	v53 =	vld [tilespmem:s18+$0x1E20]  }
0xaf: {  	v8 =	vadd.f32 v32, v8;
	v4 =	vadd.f32 v54, v4;
	v54 =	vld [tilespmem:s18+$0x1E30];
	s19 =	spop (v2sf)  }
0xb0: {  	v5 =	vadd.f32 v55, v5;
	(v2sf) =	vpush v3, $0x6;
	v55 =	vld [tilespmem:s19+$0x1E00]  }
0xb1: {  	v6 =	vadd.f32 v35, v6;
	v7 =	vadd.f32 v56, v8;
	v56 =	vld [tilespmem:s19+$0x1E10]  }
0xb2: {  	v4 =	vadd.f32 v36, v4;
	v5 =	vadd.f32 v57, v5;
	v57 =	vld [tilespmem:s19+$0x1E20]  }
0xb3: {  	v6 =	vadd.f32 v38, v6;
	v7 =	vadd.f32 v58, v7;
	v58 =	vld [tilespmem:s19+$0x1E30];
	s20 =	spop (v2sf)  }
0xb4: {  	v4 =	vadd.f32 v59, v4;
	(v2sf) =	vpush v3, $0x7;
	v59 =	vld [tilespmem:s20+$0x1E00]  }
0xb5: {  	v5 =	vadd.f32 v41, v5;
	v6 =	vadd.f32 v60, v6;
	v60 =	vld [tilespmem:s20+$0x1E10]  }
0xb6: {  	v7 =	vadd.f32 v43, v7;
	v4 =	vadd.f32 v61, v4;
	v61 =	vld [tilespmem:s20+$0x1E20]  }
0xb7: {  	v5 =	vadd.f32 v45, v5;
	v6 =	vadd.f32 v62, v6;
	v62 =	vld [tilespmem:s20+$0x1E30];
	s21 =	spop (v2sf)  }
0xb8: {  	v7 =	vadd.f32 v10, v7;
	v4 =	vadd.f32 v63, v4;
	v63 =	vld [tilespmem:s21+$0x1E00]  }
0xb9: {  	v5 =	vadd.f32 v12, v5;
	v6 =	vadd.f32 v13, v6;
	v29 =	vld [tilespmem:s21+$0x1E10]  }
0xba: {  	v7 =	vadd.f32 v46, v7;
	v4 =	vadd.f32 v47, v4;
	v30 =	vld [tilespmem:s21+$0x1E20]  }
0xbb: {  	v5 =	vadd.f32 v48, v5;
	v6 =	vadd.f32 v49, v6;
	v31 =	vld [tilespmem:s21+$0x1E30];
	s22 =	spop (v2sf)  }
0xbc: {  	v7 =	vadd.f32 v50, v7;
	v4 =	vadd.f32 v51, v4;
	v32 =	vld [tilespmem:s22+$0x1E00]  }
0xbd: {  	v5 =	vadd.f32 v52, v5;
	v6 =	vadd.f32 v53, v6;
	v33 =	vld [tilespmem:s22+$0x1E10]  }
0xbe: {  	v7 =	vadd.f32 v54, v7;
	v4 =	vadd.f32 v55, v4;
	v34 =	vld [tilespmem:s22+$0x1E20]  }
0xbf: {  	v5 =	vadd.f32 v56, v5;
	v6 =	vadd.f32 v57, v6;
	v35 =	vld [tilespmem:s22+$0x1E30];
	s23 =	spop (v2sf)  }
0xc0: {  	v7 =	vadd.f32 v58, v7;
	v4 =	vadd.f32 v59, v4;
	v36 =	vld [tilespmem:s23+$0x1E00]  }
0xc1: {  	v5 =	vadd.f32 v60, v5;
	(v2sf) =	vpush v3, $0x8;
	v37 =	vld [tilespmem:s23+$0x1E10]  }
0xc2: {  	v6 =	vadd.f32 v61, v6;
	v7 =	vadd.f32 v62, v7;
	v38 =	vld [tilespmem:s23+$0x1E20]  }
0xc3: {  	(v2sf) =	vpush v3, $0x9;
	v39 =	vld [tilespmem:s23+$0x1E30];
	s24 =	spop (v2sf);
	v4 =	vadd.f32 v63, v4  }
0xc4: {  	(v2sf) =	vpush v3, $0xA;
	v40 =	vld [tilespmem:s24+$0x1E00];
	v5 =	vadd.f32 v29, v5  }
0xc5: {  	v41 =	vld [tilespmem:s24+$0x1E10];
	v6 =	vadd.f32 v30, v6;
	v4 =	vadd.f32 v32, v4  }
0xc6: {  	v42 =	vld [tilespmem:s24+$0x1E20];
	v7 =	vadd.f32 v31, v7;
	v5 =	vadd.f32 v33, v5  }
0xc7: {  	v43 =	vld [tilespmem:s24+$0x1E30];
	v6 =	vadd.f32 v34, v6;
	v4 =	vadd.f32 v36, v4  }
0xc8: {  	v7 =	vadd.f32 v35, v7;
	v5 =	vadd.f32 v37, v5  }
0xc9: {  	v6 =	vadd.f32 v38, v6;
	v4 =	vadd.f32 v40, v4  }
0xca: {  	v7 =	vadd.f32 v39, v7;
	v5 =	vadd.f32 v41, v5  }
0xcb: {  	v6 =	vadd.f32 v42, v6;
	v4 =	vmul.f32 $5.000000070e-02, v4  }
0xcc: {  	v7 =	vadd.f32 v43, v7;
	v5 =	vmul.f32 $5.000000070e-02, v5  }
0xcd: {  	(v2sf) =	vpush v3, $0xB;
	v44 =	vmul.f32 $5.000000070e-02, v6;
	[tilespmem:s11+$0xFFFFFFC0] =	vst v4  }
0xce: {  	v45 =	vmul.f32 $5.000000070e-02, v7;
	[tilespmem:s11+$0xFFFFFFD0] =	vst v5  }
0xcf: {  	[tilespmem:s11+$0xFFFFFFE0] =	vst v44  }
0xd0: {  	s25 =	spop (v2sf);
	[tilespmem:s11+$0xFFFFFFF0] =	vst v45  }
0xd1: {  	(v2sf) =	vpush v3, $0xC;
	v4 =	vld [tilespmem:s25+$0x1E00]  }
0xd2: {  	v5 =	vld [tilespmem:s25+$0x1E10]  }
0xd3: {  	v46 =	vld [tilespmem:s25+$0x1E20]  }
0xd4: {  	s26 =	spop (v2sf);
	v47 =	vld [tilespmem:s25+$0x1E30]  }
0xd5: {  	(v2sf) =	vpush v3, $0xD;
	v8 =	vld [tilespmem:s26+$0x1E00]  }
0xd6: {  	v9 =	vld [tilespmem:s26+$0x1E10]  }
0xd7: {  	v10 =	vld [tilespmem:s26+$0x1E20]  }
0xd8: {  	v11 =	vld [tilespmem:s26+$0x1E30];
	s28 =	spop (v2sf)  }
0xd9: {  	(v2sf) =	vpush v3, $0xE;
	v12 =	vld [tilespmem:s28+$0x1E00]  }
0xda: {  	v13 =	vld [tilespmem:s28+$0x1E10]  }
0xdb: {  	v48 =	vld [tilespmem:s28+$0x1E20]  }
0xdc: {  	v49 =	vld [tilespmem:s28+$0x1E30];
	s29 =	spop (v2sf)  }
0xdd: {  	(v2sf) =	vpush v3, $0xF;
	v50 =	vld [tilespmem:s29+$0x1E00]  }
0xde: {  	v3 =	vld [tilespmem:s29+$0x1E10]  }
0xdf: {  	v2 =	vshll.u32 v2, $0x8;
	v51 =	vld [tilespmem:s29+$0x1E20]  }
0xe0: {  	v2 =	vshra.s32 v2, $0x2;
	v52 =	vld [tilespmem:s29+$0x1E30];
	s30 =	spop (v2sf)  }
0xe1: {  	(v2sf) =	vpush v2, $0x0;
	v19 =	vld [tilespmem:s30+$0x1E00]  }
0xe2: {  	v53 =	vld [tilespmem:s30+$0x1E10]  }
0xe3: {  	v21 =	vld [tilespmem:s30+$0x1E20]  }
0xe4: {  	v54 =	vld [tilespmem:s30+$0x1E30];
	s31 =	spop (v2sf)  }
0xe5: {  	(v2sf) =	vpush v2, $0x1;
	v23 =	vld [tilespmem:s31+$0x1E00]  }
0xe6: {  	v55 =	vld [tilespmem:s31+$0x1E10]  }
0xe7: {  	v56 =	vld [tilespmem:s31+$0x1E20]  }
0xe8: {  	v26 =	vld [tilespmem:s31+$0x1E30];
	s14 =	spop (v2sf)  }
0xe9: {  	(v2sf) =	vpush v2, $0x2;
	v57 =	vld [tilespmem:s14+$0x1E00]  }
0xea: {  	v28 =	vld [tilespmem:s14+$0x1E10]  }
0xeb: {  	v58 =	vld [tilespmem:s14+$0x1E20]  }
0xec: {  	v30 =	vld [tilespmem:s14+$0x1E30];
	s15 =	spop (v2sf)  }
0xed: {  	(v2sf) =	vpush v2, $0x3;
	v59 =	vld [tilespmem:s15+$0x1E00]  }
0xee: {  	v60 =	vld [tilespmem:s15+$0x1E10]  }
0xef: {  	v33 =	vld [tilespmem:s15+$0x1E20]  }
0xf0: {  	v61 =	vld [tilespmem:s15+$0x1E30];
	s16 =	spop (v2sf)  }
0xf1: {  	(v2sf) =	vpush v2, $0x4;
	v35 =	vld [tilespmem:s16+$0x1E00]  }
0xf2: {  	v62 =	vld [tilespmem:s16+$0x1E10]  }
0xf3: {  	v37 =	vld [tilespmem:s16+$0x1E20]  }
0xf4: {  	v63 =	vld [tilespmem:s16+$0x1E30];
	s17 =	spop (v2sf)  }
0xf5: {  	(v2sf) =	vpush v2, $0x5;
	v39 =	vld [tilespmem:s17+$0x1E00]  }
0xf6: {  	v40 =	vld [tilespmem:s17+$0x1E10]  }
0xf7: {  	v41 =	vld [tilespmem:s17+$0x1E20]  }
0xf8: {  	v4 =	vadd.f32 $0.0e+00, v4;
	v42 =	vld [tilespmem:s17+$0x1E30];
	s18 =	spop (v2sf)  }
0xf9: {  	v5 =	vadd.f32 $0.0e+00, v5;
	(v2sf) =	vpush v2, $0x6;
	v43 =	vld [tilespmem:s18+$0x1E00]  }
0xfa: {  	v6 =	vadd.f32 $0.0e+00, v46;
	v7 =	vadd.f32 $0.0e+00, v47;
	v44 =	vld [tilespmem:s18+$0x1E10]  }
0xfb: {  	v4 =	vadd.f32 v8, v4;
	v5 =	vadd.f32 v9, v5;
	v45 =	vld [tilespmem:s18+$0x1E20]  }
0xfc: {  	v6 =	vadd.f32 v10, v6;
	v7 =	vadd.f32 v11, v7;
	v46 =	vld [tilespmem:s18+$0x1E30];
	s19 =	spop (v2sf)  }
0xfd: {  	v4 =	vadd.f32 v12, v4;
	(v2sf) =	vpush v2, $0x7;
	v47 =	vld [tilespmem:s19+$0x1E00]  }
0xfe: {  	v5 =	vadd.f32 v13, v5;
	v6 =	vadd.f32 v48, v6;
	v48 =	vld [tilespmem:s19+$0x1E10]  }
0xff: {  	v7 =	vadd.f32 v49, v7;
	v4 =	vadd.f32 v50, v4;
	v49 =	vld [tilespmem:s19+$0x1E20]  }
0x100: {  	v3 =	vadd.f32 v3, v5;
	v50 =	vadd.f32 v51, v6;
	v51 =	vld [tilespmem:s19+$0x1E30];
	s20 =	spop (v2sf)  }
0x101: {  	v7 =	vadd.f32 v52, v7;
	(v2sf) =	vpush v2, $0x8;
	v52 =	vld [tilespmem:s20+$0x1E00]  }
0x102: {  	v4 =	vadd.f32 v19, v4;
	v3 =	vadd.f32 v53, v3;
	v53 =	vld [tilespmem:s20+$0x1E10]  }
0x103: {  	v5 =	vadd.f32 v21, v50;
	v7 =	vadd.f32 v54, v7;
	v54 =	vld [tilespmem:s20+$0x1E20]  }
0x104: {  	v4 =	vadd.f32 v23, v4;
	v3 =	vadd.f32 v55, v3;
	v55 =	vld [tilespmem:s20+$0x1E30];
	s21 =	spop (v2sf)  }
0x105: {  	v5 =	vadd.f32 v56, v5;
	(v2sf) =	vpush v2, $0x9;
	v56 =	vld [tilespmem:s21+$0x1E00]  }
0x106: {  	v7 =	vadd.f32 v26, v7;
	v4 =	vadd.f32 v57, v4;
	v57 =	vld [tilespmem:s21+$0x1E10]  }
0x107: {  	v3 =	vadd.f32 v28, v3;
	v5 =	vadd.f32 v58, v5;
	v58 =	vld [tilespmem:s21+$0x1E20]  }
0x108: {  	v7 =	vadd.f32 v30, v7;
	v4 =	vadd.f32 v59, v4;
	v59 =	vld [tilespmem:s21+$0x1E30];
	s22 =	spop (v2sf)  }
0x109: {  	v3 =	vadd.f32 v60, v3;
	(v2sf) =	vpush v2, $0xA;
	v60 =	vld [tilespmem:s22+$0x1E00]  }
0x10a: {  	v5 =	vadd.f32 v33, v5;
	v7 =	vadd.f32 v61, v7;
	v61 =	vld [tilespmem:s22+$0x1E10]  }
0x10b: {  	v4 =	vadd.f32 v35, v4;
	v3 =	vadd.f32 v62, v3;
	v62 =	vld [tilespmem:s22+$0x1E20]  }
0x10c: {  	v5 =	vadd.f32 v37, v5;
	v7 =	vadd.f32 v63, v7;
	v63 =	vld [tilespmem:s22+$0x1E30];
	s23 =	spop (v2sf)  }
0x10d: {  	v4 =	vadd.f32 v39, v4;
	(v2sf) =	vpush v2, $0xB;
	v30 =	vld [tilespmem:s23+$0x1E00]  }
0x10e: {  	v3 =	vadd.f32 v40, v3;
	v5 =	vadd.f32 v41, v5;
	v31 =	vld [tilespmem:s23+$0x1E10]  }
0x10f: {  	v7 =	vadd.f32 v42, v7;
	v4 =	vadd.f32 v43, v4;
	v32 =	vld [tilespmem:s23+$0x1E20]  }
0x110: {  	v3 =	vadd.f32 v44, v3;
	v5 =	vadd.f32 v45, v5;
	v33 =	vld [tilespmem:s23+$0x1E30];
	s24 =	spop (v2sf)  }
0x111: {  	v7 =	vadd.f32 v46, v7;
	v4 =	vadd.f32 v47, v4;
	v34 =	vld [tilespmem:s24+$0x1E00]  }
0x112: {  	v3 =	vadd.f32 v48, v3;
	v5 =	vadd.f32 v49, v5;
	v35 =	vld [tilespmem:s24+$0x1E10]  }
0x113: {  	v6 =	vadd.f32 v51, v7;
	v4 =	vadd.f32 v52, v4;
	v36 =	vld [tilespmem:s24+$0x1E20]  }
0x114: {  	v3 =	vadd.f32 v53, v3;
	v5 =	vadd.f32 v54, v5;
	v37 =	vld [tilespmem:s24+$0x1E30];
	s25 =	spop (v2sf)  }
0x115: {  	v6 =	vadd.f32 v55, v6;
	v4 =	vadd.f32 v56, v4;
	v38 =	vld [tilespmem:s25+$0x1E00]  }
0x116: {  	v3 =	vadd.f32 v57, v3;
	v5 =	vadd.f32 v58, v5;
	v39 =	vld [tilespmem:s25+$0x1E10]  }
0x117: {  	v6 =	vadd.f32 v59, v6;
	v4 =	vadd.f32 v60, v4;
	v40 =	vld [tilespmem:s25+$0x1E20]  }
0x118: {  	v3 =	vadd.f32 v61, v3;
	v5 =	vadd.f32 v62, v5;
	v41 =	vld [tilespmem:s25+$0x1E30];
	s26 =	spop (v2sf)  }
0x119: {  	v6 =	vadd.f32 v63, v6;
	v4 =	vadd.f32 v30, v4;
	v42 =	vld [tilespmem:s26+$0x1E00]  }
0x11a: {  	v3 =	vadd.f32 v31, v3;
	(v2sf) =	vpush v2, $0xC;
	v43 =	vld [tilespmem:s26+$0x1E10]  }
0x11b: {  	v5 =	vadd.f32 v32, v5;
	v6 =	vadd.f32 v33, v6;
	v44 =	vld [tilespmem:s26+$0x1E20]  }
0x11c: {  	(v2sf) =	vpush v2, $0xD;
	v45 =	vld [tilespmem:s26+$0x1E30];
	s28 =	spop (v2sf);
	v4 =	vadd.f32 v34, v4  }
0x11d: {  	(v2sf) =	vpush v2, $0xE;
	v46 =	vld [tilespmem:s28+$0x1E00];
	v3 =	vadd.f32 v35, v3  }
0x11e: {  	v47 =	vld [tilespmem:s28+$0x1E10];
	v5 =	vadd.f32 v36, v5;
	v4 =	vadd.f32 v38, v4  }
0x11f: {  	v48 =	vld [tilespmem:s28+$0x1E20];
	v6 =	vadd.f32 v37, v6;
	v3 =	vadd.f32 v39, v3  }
0x120: {  	v49 =	vld [tilespmem:s28+$0x1E30];
	v5 =	vadd.f32 v40, v5;
	v4 =	vadd.f32 v42, v4  }
0x121: {  	v6 =	vadd.f32 v41, v6;
	v3 =	vadd.f32 v43, v3  }
0x122: {  	v5 =	vadd.f32 v44, v5;
	v4 =	vadd.f32 v46, v4  }
0x123: {  	v6 =	vadd.f32 v45, v6;
	v3 =	vadd.f32 v47, v3  }
0x124: {  	v5 =	vadd.f32 v48, v5;
	v4 =	vmul.f32 $5.000000070e-02, v4  }
0x125: {  	v6 =	vadd.f32 v49, v6;
	v3 =	vmul.f32 $5.000000070e-02, v3  }
0x126: {  	(v2sf) =	vpush v2, $0xF;
	v50 =	vmul.f32 $5.000000070e-02, v5;
	[tilespmem:s11+$0x0] =	vst v4  }
0x127: {  	v2 =	vmul.f32 $5.000000070e-02, v6;
	[tilespmem:s11+$0x10] =	vst v3  }
0x128: {  	v1 =	vshll.u32 v1, $0x8;
	[tilespmem:s11+$0x20] =	vst v50  }
0x129: {  	v1 =	vshra.s32 v1, $0x2;
	s29 =	spop (v2sf);
	[tilespmem:s11+$0x30] =	vst v2  }
0x12a: {  	(v2sf) =	vpush v1, $0x0;
	v2 =	vld [tilespmem:s29+$0x1E00]  }
0x12b: {  	v3 =	vld [tilespmem:s29+$0x1E10]  }
0x12c: {  	v4 =	vld [tilespmem:s29+$0x1E20]  }
0x12d: {  	s30 =	spop (v2sf);
	v5 =	vld [tilespmem:s29+$0x1E30]  }
0x12e: {  	(v2sf) =	vpush v1, $0x1;
	v51 =	vld [tilespmem:s30+$0x1E00]  }
0x12f: {  	v52 =	vld [tilespmem:s30+$0x1E10]  }
0x130: {  	v8 =	vld [tilespmem:s30+$0x1E20]  }
0x131: {  	v53 =	vld [tilespmem:s30+$0x1E30];
	s31 =	spop (v2sf)  }
0x132: {  	(v2sf) =	vpush v1, $0x2;
	v10 =	vld [tilespmem:s31+$0x1E00]  }
0x133: {  	v54 =	vld [tilespmem:s31+$0x1E10]  }
0x134: {  	v12 =	vld [tilespmem:s31+$0x1E20]  }
0x135: {  	v55 =	vld [tilespmem:s31+$0x1E30];
	s14 =	spop (v2sf)  }
0x136: {  	(v2sf) =	vpush v1, $0x3;
	v56 =	vld [tilespmem:s14+$0x1E00]  }
0x137: {  	v15 =	vld [tilespmem:s14+$0x1E10]  }
0x138: {  	v57 =	vld [tilespmem:s14+$0x1E20]  }
0x139: {  	v17 =	vld [tilespmem:s14+$0x1E30];
	s15 =	spop (v2sf)  }
0x13a: {  	(v2sf) =	vpush v1, $0x4;
	v58 =	vld [tilespmem:s15+$0x1E00]  }
0x13b: {  	v19 =	vld [tilespmem:s15+$0x1E10]  }
0x13c: {  	v59 =	vld [tilespmem:s15+$0x1E20]  }
0x13d: {  	v60 =	vld [tilespmem:s15+$0x1E30];
	s16 =	spop (v2sf)  }
0x13e: {  	(v2sf) =	vpush v1, $0x5;
	v22 =	vld [tilespmem:s16+$0x1E00]  }
0x13f: {  	v61 =	vld [tilespmem:s16+$0x1E10]  }
0x140: {  	v24 =	vld [tilespmem:s16+$0x1E20]  }
0x141: {  	v62 =	vld [tilespmem:s16+$0x1E30];
	s17 =	spop (v2sf)  }
0x142: {  	(v2sf) =	vpush v1, $0x6;
	v26 =	vld [tilespmem:s17+$0x1E00]  }
0x143: {  	v63 =	vld [tilespmem:s17+$0x1E10]  }
0x144: {  	v28 =	vld [tilespmem:s17+$0x1E20]  }
0x145: {  	v29 =	vld [tilespmem:s17+$0x1E30];
	s18 =	spop (v2sf)  }
0x146: {  	(v2sf) =	vpush v1, $0x7;
	v30 =	vld [tilespmem:s18+$0x1E00]  }
0x147: {  	v31 =	vld [tilespmem:s18+$0x1E10]  }
0x148: {  	v32 =	vld [tilespmem:s18+$0x1E20]  }
0x149: {  	v33 =	vld [tilespmem:s18+$0x1E30];
	s19 =	spop (v2sf)  }
0x14a: {  	(v2sf) =	vpush v1, $0x8;
	v34 =	vld [tilespmem:s19+$0x1E00]  }
0x14b: {  	v35 =	vld [tilespmem:s19+$0x1E10]  }
0x14c: {  	v36 =	vld [tilespmem:s19+$0x1E20]  }
0x14d: {  	v37 =	vld [tilespmem:s19+$0x1E30];
	s20 =	spop (v2sf)  }
0x14e: {  	(v2sf) =	vpush v1, $0x9;
	v38 =	vld [tilespmem:s20+$0x1E00]  }
0x14f: {  	v39 =	vld [tilespmem:s20+$0x1E10]  }
0x150: {  	v40 =	vld [tilespmem:s20+$0x1E20]  }
0x151: {  	v41 =	vld [tilespmem:s20+$0x1E30];
	s21 =	spop (v2sf)  }
0x152: {  	(v2sf) =	vpush v1, $0xA;
	v48 =	vld [tilespmem:s21+$0x1E00]  }
0x153: {  	v2 =	vadd.f32 $0.0e+00, v2;
	v49 =	vld [tilespmem:s21+$0x1E10]  }
0x154: {  	v3 =	vadd.f32 $0.0e+00, v3;
	v4 =	vadd.f32 $0.0e+00, v4;
	v50 =	vld [tilespmem:s21+$0x1E20]  }
0x155: {  	v5 =	vadd.f32 $0.0e+00, v5;
	v2 =	vadd.f32 v51, v2;
	v51 =	vld [tilespmem:s21+$0x1E30];
	s22 =	spop (v2sf)  }
0x156: {  	v3 =	vadd.f32 v52, v3;
	(v2sf) =	vpush v1, $0xB;
	v52 =	vld [tilespmem:s22+$0x1E00]  }
0x157: {  	v4 =	vadd.f32 v8, v4;
	v5 =	vadd.f32 v53, v5;
	v53 =	vld [tilespmem:s22+$0x1E10]  }
0x158: {  	v2 =	vadd.f32 v10, v2;
	v3 =	vadd.f32 v54, v3;
	v54 =	vld [tilespmem:s22+$0x1E20]  }
0x159: {  	v4 =	vadd.f32 v12, v4;
	v5 =	vadd.f32 v55, v5;
	v55 =	vld [tilespmem:s22+$0x1E30];
	s23 =	spop (v2sf)  }
0x15a: {  	v2 =	vadd.f32 v56, v2;
	(v2sf) =	vpush v1, $0xC;
	v56 =	vld [tilespmem:s23+$0x1E00]  }
0x15b: {  	v3 =	vadd.f32 v15, v3;
	v4 =	vadd.f32 v57, v4;
	v57 =	vld [tilespmem:s23+$0x1E10]  }
0x15c: {  	v5 =	vadd.f32 v17, v5;
	v2 =	vadd.f32 v58, v2;
	v58 =	vld [tilespmem:s23+$0x1E20]  }
0x15d: {  	v3 =	vadd.f32 v19, v3;
	v4 =	vadd.f32 v59, v4;
	v59 =	vld [tilespmem:s23+$0x1E30];
	s24 =	spop (v2sf)  }
0x15e: {  	v5 =	vadd.f32 v60, v5;
	(v2sf) =	vpush v1, $0xD;
	v60 =	vld [tilespmem:s24+$0x1E00]  }
0x15f: {  	v2 =	vadd.f32 v22, v2;
	v3 =	vadd.f32 v61, v3;
	v61 =	vld [tilespmem:s24+$0x1E10]  }
0x160: {  	v4 =	vadd.f32 v24, v4;
	v5 =	vadd.f32 v62, v5;
	v62 =	vld [tilespmem:s24+$0x1E20]  }
0x161: {  	v2 =	vadd.f32 v26, v2;
	v3 =	vadd.f32 v63, v3;
	v63 =	vld [tilespmem:s24+$0x1E30];
	s25 =	spop (v2sf)  }
0x162: {  	v4 =	vadd.f32 v28, v4;
	(v2sf) =	vpush v1, $0xE;
	v28 =	vld [tilespmem:s25+$0x1E00]  }
0x163: {  	v5 =	vadd.f32 v29, v5;
	v2 =	vadd.f32 v30, v2;
	v30 =	vld [tilespmem:s25+$0x1E10]  }
0x164: {  	v3 =	vadd.f32 v31, v3;
	v4 =	vadd.f32 v32, v4;
	v32 =	vld [tilespmem:s25+$0x1E20]  }
0x165: {  	v5 =	vadd.f32 v33, v5;
	v2 =	vadd.f32 v34, v2;
	v34 =	vld [tilespmem:s25+$0x1E30];
	s26 =	spop (v2sf)  }
0x166: {  	v3 =	vadd.f32 v35, v3;
	(v2sf) =	vpush v1, $0xF;
	v1 =	vld [tilespmem:s26+$0x1E00]  }
0x167: {  	v4 =	vadd.f32 v36, v4;
	v2 =	vadd.f32 v38, v2;
	v45 =	vld [tilespmem:s26+$0x1E10]  }
0x168: {  	v5 =	vadd.f32 v37, v5;
	v3 =	vadd.f32 v39, v3;
	v46 =	vld [tilespmem:s26+$0x1E20]  }
0x169: {  	v4 =	vadd.f32 v40, v4;
	v2 =	vadd.f32 v48, v2;
	v47 =	vld [tilespmem:s26+$0x1E30];
	s28 =	spop (v2sf)  }
0x16a: {  	v5 =	vadd.f32 v41, v5;
	v3 =	vadd.f32 v49, v3;
	v48 =	vld [tilespmem:s28+$0x1E00]  }
0x16b: {  	v4 =	vadd.f32 v50, v4;
	v2 =	vadd.f32 v52, v2;
	v49 =	vld [tilespmem:s28+$0x1E10]  }
0x16c: {  	v5 =	vadd.f32 v51, v5;
	v3 =	vadd.f32 v53, v3;
	v50 =	vld [tilespmem:s28+$0x1E20]  }
0x16d: {  	v4 =	vadd.f32 v54, v4;
	v2 =	vadd.f32 v56, v2;
	v51 =	vld [tilespmem:s28+$0x1E30];
	s29 =	spop (v2sf)  }
0x16e: {  	v5 =	vadd.f32 v55, v5;
	v3 =	vadd.f32 v57, v3;
	v52 =	vld [tilespmem:s29+$0x1E00]  }
0x16f: {  	v4 =	vadd.f32 v58, v4;
	v2 =	vadd.f32 v60, v2;
	v53 =	vld [tilespmem:s29+$0x1E10]  }
0x170: {  	v5 =	vadd.f32 v59, v5;
	v3 =	vadd.f32 v61, v3;
	v54 =	vld [tilespmem:s29+$0x1E20]  }
0x171: {  	v4 =	vadd.f32 v62, v4;
	v2 =	vadd.f32 v28, v2;
	v55 =	vld [tilespmem:s29+$0x1E30];
	s30 =	spop (v2sf)  }
0x172: {  	v5 =	vadd.f32 v63, v5;
	v3 =	vadd.f32 v30, v3;
	v56 =	vld [tilespmem:s30+$0x1E00]  }
0x173: {  	v4 =	vadd.f32 v32, v4;
	v1 =	vadd.f32 v1, v2;
	v2 =	vld [tilespmem:s30+$0x1E10]  }
0x174: {  	v5 =	vadd.f32 v34, v5;
	v3 =	vadd.f32 v45, v3;
	v57 =	vld [tilespmem:s30+$0x1E20]  }
0x175: {  	v4 =	vadd.f32 v46, v4;
	v58 =	vld [tilespmem:s30+$0x1E30];
	s31 =	spop (v2sf);
	v1 =	vadd.f32 v48, v1  }
0x176: {  	v5 =	vadd.f32 v47, v5;
	v59 =	vld [tilespmem:s31+$0x1E00];
	v3 =	vadd.f32 v49, v3  }
0x177: {  	v60 =	vld [tilespmem:s31+$0x1E10];
	v4 =	vadd.f32 v50, v4;
	v1 =	vadd.f32 v52, v1  }
0x178: {  	v61 =	vld [tilespmem:s31+$0x1E20];
	v5 =	vadd.f32 v51, v5;
	v3 =	vadd.f32 v53, v3  }
0x179: {  	v62 =	vld [tilespmem:s31+$0x1E30];
	v4 =	vadd.f32 v54, v4;
	v1 =	vadd.f32 v56, v1  }
0x17a: {  	v5 =	vadd.f32 v55, v5;
	v2 =	vadd.f32 v2, v3  }
0x17b: {  	v3 =	vadd.f32 v57, v4;
	v1 =	vadd.f32 v59, v1  }
0x17c: {  	v63 =	vadd.f32 v58, v5;
	v2 =	vadd.f32 v60, v2  }
0x17d: {  	p0 =	sne.s32 s12, $0x76C0;
	v3 =	vadd.f32 v61, v3;
	v1 =	vmul.f32 $5.000000070e-02, v1  }
.Ltmp0:
0x17e: {  	v4 =	vadd.f32 v62, v63;
	v2 =	vmul.f32 $5.000000070e-02, v2;
	(pc) =	sbr.rel @p0 .LBB2_2-.Ltmp0, $4  }
0x17f: {  	[tilespmem:s11+$0x40] =	vst v1;
	v1 =	vmul.f32 $5.000000070e-02, v3  }
0x180: {  	[tilespmem:s11+$0x50] =	vst v2;
	v2 =	vmul.f32 $5.000000070e-02, v4  }
0x181: {  	[tilespmem:s11+$0x60] =	vst v1  }
0x182: {  	s12 =	sadd.s32 $0x140, s12;
	[tilespmem:s11+$0x70] =	vst v2;
	s11 =	sadd.s32 $0x100, s11  }
0x183: {  	s10 =	sadd.s32 $0x1, s10  }
0x184: {  	p0 =	sne.s32 s10, s6  }
.Ltmp1:
0x185: {  	_ = 	snop;
	(pc) =	sbr.rel @p0 .LBB2_1-.Ltmp1, $4  }
0x186: {  	[hbm4b:s5+s2] =	stream.linear.scatter [tilespmem:s9], [sflag:$0x1], $0x6000, $0x38;
	[tilespmem:$0xBE80] =	vst v63  }
0x187: {  	_ =	swait.ge [sflag:s7], $0x6000  }
0x188: {  	[sflag:s7] =	ssyncset.done $0x0  }
0x189: {  	[sflag:s7] =	ssyncadd.s32 $0xFFFFA000  }
0x18a: {  	_ =	sfence.sel $0x180000  }
0x18b: {  	[bflag:$0x0] =	sbarrier.arrive $0xFFFF  }
0x18c: {  	p0 =	sne.s32 s0, $0x0;
	_ =	strace $0x90000047  }
0x18d: {  	s0 =	sadd.s32 @!p0 $0x100000, s1;
	[bflag:$0x2] =	sbarrier.arrive $0xFFFF  }
0x18e: {  	[sflag:s0] =	ssyncadd.tile.s32 @!p0 $0x1;
	_ =	shalt  }
.Lfunc_end2:
_tile_overlayer_lowered:
.L_overlay_start_2:
0x18f: {  	(tag) =	ssettag $0x2  }
0x190: {  	s0 =	rddreg [dreg:$0x0];
	s2 =	stileid.u32  }
0x191: {  	s1 =	rddreg [dreg:$0x1];
	p0 =	sne.s32 s2, $0x0  }
0x192: {  	s3 =	rddreg [dreg:$0x2];
	[bflag:$0x3] =	sbarrier.arrive $0xFFFF;
	s2 =	simm.s32 @!p0 $0x1C01  }
0x193: {  	[timem:s3], [sflag:s2] =	dma.local @!p0 [hbm:s0], s1  }
0x194: {  	s0 =	simm.s32 @!p0 $0x1  }
0x195: {  	_ =	swait.ge @!p0 [sflag:s0], s1  }
0x196: {  	s1 =	ssub.s32 @!p0 $0x0, s1;
	[sflag:s0] =	ssyncset.done @!p0 $0x0  }
0x197: {  	[sflag:s0] =	ssyncadd.s32 @!p0 s1  }
0x198: {  	[bflag:$0x3] =	sbarrier.arrive $0xFFFF  }
0x199: {  	_ =	shalt  }

</sc_bundles>
